<compile_context>
chip_gen: v7x
topology: tpu7x:2x2x1
jax: 0.10.2.dev20260603
libtpu: 0.0.44.dev20260713+nightly
codegen_flags: <defaults>
</compile_context>

<pallas_src>
import functools

import jax
import jax.numpy as jnp
from jax import lax
from jax.experimental import pallas as pl
from jax.experimental.pallas import tpu as pltpu
from jax.experimental.pallas import tpu_sc as plsc

_T = 16384
_L = 20
_V = 14
_VP = 16
_D = 128
_NW = 32
_CHUNK = _T // _NW
_GROUPS = _CHUNK // 16


def _counts_body(idx_hbm, cnt_hbm, idx_v, cnt_v, sem):
    wid = lax.axis_index("s") * 2 + lax.axis_index("c")
    base = wid * _CHUNK
    pltpu.sync_copy(idx_hbm.at[pl.ds(base * _L, _CHUNK * _L)], idx_v)

    zeros = jnp.zeros((16,), jnp.float32)

    def group(g, _):
        tloc = g * 16 + lax.iota(jnp.int32, 16)
        addr0 = tloc * _L
        cnts = [zeros for _ in range(_V)]
        for l in range(_L):
            cl = plsc.load_gather(idx_v, [addr0 + l])
            for v in range(_V):
                cnts[v] = cnts[v] + jnp.where(cl == v, 1.0, 0.0)
        caddr = tloc * _VP
        for v in range(_V):
            plsc.store_scatter(cnt_v, [caddr + v], cnts[v])
        plsc.store_scatter(cnt_v, [caddr + _V], zeros)
        plsc.store_scatter(cnt_v, [caddr + _V + 1], zeros)
        return 0

    lax.fori_loop(0, _GROUPS, group, 0)
    pltpu.sync_copy(cnt_v, cnt_hbm.at[pl.ds(base * _VP, _CHUNK * _VP)])


_counts_call = functools.partial(
    pl.kernel,
    out_type=jax.ShapeDtypeStruct((_T * _VP,), jnp.float32),
    mesh=plsc.VectorSubcoreMesh(core_axis_name="c", subcore_axis_name="s"),
    scratch_types=[
        pltpu.VMEM((_CHUNK * _L,), jnp.int32),
        pltpu.VMEM((_CHUNK * _VP,), jnp.float32),
        pltpu.SemaphoreType.DMA,
    ],
    compiler_params=pltpu.CompilerParams(needs_layout_passes=False),
)(_counts_body)


def _matmul_body(cnt_ref, tab_ref, out_ref):
    out_ref[...] = jnp.dot(
        cnt_ref[...], tab_ref[...], preferred_element_type=jnp.float32
    ) * (1.0 / _L)


_TB = 2048

_matmul_call = pl.pallas_call(
    _matmul_body,
    grid=(_T // _TB,),
    in_specs=[
        pl.BlockSpec((_TB, _VP), lambda i: (i, 0)),
        pl.BlockSpec((_VP, _D), lambda i: (0, 0)),
    ],
    out_specs=pl.BlockSpec((_TB, _D), lambda i: (i, 0)),
    out_shape=jax.ShapeDtypeStruct((_T, _D), jnp.float32),
)


@jax.jit
def kernel(char_indices, char_embedding):
    idx_flat = char_indices.astype(jnp.int32).reshape(-1)
    cnt = _counts_call(idx_flat).reshape(_T, _VP)
    tab_pad = jnp.concatenate(
        [char_embedding, jnp.zeros((_VP - _V, _D), jnp.float32)], axis=0
    )
    return _matmul_call(cnt, tab_pad)

# --- scband reference (transcript-rebuilt; emitter-appended) ---
"""Pipeline reference for scband-text-based-embedding-57690000720007 (READ-ONLY COPY).

The authoritative reference and input builder live on the scoring server;
editing this copy changes nothing except your own understanding.
"""

import jax, jax.numpy as jnp
import numpy as np

VOCAB_SIZE = 14
D_MODEL = 128
T = 16384
L = 20

def setup_inputs(seed: int = 0) -> dict:
    key = jax.random.key(seed)
    k1, k2 = jax.random.split(key)
    # Pre-tokenized character indices: each timestep's serialized string is
    # represented as L=20 character indices into the 14-symbol vocab.
    char_indices = jax.random.randint(k1, (T, L), 0, VOCAB_SIZE)
    # Learned character embedding table, xavier_uniform init as in the torch module.
    limit = float(np.sqrt(6.0 / (VOCAB_SIZE + D_MODEL)))
    char_embedding = jax.random.uniform(k2, (VOCAB_SIZE, D_MODEL), minval=-limit, maxval=limit, dtype=jnp.float32)
    return {"char_indices": char_indices, "char_embedding": char_embedding}

def reference(char_indices, char_embedding):
    # For each timestep: look up every character's embedding, then mean-pool
    # over the characters -> one [d_model] vector per timestep.
    char_embs = jnp.take(char_embedding, char_indices, axis=0)  # [T, L, d_model]
    value_embs = char_embs.mean(axis=1)                          # [T, d_model]
    return value_embs

if __name__ == "__main__":
    import jax
    _d = setup_inputs()
    print(jax.jit(kernel)(*tuple(_d.values())))

</pallas_src>

<mosaic_0001>
#map = affine_map<(d0, d1) -> (0)>
module attributes {stable_mosaic.version = 14 : i64} {
  func.func @_counts_body(%arg0: i32, %arg1: i32, %arg2: memref<327680xi32, #tpu.memory_space<hbm>>, %arg3: memref<262144xf32, #tpu.memory_space<hbm>>, %arg4: memref<10240xi32, #tpu.memory_space<vmem>>, %arg5: memref<8192xf32, #tpu.memory_space<vmem>>, %arg6: memref<!tpu.dma_semaphore, #tpu.memory_space<semaphore_mem>>) attributes {dimension_semantics = [#tpu.dimension_semantics<core_parallel>, #tpu.dimension_semantics<subcore_parallel>], iteration_bounds = array<i64: 2, 16>, scalar_prefetch = 0 : i64, scratch_operands = 3 : i64, tpu.core_type = #tpu.core_type<sc_vector_subcore>, window_params = [{transform_indices = #map}, {transform_indices = #map}]} {
    %mul3A = arith.constant 2 : i32
    %mul3A_0 = arith.muli %arg1, %mul3A : i32
    %add3A = arith.addi %mul3A_0, %arg0 : i32
    %mul3A_1 = arith.constant 512 : i32
    %mul3A_2 = arith.muli %add3A, %mul3A_1 : i32
    %mul3A_3 = arith.constant 20 : i32
    %mul3A_4 = arith.muli %mul3A_2, %mul3A_3 : i32
    "tpu.region"() ({
      %run_scoped3A = tpu.sem_alloc : memref<!tpu.dma_semaphore, #tpu.memory_space<semaphore_mem>>
      %dma_start3A = tpu.memref_slice %arg2[%mul3A_4] : memref<327680xi32, #tpu.memory_space<hbm>> -> memref<10240xi32, #tpu.memory_space<hbm>>
      %dma_start3A_14 = tpu.memref_slice %arg2[%mul3A_4] : memref<327680xi32, #tpu.memory_space<hbm>> -> memref<10240xi32, #tpu.memory_space<hbm>>
      tpu.enqueue_dma source(%dma_start3A_14 : memref<10240xi32, #tpu.memory_space<hbm>>) target(%arg4 : memref<10240xi32, #tpu.memory_space<vmem>>) target_semaphore(%run_scoped3A : memref<!tpu.dma_semaphore, #tpu.memory_space<semaphore_mem>>)
      %dma_wait3A = tpu.memref_slice %arg2[%mul3A_4] : memref<327680xi32, #tpu.memory_space<hbm>> -> memref<10240xi32, #tpu.memory_space<hbm>>
      %dma_wait3A_15 = tpu.memref_slice %arg2[%mul3A_4] : memref<327680xi32, #tpu.memory_space<hbm>> -> memref<10240xi32, #tpu.memory_space<hbm>>
      tpu.wait_dma2 semaphore(%run_scoped3A : memref<!tpu.dma_semaphore, #tpu.memory_space<semaphore_mem>>) src(%dma_wait3A_15 : memref<10240xi32, #tpu.memory_space<hbm>>) dst(%arg4 : memref<10240xi32, #tpu.memory_space<vmem>>)
      tpu.yield
    }) : () -> ()
    %broadcast_in_dim3A = arith.constant 0.000000e+00 : f32
    %broadcast_in_dim3A_5 = vector.broadcast %broadcast_in_dim3A : f32 to vector<16xf32>
    %scan3A = arith.constant 0 : i32
    %scan3A_6 = arith.constant 0 : i32
    %scan3A_7 = arith.constant 32 : i32
    %scan3A_8 = arith.addi %scan3A_6, %scan3A_7 : i32
    %scan3A_9 = arith.constant 1 : i32
    %scan3A_10 = scf.for %scan3A_14 = %scan3A_6 to %scan3A_8 step %scan3A_9 iter_args(%scan3A_15 = %scan3A) -> (i32)  : i32 {
      %mul3A_16 = arith.constant 16 : i32
      %mul3A_17 = arith.muli %scan3A_14, %mul3A_16 : i32
      %iota3A = tpu.iota {dimensions = array<i32: 0>} : vector<16xi32>
      %add3A_18 = vector.broadcast %mul3A_17 : i32 to vector<16xi32>
      %add3A_19 = arith.addi %add3A_18, %iota3A : vector<16xi32>
      %mul3A_20 = arith.constant 20 : i32
      %mul3A_21 = vector.broadcast %mul3A_20 : i32 to vector<16xi32>
      %mul3A_22 = arith.muli %add3A_19, %mul3A_21 : vector<16xi32>
      %add3A_23 = arith.constant 0 : i32
      %add3A_24 = vector.broadcast %add3A_23 : i32 to vector<16xi32>
      %add3A_25 = arith.addi %mul3A_22, %add3A_24 : vector<16xi32>
      %gather3A = tpu.vector_load_idx %arg4[%add3A_25] : memref<10240xi32, #tpu.memory_space<vmem>>[vector<16xi32>], vector<16xi32>,
      %eq3A = arith.constant 0 : i32
      %eq3A_26 = vector.broadcast %eq3A : i32 to vector<16xi32>
      %eq3A_27 = arith.cmpi eq, %gather3A, %eq3A_26 : vector<16xi32>
      %jit3A = arith.constant 1.000000e+00 : f32
      %jit3A_28 = arith.constant 0.000000e+00 : f32
      %broadcast_in_dim3A_29 = vector.broadcast %jit3A : f32 to vector<16xf32>
      %broadcast_in_dim3A_30 = vector.broadcast %jit3A_28 : f32 to vector<16xf32>
      %select_n3A = arith.select %eq3A_27, %broadcast_in_dim3A_29, %broadcast_in_dim3A_30 : vector<16xi1>, vector<16xf32>
      %add3A_31 = arith.addf %broadcast_in_dim3A_5, %select_n3A : vector<16xf32>
      %eq3A_32 = arith.constant 1 : i32
      %eq3A_33 = vector.broadcast %eq3A_32 : i32 to vector<16xi32>
      %eq3A_34 = arith.cmpi eq, %gather3A, %eq3A_33 : vector<16xi32>
      %jit3A_35 = arith.constant 1.000000e+00 : f32
      %jit3A_36 = arith.constant 0.000000e+00 : f32
      %broadcast_in_dim3A_37 = vector.broadcast %jit3A_35 : f32 to vector<16xf32>
      %broadcast_in_dim3A_38 = vector.broadcast %jit3A_36 : f32 to vector<16xf32>
      %select_n3A_39 = arith.select %eq3A_34, %broadcast_in_dim3A_37, %broadcast_in_dim3A_38 : vector<16xi1>, vector<16xf32>
      %add3A_40 = arith.addf %broadcast_in_dim3A_5, %select_n3A_39 : vector<16xf32>
      %eq3A_41 = arith.constant 2 : i32
      %eq3A_42 = vector.broadcast %eq3A_41 : i32 to vector<16xi32>
      %eq3A_43 = arith.cmpi eq, %gather3A, %eq3A_42 : vector<16xi32>
      %jit3A_44 = arith.constant 1.000000e+00 : f32
      %jit3A_45 = arith.constant 0.000000e+00 : f32
      %broadcast_in_dim3A_46 = vector.broadcast %jit3A_44 : f32 to vector<16xf32>
      %broadcast_in_dim3A_47 = vector.broadcast %jit3A_45 : f32 to vector<16xf32>
      %select_n3A_48 = arith.select %eq3A_43, %broadcast_in_dim3A_46, %broadcast_in_dim3A_47 : vector<16xi1>, vector<16xf32>
      %add3A_49 = arith.addf %broadcast_in_dim3A_5, %select_n3A_48 : vector<16xf32>
      %eq3A_50 = arith.constant 3 : i32
      %eq3A_51 = vector.broadcast %eq3A_50 : i32 to vector<16xi32>
      %eq3A_52 = arith.cmpi eq, %gather3A, %eq3A_51 : vector<16xi32>
      %jit3A_53 = arith.constant 1.000000e+00 : f32
      %jit3A_54 = arith.constant 0.000000e+00 : f32
      %broadcast_in_dim3A_55 = vector.broadcast %jit3A_53 : f32 to vector<16xf32>
      %broadcast_in_dim3A_56 = vector.broadcast %jit3A_54 : f32 to vector<16xf32>
      %select_n3A_57 = arith.select %eq3A_52, %broadcast_in_dim3A_55, %broadcast_in_dim3A_56 : vector<16xi1>, vector<16xf32>
      %add3A_58 = arith.addf %broadcast_in_dim3A_5, %select_n3A_57 : vector<16xf32>
      %eq3A_59 = arith.constant 4 : i32
      %eq3A_60 = vector.broadcast %eq3A_59 : i32 to vector<16xi32>
      %eq3A_61 = arith.cmpi eq, %gather3A, %eq3A_60 : vector<16xi32>
      %jit3A_62 = arith.constant 1.000000e+00 : f32
      %jit3A_63 = arith.constant 0.000000e+00 : f32
      %broadcast_in_dim3A_64 = vector.broadcast %jit3A_62 : f32 to vector<16xf32>
      %broadcast_in_dim3A_65 = vector.broadcast %jit3A_63 : f32 to vector<16xf32>
      %select_n3A_66 = arith.select %eq3A_61, %broadcast_in_dim3A_64, %broadcast_in_dim3A_65 : vector<16xi1>, vector<16xf32>
      %add3A_67 = arith.addf %broadcast_in_dim3A_5, %select_n3A_66 : vector<16xf32>
      %eq3A_68 = arith.constant 5 : i32
      %eq3A_69 = vector.broadcast %eq3A_68 : i32 to vector<16xi32>
      %eq3A_70 = arith.cmpi eq, %gather3A, %eq3A_69 : vector<16xi32>
      %jit3A_71 = arith.constant 1.000000e+00 : f32
      %jit3A_72 = arith.constant 0.000000e+00 : f32
      %broadcast_in_dim3A_73 = vector.broadcast %jit3A_71 : f32 to vector<16xf32>
      %broadcast_in_dim3A_74 = vector.broadcast %jit3A_72 : f32 to vector<16xf32>
      %select_n3A_75 = arith.select %eq3A_70, %broadcast_in_dim3A_73, %broadcast_in_dim3A_74 : vector<16xi1>, vector<16xf32>
      %add3A_76 = arith.addf %broadcast_in_dim3A_5, %select_n3A_75 : vector<16xf32>
      %eq3A_77 = arith.constant 6 : i32
      %eq3A_78 = vector.broadcast %eq3A_77 : i32 to vector<16xi32>
      %eq3A_79 = arith.cmpi eq, %gather3A, %eq3A_78 : vector<16xi32>
      %jit3A_80 = arith.constant 1.000000e+00 : f32
      %jit3A_81 = arith.constant 0.000000e+00 : f32
      %broadcast_in_dim3A_82 = vector.broadcast %jit3A_80 : f32 to vector<16xf32>
      %broadcast_in_dim3A_83 = vector.broadcast %jit3A_81 : f32 to vector<16xf32>
      %select_n3A_84 = arith.select %eq3A_79, %broadcast_in_dim3A_82, %broadcast_in_dim3A_83 : vector<16xi1>, vector<16xf32>
      %add3A_85 = arith.addf %broadcast_in_dim3A_5, %select_n3A_84 : vector<16xf32>
      %eq3A_86 = arith.constant 7 : i32
      %eq3A_87 = vector.broadcast %eq3A_86 : i32 to vector<16xi32>
      %eq3A_88 = arith.cmpi eq, %gather3A, %eq3A_87 : vector<16xi32>
      %jit3A_89 = arith.constant 1.000000e+00 : f32
      %jit3A_90 = arith.constant 0.000000e+00 : f32
      %broadcast_in_dim3A_91 = vector.broadcast %jit3A_89 : f32 to vector<16xf32>
      %broadcast_in_dim3A_92 = vector.broadcast %jit3A_90 : f32 to vector<16xf32>
      %select_n3A_93 = arith.select %eq3A_88, %broadcast_in_dim3A_91, %broadcast_in_dim3A_92 : vector<16xi1>, vector<16xf32>
      %add3A_94 = arith.addf %broadcast_in_dim3A_5, %select_n3A_93 : vector<16xf32>
      %eq3A_95 = arith.constant 8 : i32
      %eq3A_96 = vector.broadcast %eq3A_95 : i32 to vector<16xi32>
      %eq3A_97 = arith.cmpi eq, %gather3A, %eq3A_96 : vector<16xi32>
      %jit3A_98 = arith.constant 1.000000e+00 : f32
      %jit3A_99 = arith.constant 0.000000e+00 : f32
      %broadcast_in_dim3A_100 = vector.broadcast %jit3A_98 : f32 to vector<16xf32>
      %broadcast_in_dim3A_101 = vector.broadcast %jit3A_99 : f32 to vector<16xf32>
      %select_n3A_102 = arith.select %eq3A_97, %broadcast_in_dim3A_100, %broadcast_in_dim3A_101 : vector<16xi1>, vector<16xf32>
      %add3A_103 = arith.addf %broadcast_in_dim3A_5, %select_n3A_102 : vector<16xf32>
      %eq3A_104 = arith.constant 9 : i32
      %eq3A_105 = vector.broadcast %eq3A_104 : i32 to vector<16xi32>
      %eq3A_106 = arith.cmpi eq, %gather3A, %eq3A_105 : vector<16xi32>
      %jit3A_107 = arith.constant 1.000000e+00 : f32
      %jit3A_108 = arith.constant 0.000000e+00 : f32
      %broadcast_in_dim3A_109 = vector.broadcast %jit3A_107 : f32 to vector<16xf32>
      %broadcast_in_dim3A_110 = vector.broadcast %jit3A_108 : f32 to vector<16xf32>
      %select_n3A_111 = arith.select %eq3A_106, %broadcast_in_dim3A_109, %broadcast_in_dim3A_110 : vector<16xi1>, vector<16xf32>
      %add3A_112 = arith.addf %broadcast_in_dim3A_5, %select_n3A_111 : vector<16xf32>
      %eq3A_113 = arith.constant 10 : i32
      %eq3A_114 = vector.broadcast %eq3A_113 : i32 to vector<16xi32>
      %eq3A_115 = arith.cmpi eq, %gather3A, %eq3A_114 : vector<16xi32>
      %jit3A_116 = arith.constant 1.000000e+00 : f32
      %jit3A_117 = arith.constant 0.000000e+00 : f32
      %broadcast_in_dim3A_118 = vector.broadcast %jit3A_116 : f32 to vector<16xf32>
      %broadcast_in_dim3A_119 = vector.broadcast %jit3A_117 : f32 to vector<16xf32>
      %select_n3A_120 = arith.select %eq3A_115, %broadcast_in_dim3A_118, %broadcast_in_dim3A_119 : vector<16xi1>, vector<16xf32>
      %add3A_121 = arith.addf %broadcast_in_dim3A_5, %select_n3A_120 : vector<16xf32>
      %eq3A_122 = arith.constant 11 : i32
      %eq3A_123 = vector.broadcast %eq3A_122 : i32 to vector<16xi32>
      %eq3A_124 = arith.cmpi eq, %gather3A, %eq3A_123 : vector<16xi32>
      %jit3A_125 = arith.constant 1.000000e+00 : f32
      %jit3A_126 = arith.constant 0.000000e+00 : f32
      %broadcast_in_dim3A_127 = vector.broadcast %jit3A_125 : f32 to vector<16xf32>
      %broadcast_in_dim3A_128 = vector.broadcast %jit3A_126 : f32 to vector<16xf32>
      %select_n3A_129 = arith.select %eq3A_124, %broadcast_in_dim3A_127, %broadcast_in_dim3A_128 : vector<16xi1>, vector<16xf32>
      %add3A_130 = arith.addf %broadcast_in_dim3A_5, %select_n3A_129 : vector<16xf32>
      %eq3A_131 = arith.constant 12 : i32
      %eq3A_132 = vector.broadcast %eq3A_131 : i32 to vector<16xi32>
      %eq3A_133 = arith.cmpi eq, %gather3A, %eq3A_132 : vector<16xi32>
      %jit3A_134 = arith.constant 1.000000e+00 : f32
      %jit3A_135 = arith.constant 0.000000e+00 : f32
      %broadcast_in_dim3A_136 = vector.broadcast %jit3A_134 : f32 to vector<16xf32>
      %broadcast_in_dim3A_137 = vector.broadcast %jit3A_135 : f32 to vector<16xf32>
      %select_n3A_138 = arith.select %eq3A_133, %broadcast_in_dim3A_136, %broadcast_in_dim3A_137 : vector<16xi1>, vector<16xf32>
      %add3A_139 = arith.addf %broadcast_in_dim3A_5, %select_n3A_138 : vector<16xf32>
      %eq3A_140 = arith.constant 13 : i32
      %eq3A_141 = vector.broadcast %eq3A_140 : i32 to vector<16xi32>
      %eq3A_142 = arith.cmpi eq, %gather3A, %eq3A_141 : vector<16xi32>
      %jit3A_143 = arith.constant 1.000000e+00 : f32
      %jit3A_144 = arith.constant 0.000000e+00 : f32
      %broadcast_in_dim3A_145 = vector.broadcast %jit3A_143 : f32 to vector<16xf32>
      %broadcast_in_dim3A_146 = vector.broadcast %jit3A_144 : f32 to vector<16xf32>
      %select_n3A_147 = arith.select %eq3A_142, %broadcast_in_dim3A_145, %broadcast_in_dim3A_146 : vector<16xi1>, vector<16xf32>
      %add3A_148 = arith.addf %broadcast_in_dim3A_5, %select_n3A_147 : vector<16xf32>
      %add3A_149 = arith.constant 1 : i32
      %add3A_150 = vector.broadcast %add3A_149 : i32 to vector<16xi32>
      %add3A_151 = arith.addi %mul3A_22, %add3A_150 : vector<16xi32>
      %gather3A_152 = tpu.vector_load_idx %arg4[%add3A_151] : memref<10240xi32, #tpu.memory_space<vmem>>[vector<16xi32>], vector<16xi32>,
      %eq3A_153 = arith.constant 0 : i32
      %eq3A_154 = vector.broadcast %eq3A_153 : i32 to vector<16xi32>
      %eq3A_155 = arith.cmpi eq, %gather3A_152, %eq3A_154 : vector<16xi32>
      %jit3A_156 = arith.constant 1.000000e+00 : f32
      %jit3A_157 = arith.constant 0.000000e+00 : f32
      %broadcast_in_dim3A_158 = vector.broadcast %jit3A_156 : f32 to vector<16xf32>
      %broadcast_in_dim3A_159 = vector.broadcast %jit3A_157 : f32 to vector<16xf32>
      %select_n3A_160 = arith.select %eq3A_155, %broadcast_in_dim3A_158, %broadcast_in_dim3A_159 : vector<16xi1>, vector<16xf32>
      %add3A_161 = arith.addf %add3A_31, %select_n3A_160 : vector<16xf32>
      %eq3A_162 = arith.constant 1 : i32
      %eq3A_163 = vector.broadcast %eq3A_162 : i32 to vector<16xi32>
      %eq3A_164 = arith.cmpi eq, %gather3A_152, %eq3A_163 : vector<16xi32>
      %jit3A_165 = arith.constant 1.000000e+00 : f32
      %jit3A_166 = arith.constant 0.000000e+00 : f32
      %broadcast_in_dim3A_167 = vector.broadcast %jit3A_165 : f32 to vector<16xf32>
      %broadcast_in_dim3A_168 = vector.broadcast %jit3A_166 : f32 to vector<16xf32>
      %select_n3A_169 = arith.select %eq3A_164, %broadcast_in_dim3A_167, %broadcast_in_dim3A_168 : vector<16xi1>, vector<16xf32>
      %add3A_170 = arith.addf %add3A_40, %select_n3A_169 : vector<16xf32>
      %eq3A_171 = arith.constant 2 : i32
      %eq3A_172 = vector.broadcast %eq3A_171 : i32 to vector<16xi32>
      %eq3A_173 = arith.cmpi eq, %gather3A_152, %eq3A_172 : vector<16xi32>
      %jit3A_174 = arith.constant 1.000000e+00 : f32
      %jit3A_175 = arith.constant 0.000000e+00 : f32
      %broadcast_in_dim3A_176 = vector.broadcast %jit3A_174 : f32 to vector<16xf32>
      %broadcast_in_dim3A_177 = vector.broadcast %jit3A_175 : f32 to vector<16xf32>
      %select_n3A_178 = arith.select %eq3A_173, %broadcast_in_dim3A_176, %broadcast_in_dim3A_177 : vector<16xi1>, vector<16xf32>
      %add3A_179 = arith.addf %add3A_49, %select_n3A_178 : vector<16xf32>
      %eq3A_180 = arith.constant 3 : i32
      %eq3A_181 = vector.broadcast %eq3A_180 : i32 to vector<16xi32>
      %eq3A_182 = arith.cmpi eq, %gather3A_152, %eq3A_181 : vector<16xi32>
      %jit3A_183 = arith.constant 1.000000e+00 : f32
      %jit3A_184 = arith.constant 0.000000e+00 : f32
      %broadcast_in_dim3A_185 = vector.broadcast %jit3A_183 : f32 to vector<16xf32>
      %broadcast_in_dim3A_186 = vector.broadcast %jit3A_184 : f32 to vector<16xf32>
      %select_n3A_187 = arith.select %eq3A_182, %broadcast_in_dim3A_185, %broadcast_in_dim3A_186 : vector<16xi1>, vector<16xf32>
      %add3A_188 = arith.addf %add3A_58, %select_n3A_187 : vector<16xf32>
      %eq3A_189 = arith.constant 4 : i32
      %eq3A_190 = vector.broadcast %eq3A_189 : i32 to vector<16xi32>
      %eq3A_191 = arith.cmpi eq, %gather3A_152, %eq3A_190 : vector<16xi32>
      %jit3A_192 = arith.constant 1.000000e+00 : f32
      %jit3A_193 = arith.constant 0.000000e+00 : f32
      %broadcast_in_dim3A_194 = vector.broadcast %jit3A_192 : f32 to vector<16xf32>
      %broadcast_in_dim3A_195 = vector.broadcast %jit3A_193 : f32 to vector<16xf32>
      %select_n3A_196 = arith.select %eq3A_191, %broadcast_in_dim3A_194, %broadcast_in_dim3A_195 : vector<16xi1>, vector<16xf32>
      %add3A_197 = arith.addf %add3A_67, %select_n3A_196 : vector<16xf32>
      %eq3A_198 = arith.constant 5 : i32
      %eq3A_199 = vector.broadcast %eq3A_198 : i32 to vector<16xi32>
      %eq3A_200 = arith.cmpi eq, %gather3A_152, %eq3A_199 : vector<16xi32>
      %jit3A_201 = arith.constant 1.000000e+00 : f32
      %jit3A_202 = arith.constant 0.000000e+00 : f32
      %broadcast_in_dim3A_203 = vector.broadcast %jit3A_201 : f32 to vector<16xf32>
      %broadcast_in_dim3A_204 = vector.broadcast %jit3A_202 : f32 to vector<16xf32>
      %select_n3A_205 = arith.select %eq3A_200, %broadcast_in_dim3A_203, %broadcast_in_dim3A_204 : vector<16xi1>, vector<16xf32>
      %add3A_206 = arith.addf %add3A_76, %select_n3A_205 : vector<16xf32>
      %eq3A_207 = arith.constant 6 : i32
      %eq3A_208 = vector.broadcast %eq3A_207 : i32 to vector<16xi32>
      %eq3A_209 = arith.cmpi eq, %gather3A_152, %eq3A_208 : vector<16xi32>
      %jit3A_210 = arith.constant 1.000000e+00 : f32
      %jit3A_211 = arith.constant 0.000000e+00 : f32
      %broadcast_in_dim3A_212 = vector.broadcast %jit3A_210 : f32 to vector<16xf32>
      %broadcast_in_dim3A_213 = vector.broadcast %jit3A_211 : f32 to vector<16xf32>
      %select_n3A_214 = arith.select %eq3A_209, %broadcast_in_dim3A_212, %broadcast_in_dim3A_213 : vector<16xi1>, vector<16xf32>
      %add3A_215 = arith.addf %add3A_85, %select_n3A_214 : vector<16xf32>
      %eq3A_216 = arith.constant 7 : i32
      %eq3A_217 = vector.broadcast %eq3A_216 : i32 to vector<16xi32>
      %eq3A_218 = arith.cmpi eq, %gather3A_152, %eq3A_217 : vector<16xi32>
      %jit3A_219 = arith.constant 1.000000e+00 : f32
      %jit3A_220 = arith.constant 0.000000e+00 : f32
      %broadcast_in_dim3A_221 = vector.broadcast %jit3A_219 : f32 to vector<16xf32>
      %broadcast_in_dim3A_222 = vector.broadcast %jit3A_220 : f32 to vector<16xf32>
      %select_n3A_223 = arith.select %eq3A_218, %broadcast_in_dim3A_221, %broadcast_in_dim3A_222 : vector<16xi1>, vector<16xf32>
      %add3A_224 = arith.addf %add3A_94, %select_n3A_223 : vector<16xf32>
      %eq3A_225 = arith.constant 8 : i32
      %eq3A_226 = vector.broadcast %eq3A_225 : i32 to vector<16xi32>
      %eq3A_227 = arith.cmpi eq, %gather3A_152, %eq3A_226 : vector<16xi32>
      %jit3A_228 = arith.constant 1.000000e+00 : f32
      %jit3A_229 = arith.constant 0.000000e+00 : f32
      %broadcast_in_dim3A_230 = vector.broadcast %jit3A_228 : f32 to vector<16xf32>
      %broadcast_in_dim3A_231 = vector.broadcast %jit3A_229 : f32 to vector<16xf32>
      %select_n3A_232 = arith.select %eq3A_227, %broadcast_in_dim3A_230, %broadcast_in_dim3A_231 : vector<16xi1>, vector<16xf32>
      %add3A_233 = arith.addf %add3A_103, %select_n3A_232 : vector<16xf32>
      %eq3A_234 = arith.constant 9 : i32
      %eq3A_235 = vector.broadcast %eq3A_234 : i32 to vector<16xi32>
      %eq3A_236 = arith.cmpi eq, %gather3A_152, %eq3A_235 : vector<16xi32>
      %jit3A_237 = arith.constant 1.000000e+00 : f32
      %jit3A_238 = arith.constant 0.000000e+00 : f32
      %broadcast_in_dim3A_239 = vector.broadcast %jit3A_237 : f32 to vector<16xf32>
      %broadcast_in_dim3A_240 = vector.broadcast %jit3A_238 : f32 to vector<16xf32>
      %select_n3A_241 = arith.select %eq3A_236, %broadcast_in_dim3A_239, %broadcast_in_dim3A_240 : vector<16xi1>, vector<16xf32>
      %add3A_242 = arith.addf %add3A_112, %select_n3A_241 : vector<16xf32>
      %eq3A_243 = arith.constant 10 : i32
      %eq3A_244 = vector.broadcast %eq3A_243 : i32 to vector<16xi32>
      %eq3A_245 = arith.cmpi eq, %gather3A_152, %eq3A_244 : vector<16xi32>
      %jit3A_246 = arith.constant 1.000000e+00 : f32
      %jit3A_247 = arith.constant 0.000000e+00 : f32
      %broadcast_in_dim3A_248 = vector.broadcast %jit3A_246 : f32 to vector<16xf32>
      %broadcast_in_dim3A_249 = vector.broadcast %jit3A_247 : f32 to vector<16xf32>
      %select_n3A_250 = arith.select %eq3A_245, %broadcast_in_dim3A_248, %broadcast_in_dim3A_249 : vector<16xi1>, vector<16xf32>
      %add3A_251 = arith.addf %add3A_121, %select_n3A_250 : vector<16xf32>
      %eq3A_252 = arith.constant 11 : i32
      %eq3A_253 = vector.broadcast %eq3A_252 : i32 to vector<16xi32>
      %eq3A_254 = arith.cmpi eq, %gather3A_152, %eq3A_253 : vector<16xi32>
      %jit3A_255 = arith.constant 1.000000e+00 : f32
      %jit3A_256 = arith.constant 0.000000e+00 : f32
      %broadcast_in_dim3A_257 = vector.broadcast %jit3A_255 : f32 to vector<16xf32>
      %broadcast_in_dim3A_258 = vector.broadcast %jit3A_256 : f32 to vector<16xf32>
      %select_n3A_259 = arith.select %eq3A_254, %broadcast_in_dim3A_257, %broadcast_in_dim3A_258 : vector<16xi1>, vector<16xf32>
      %add3A_260 = arith.addf %add3A_130, %select_n3A_259 : vector<16xf32>
      %eq3A_261 = arith.constant 12 : i32
      %eq3A_262 = vector.broadcast %eq3A_261 : i32 to vector<16xi32>
      %eq3A_263 = arith.cmpi eq, %gather3A_152, %eq3A_262 : vector<16xi32>
      %jit3A_264 = arith.constant 1.000000e+00 : f32
      %jit3A_265 = arith.constant 0.000000e+00 : f32
      %broadcast_in_dim3A_266 = vector.broadcast %jit3A_264 : f32 to vector<16xf32>
      %broadcast_in_dim3A_267 = vector.broadcast %jit3A_265 : f32 to vector<16xf32>
      %select_n3A_268 = arith.select %eq3A_263, %broadcast_in_dim3A_266, %broadcast_in_dim3A_267 : vector<16xi1>, vector<16xf32>
      %add3A_269 = arith.addf %add3A_139, %select_n3A_268 : vector<16xf32>
      %eq3A_270 = arith.constant 13 : i32
      %eq3A_271 = vector.broadcast %eq3A_270 : i32 to vector<16xi32>
      %eq3A_272 = arith.cmpi eq, %gather3A_152, %eq3A_271 : vector<16xi32>
      %jit3A_273 = arith.constant 1.000000e+00 : f32
      %jit3A_274 = arith.constant 0.000000e+00 : f32
      %broadcast_in_dim3A_275 = vector.broadcast %jit3A_273 : f32 to vector<16xf32>
      %broadcast_in_dim3A_276 = vector.broadcast %jit3A_274 : f32 to vector<16xf32>
      %select_n3A_277 = arith.select %eq3A_272, %broadcast_in_dim3A_275, %broadcast_in_dim3A_276 : vector<16xi1>, vector<16xf32>
      %add3A_278 = arith.addf %add3A_148, %select_n3A_277 : vector<16xf32>
      %add3A_279 = arith.constant 2 : i32
      %add3A_280 = vector.broadcast %add3A_279 : i32 to vector<16xi32>
      %add3A_281 = arith.addi %mul3A_22, %add3A_280 : vector<16xi32>
      %gather3A_282 = tpu.vector_load_idx %arg4[%add3A_281] : memref<10240xi32, #tpu.memory_space<vmem>>[vector<16xi32>], vector<16xi32>,
      %eq3A_283 = arith.constant 0 : i32
      %eq3A_284 = vector.broadcast %eq3A_283 : i32 to vector<16xi32>
      %eq3A_285 = arith.cmpi eq, %gather3A_282, %eq3A_284 : vector<16xi32>
      %jit3A_286 = arith.constant 1.000000e+00 : f32
      %jit3A_287 = arith.constant 0.000000e+00 : f32
      %broadcast_in_dim3A_288 = vector.broadcast %jit3A_286 : f32 to vector<16xf32>
      %broadcast_in_dim3A_289 = vector.broadcast %jit3A_287 : f32 to vector<16xf32>
      %select_n3A_290 = arith.select %eq3A_285, %broadcast_in_dim3A_288, %broadcast_in_dim3A_289 : vector<16xi1>, vector<16xf32>
      %add3A_291 = arith.addf %add3A_161, %select_n3A_290 : vector<16xf32>
      %eq3A_292 = arith.constant 1 : i32
      %eq3A_293 = vector.broadcast %eq3A_292 : i32 to vector<16xi32>
      %eq3A_294 = arith.cmpi eq, %gather3A_282, %eq3A_293 : vector<16xi32>
      %jit3A_295 = arith.constant 1.000000e+00 : f32
      %jit3A_296 = arith.constant 0.000000e+00 : f32
      %broadcast_in_dim3A_297 = vector.broadcast %jit3A_295 : f32 to vector<16xf32>
      %broadcast_in_dim3A_298 = vector.broadcast %jit3A_296 : f32 to vector<16xf32>
      %select_n3A_299 = arith.select %eq3A_294, %broadcast_in_dim3A_297, %broadcast_in_dim3A_298 : vector<16xi1>, vector<16xf32>
      %add3A_300 = arith.addf %add3A_170, %select_n3A_299 : vector<16xf32>
      %eq3A_301 = arith.constant 2 : i32
      %eq3A_302 = vector.broadcast %eq3A_301 : i32 to vector<16xi32>
      %eq3A_303 = arith.cmpi eq, %gather3A_282, %eq3A_302 : vector<16xi32>
      %jit3A_304 = arith.constant 1.000000e+00 : f32
      %jit3A_305 = arith.constant 0.000000e+00 : f32
      %broadcast_in_dim3A_306 = vector.broadcast %jit3A_304 : f32 to vector<16xf32>
      %broadcast_in_dim3A_307 = vector.broadcast %jit3A_305 : f32 to vector<16xf32>
      %select_n3A_308 = arith.select %eq3A_303, %broadcast_in_dim3A_306, %broadcast_in_dim3A_307 : vector<16xi1>, vector<16xf32>
      %add3A_309 = arith.addf %add3A_179, %select_n3A_308 : vector<16xf32>
      %eq3A_310 = arith.constant 3 : i32
      %eq3A_311 = vector.broadcast %eq3A_310 : i32 to vector<16xi32>
      %eq3A_312 = arith.cmpi eq, %gather3A_282, %eq3A_311 : vector<16xi32>
      %jit3A_313 = arith.constant 1.000000e+00 : f32
      %jit3A_314 = arith.constant 0.000000e+00 : f32
      %broadcast_in_dim3A_315 = vector.broadcast %jit3A_313 : f32 to vector<16xf32>
      %broadcast_in_dim3A_316 = vector.broadcast %jit3A_314 : f32 to vector<16xf32>
      %select_n3A_317 = arith.select %eq3A_312, %broadcast_in_dim3A_315, %broadcast_in_dim3A_316 : vector<16xi1>, vector<16xf32>
      %add3A_318 = arith.addf %add3A_188, %select_n3A_317 : vector<16xf32>
      %eq3A_319 = arith.constant 4 : i32
      %eq3A_320 = vector.broadcast %eq3A_319 : i32 to vector<16xi32>
      %eq3A_321 = arith.cmpi eq, %gather3A_282, %eq3A_320 : vector<16xi32>
      %jit3A_322 = arith.constant 1.000000e+00 : f32
      %jit3A_323 = arith.constant 0.000000e+00 : f32
      %broadcast_in_dim3A_324 = vector.broadcast %jit3A_322 : f32 to vector<16xf32>
      %broadcast_in_dim3A_325 = vector.broadcast %jit3A_323 : f32 to vector<16xf32>
      %select_n3A_326 = arith.select %eq3A_321, %broadcast_in_dim3A_324, %broadcast_in_dim3A_325 : vector<16xi1>, vector<16xf32>
      %add3A_327 = arith.addf %add3A_197, %select_n3A_326 : vector<16xf32>
      %eq3A_328 = arith.constant 5 : i32
      %eq3A_329 = vector.broadcast %eq3A_328 : i32 to vector<16xi32>
      %eq3A_330 = arith.cmpi eq, %gather3A_282, %eq3A_329 : vector<16xi32>
      %jit3A_331 = arith.constant 1.000000e+00 : f32
      %jit3A_332 = arith.constant 0.000000e+00 : f32
      %broadcast_in_dim3A_333 = vector.broadcast %jit3A_331 : f32 to vector<16xf32>
      %broadcast_in_dim3A_334 = vector.broadcast %jit3A_332 : f32 to vector<16xf32>
      %select_n3A_335 = arith.select %eq3A_330, %broadcast_in_dim3A_333, %broadcast_in_dim3A_334 : vector<16xi1>, vector<16xf32>
      %add3A_336 = arith.addf %add3A_206, %select_n3A_335 : vector<16xf32>
      %eq3A_337 = arith.constant 6 : i32
      %eq3A_338 = vector.broadcast %eq3A_337 : i32 to vector<16xi32>
      %eq3A_339 = arith.cmpi eq, %gather3A_282, %eq3A_338 : vector<16xi32>
      %jit3A_340 = arith.constant 1.000000e+00 : f32
      %jit3A_341 = arith.constant 0.000000e+00 : f32
      %broadcast_in_dim3A_342 = vector.broadcast %jit3A_340 : f32 to vector<16xf32>
      %broadcast_in_dim3A_343 = vector.broadcast %jit3A_341 : f32 to vector<16xf32>
      %select_n3A_344 = arith.select %eq3A_339, %broadcast_in_dim3A_342, %broadcast_in_dim3A_343 : vector<16xi1>, vector<16xf32>
      %add3A_345 = arith.addf %add3A_215, %select_n3A_344 : vector<16xf32>
      %eq3A_346 = arith.constant 7 : i32
      %eq3A_347 = vector.broadcast %eq3A_346 : i32 to vector<16xi32>
      %eq3A_348 = arith.cmpi eq, %gather3A_282, %eq3A_347 : vector<16xi32>
      %jit3A_349 = arith.constant 1.000000e+00 : f32
      %jit3A_350 = arith.constant 0.000000e+00 : f32
      %broadcast_in_dim3A_351 = vector.broadcast %jit3A_349 : f32 to vector<16xf32>
      %broadcast_in_dim3A_352 = vector.broadcast %jit3A_350 : f32 to vector<16xf32>
      %select_n3A_353 = arith.select %eq3A_348, %broadcast_in_dim3A_351, %broadcast_in_dim3A_352 : vector<16xi1>, vector<16xf32>
      %add3A_354 = arith.addf %add3A_224, %select_n3A_353 : vector<16xf32>
      %eq3A_355 = arith.constant 8 : i32
      %eq3A_356 = vector.broadcast %eq3A_355 : i32 to vector<16xi32>
      %eq3A_357 = arith.cmpi eq, %gather3A_282, %eq3A_356 : vector<16xi32>
      %jit3A_358 = arith.constant 1.000000e+00 : f32
      %jit3A_359 = arith.constant 0.000000e+00 : f32
      %broadcast_in_dim3A_360 = vector.broadcast %jit3A_358 : f32 to vector<16xf32>
      %broadcast_in_dim3A_361 = vector.broadcast %jit3A_359 : f32 to vector<16xf32>
      %select_n3A_362 = arith.select %eq3A_357, %broadcast_in_dim3A_360, %broadcast_in_dim3A_361 : vector<16xi1>, vector<16xf32>
      %add3A_363 = arith.addf %add3A_233, %select_n3A_362 : vector<16xf32>
      %eq3A_364 = arith.constant 9 : i32
      %eq3A_365 = vector.broadcast %eq3A_364 : i32 to vector<16xi32>
      %eq3A_366 = arith.cmpi eq, %gather3A_282, %eq3A_365 : vector<16xi32>
      %jit3A_367 = arith.constant 1.000000e+00 : f32
      %jit3A_368 = arith.constant 0.000000e+00 : f32
      %broadcast_in_dim3A_369 = vector.broadcast %jit3A_367 : f32 to vector<16xf32>
      %broadcast_in_dim3A_370 = vector.broadcast %jit3A_368 : f32 to vector<16xf32>
      %select_n3A_371 = arith.select %eq3A_366, %broadcast_in_dim3A_369, %broadcast_in_dim3A_370 : vector<16xi1>, vector<16xf32>
      %add3A_372 = arith.addf %add3A_242, %select_n3A_371 : vector<16xf32>
      %eq3A_373 = arith.constant 10 : i32
      %eq3A_374 = vector.broadcast %eq3A_373 : i32 to vector<16xi32>
      %eq3A_375 = arith.cmpi eq, %gather3A_282, %eq3A_374 : vector<16xi32>
      %jit3A_376 = arith.constant 1.000000e+00 : f32
      %jit3A_377 = arith.constant 0.000000e+00 : f32
      %broadcast_in_dim3A_378 = vector.broadcast %jit3A_376 : f32 to vector<16xf32>
      %broadcast_in_dim3A_379 = vector.broadcast %jit3A_377 : f32 to vector<16xf32>
      %select_n3A_380 = arith.select %eq3A_375, %broadcast_in_dim3A_378, %broadcast_in_dim3A_379 : vector<16xi1>, vector<16xf32>
      %add3A_381 = arith.addf %add3A_251, %select_n3A_380 : vector<16xf32>
      %eq3A_382 = arith.constant 11 : i32
      %eq3A_383 = vector.broadcast %eq3A_382 : i32 to vector<16xi32>
      %eq3A_384 = arith.cmpi eq, %gather3A_282, %eq3A_383 : vector<16xi32>
      %jit3A_385 = arith.constant 1.000000e+00 : f32
      %jit3A_386 = arith.constant 0.000000e+00 : f32
      %broadcast_in_dim3A_387 = vector.broadcast %jit3A_385 : f32 to vector<16xf32>
      %broadcast_in_dim3A_388 = vector.broadcast %jit3A_386 : f32 to vector<16xf32>
      %select_n3A_389 = arith.select %eq3A_384, %broadcast_in_dim3A_387, %broadcast_in_dim3A_388 : vector<16xi1>, vector<16xf32>
      %add3A_390 = arith.addf %add3A_260, %select_n3A_389 : vector<16xf32>
      %eq3A_391 = arith.constant 12 : i32
      %eq3A_392 = vector.broadcast %eq3A_391 : i32 to vector<16xi32>
      %eq3A_393 = arith.cmpi eq, %gather3A_282, %eq3A_392 : vector<16xi32>
      %jit3A_394 = arith.constant 1.000000e+00 : f32
      %jit3A_395 = arith.constant 0.000000e+00 : f32
      %broadcast_in_dim3A_396 = vector.broadcast %jit3A_394 : f32 to vector<16xf32>
      %broadcast_in_dim3A_397 = vector.broadcast %jit3A_395 : f32 to vector<16xf32>
      %select_n3A_398 = arith.select %eq3A_393, %broadcast_in_dim3A_396, %broadcast_in_dim3A_397 : vector<16xi1>, vector<16xf32>
      %add3A_399 = arith.addf %add3A_269, %select_n3A_398 : vector<16xf32>
      %eq3A_400 = arith.constant 13 : i32
      %eq3A_401 = vector.broadcast %eq3A_400 : i32 to vector<16xi32>
      %eq3A_402 = arith.cmpi eq, %gather3A_282, %eq3A_401 : vector<16xi32>
      %jit3A_403 = arith.constant 1.000000e+00 : f32
      %jit3A_404 = arith.constant 0.000000e+00 : f32
      %broadcast_in_dim3A_405 = vector.broadcast %jit3A_403 : f32 to vector<16xf32>
      %broadcast_in_dim3A_406 = vector.broadcast %jit3A_404 : f32 to vector<16xf32>
      %select_n3A_407 = arith.select %eq3A_402, %broadcast_in_dim3A_405, %broadcast_in_dim3A_406 : vector<16xi1>, vector<16xf32>
      %add3A_408 = arith.addf %add3A_278, %select_n3A_407 : vector<16xf32>
      %add3A_409 = arith.constant 3 : i32
      %add3A_410 = vector.broadcast %add3A_409 : i32 to vector<16xi32>
      %add3A_411 = arith.addi %mul3A_22, %add3A_410 : vector<16xi32>
      %gather3A_412 = tpu.vector_load_idx %arg4[%add3A_411] : memref<10240xi32, #tpu.memory_space<vmem>>[vector<16xi32>], vector<16xi32>,
      %eq3A_413 = arith.constant 0 : i32
      %eq3A_414 = vector.broadcast %eq3A_413 : i32 to vector<16xi32>
      %eq3A_415 = arith.cmpi eq, %gather3A_412, %eq3A_414 : vector<16xi32>
      %jit3A_416 = arith.constant 1.000000e+00 : f32
      %jit3A_417 = arith.constant 0.000000e+00 : f32
      %broadcast_in_dim3A_418 = vector.broadcast %jit3A_416 : f32 to vector<16xf32>
      %broadcast_in_dim3A_419 = vector.broadcast %jit3A_417 : f32 to vector<16xf32>
      %select_n3A_420 = arith.select %eq3A_415, %broadcast_in_dim3A_418, %broadcast_in_dim3A_419 : vector<16xi1>, vector<16xf32>
      %add3A_421 = arith.addf %add3A_291, %select_n3A_420 : vector<16xf32>
      %eq3A_422 = arith.constant 1 : i32
      %eq3A_423 = vector.broadcast %eq3A_422 : i32 to vector<16xi32>
      %eq3A_424 = arith.cmpi eq, %gather3A_412, %eq3A_423 : vector<16xi32>
      %jit3A_425 = arith.constant 1.000000e+00 : f32
      %jit3A_426 = arith.constant 0.000000e+00 : f32
      %broadcast_in_dim3A_427 = vector.broadcast %jit3A_425 : f32 to vector<16xf32>
      %broadcast_in_dim3A_428 = vector.broadcast %jit3A_426 : f32 to vector<16xf32>
      %select_n3A_429 = arith.select %eq3A_424, %broadcast_in_dim3A_427, %broadcast_in_dim3A_428 : vector<16xi1>, vector<16xf32>
      %add3A_430 = arith.addf %add3A_300, %select_n3A_429 : vector<16xf32>
      %eq3A_431 = arith.constant 2 : i32
      %eq3A_432 = vector.broadcast %eq3A_431 : i32 to vector<16xi32>
      %eq3A_433 = arith.cmpi eq, %gather3A_412, %eq3A_432 : vector<16xi32>
      %jit3A_434 = arith.constant 1.000000e+00 : f32
      %jit3A_435 = arith.constant 0.000000e+00 : f32
      %broadcast_in_dim3A_436 = vector.broadcast %jit3A_434 : f32 to vector<16xf32>
      %broadcast_in_dim3A_437 = vector.broadcast %jit3A_435 : f32 to vector<16xf32>
      %select_n3A_438 = arith.select %eq3A_433, %broadcast_in_dim3A_436, %broadcast_in_dim3A_437 : vector<16xi1>, vector<16xf32>
      %add3A_439 = arith.addf %add3A_309, %select_n3A_438 : vector<16xf32>
      %eq3A_440 = arith.constant 3 : i32
      %eq3A_441 = vector.broadcast %eq3A_440 : i32 to vector<16xi32>
      %eq3A_442 = arith.cmpi eq, %gather3A_412, %eq3A_441 : vector<16xi32>
      %jit3A_443 = arith.constant 1.000000e+00 : f32
      %jit3A_444 = arith.constant 0.000000e+00 : f32
      %broadcast_in_dim3A_445 = vector.broadcast %jit3A_443 : f32 to vector<16xf32>
      %broadcast_in_dim3A_446 = vector.broadcast %jit3A_444 : f32 to vector<16xf32>
      %select_n3A_447 = arith.select %eq3A_442, %broadcast_in_dim3A_445, %broadcast_in_dim3A_446 : vector<16xi1>, vector<16xf32>
      %add3A_448 = arith.addf %add3A_318, %select_n3A_447 : vector<16xf32>
      %eq3A_449 = arith.constant 4 : i32
      %eq3A_450 = vector.broadcast %eq3A_449 : i32 to vector<16xi32>
      %eq3A_451 = arith.cmpi eq, %gather3A_412, %eq3A_450 : vector<16xi32>
      %jit3A_452 = arith.constant 1.000000e+00 : f32
      %jit3A_453 = arith.constant 0.000000e+00 : f32
      %broadcast_in_dim3A_454 = vector.broadcast %jit3A_452 : f32 to vector<16xf32>
      %broadcast_in_dim3A_455 = vector.broadcast %jit3A_453 : f32 to vector<16xf32>
      %select_n3A_456 = arith.select %eq3A_451, %broadcast_in_dim3A_454, %broadcast_in_dim3A_455 : vector<16xi1>, vector<16xf32>
      %add3A_457 = arith.addf %add3A_327, %select_n3A_456 : vector<16xf32>
      %eq3A_458 = arith.constant 5 : i32
      %eq3A_459 = vector.broadcast %eq3A_458 : i32 to vector<16xi32>
      %eq3A_460 = arith.cmpi eq, %gather3A_412, %eq3A_459 : vector<16xi32>
      %jit3A_461 = arith.constant 1.000000e+00 : f32
      %jit3A_462 = arith.constant 0.000000e+00 : f32
      %broadcast_in_dim3A_463 = vector.broadcast %jit3A_461 : f32 to vector<16xf32>
      %broadcast_in_dim3A_464 = vector.broadcast %jit3A_462 : f32 to vector<16xf32>
      %select_n3A_465 = arith.select %eq3A_460, %broadcast_in_dim3A_463, %broadcast_in_dim3A_464 : vector<16xi1>, vector<16xf32>
      %add3A_466 = arith.addf %add3A_336, %select_n3A_465 : vector<16xf32>
      %eq3A_467 = arith.constant 6 : i32
      %eq3A_468 = vector.broadcast %eq3A_467 : i32 to vector<16xi32>
      %eq3A_469 = arith.cmpi eq, %gather3A_412, %eq3A_468 : vector<16xi32>
      %jit3A_470 = arith.constant 1.000000e+00 : f32
      %jit3A_471 = arith.constant 0.000000e+00 : f32
      %broadcast_in_dim3A_472 = vector.broadcast %jit3A_470 : f32 to vector<16xf32>
      %broadcast_in_dim3A_473 = vector.broadcast %jit3A_471 : f32 to vector<16xf32>
      %select_n3A_474 = arith.select %eq3A_469, %broadcast_in_dim3A_472, %broadcast_in_dim3A_473 : vector<16xi1>, vector<16xf32>
      %add3A_475 = arith.addf %add3A_345, %select_n3A_474 : vector<16xf32>
      %eq3A_476 = arith.constant 7 : i32
      %eq3A_477 = vector.broadcast %eq3A_476 : i32 to vector<16xi32>
      %eq3A_478 = arith.cmpi eq, %gather3A_412, %eq3A_477 : vector<16xi32>
      %jit3A_479 = arith.constant 1.000000e+00 : f32
      %jit3A_480 = arith.constant 0.000000e+00 : f32
      %broadcast_in_dim3A_481 = vector.broadcast %jit3A_479 : f32 to vector<16xf32>
      %broadcast_in_dim3A_482 = vector.broadcast %jit3A_480 : f32 to vector<16xf32>
      %select_n3A_483 = arith.select %eq3A_478, %broadcast_in_dim3A_481, %broadcast_in_dim3A_482 : vector<16xi1>, vector<16xf32>
      %add3A_484 = arith.addf %add3A_354, %select_n3A_483 : vector<16xf32>
      %eq3A_485 = arith.constant 8 : i32
      %eq3A_486 = vector.broadcast %eq3A_485 : i32 to vector<16xi32>
      %eq3A_487 = arith.cmpi eq, %gather3A_412, %eq3A_486 : vector<16xi32>
      %jit3A_488 = arith.constant 1.000000e+00 : f32
      %jit3A_489 = arith.constant 0.000000e+00 : f32
      %broadcast_in_dim3A_490 = vector.broadcast %jit3A_488 : f32 to vector<16xf32>
      %broadcast_in_dim3A_491 = vector.broadcast %jit3A_489 : f32 to vector<16xf32>
      %select_n3A_492 = arith.select %eq3A_487, %broadcast_in_dim3A_490, %broadcast_in_dim3A_491 : vector<16xi1>, vector<16xf32>
      %add3A_493 = arith.addf %add3A_363, %select_n3A_492 : vector<16xf32>
      %eq3A_494 = arith.constant 9 : i32
      %eq3A_495 = vector.broadcast %eq3A_494 : i32 to vector<16xi32>
      %eq3A_496 = arith.cmpi eq, %gather3A_412, %eq3A_495 : vector<16xi32>
      %jit3A_497 = arith.constant 1.000000e+00 : f32
      %jit3A_498 = arith.constant 0.000000e+00 : f32
      %broadcast_in_dim3A_499 = vector.broadcast %jit3A_497 : f32 to vector<16xf32>
      %broadcast_in_dim3A_500 = vector.broadcast %jit3A_498 : f32 to vector<16xf32>
      %select_n3A_501 = arith.select %eq3A_496, %broadcast_in_dim3A_499, %broadcast_in_dim3A_500 : vector<16xi1>, vector<16xf32>
      %add3A_502 = arith.addf %add3A_372, %select_n3A_501 : vector<16xf32>
      %eq3A_503 = arith.constant 10 : i32
      %eq3A_504 = vector.broadcast %eq3A_503 : i32 to vector<16xi32>
      %eq3A_505 = arith.cmpi eq, %gather3A_412, %eq3A_504 : vector<16xi32>
      %jit3A_506 = arith.constant 1.000000e+00 : f32
      %jit3A_507 = arith.constant 0.000000e+00 : f32
      %broadcast_in_dim3A_508 = vector.broadcast %jit3A_506 : f32 to vector<16xf32>
      %broadcast_in_dim3A_509 = vector.broadcast %jit3A_507 : f32 to vector<16xf32>
      %select_n3A_510 = arith.select %eq3A_505, %broadcast_in_dim3A_508, %broadcast_in_dim3A_509 : vector<16xi1>, vector<16xf32>
      %add3A_511 = arith.addf %add3A_381, %select_n3A_510 : vector<16xf32>
      %eq3A_512 = arith.constant 11 : i32
      %eq3A_513 = vector.broadcast %eq3A_512 : i32 to vector<16xi32>
      %eq3A_514 = arith.cmpi eq, %gather3A_412, %eq3A_513 : vector<16xi32>
      %jit3A_515 = arith.constant 1.000000e+00 : f32
      %jit3A_516 = arith.constant 0.000000e+00 : f32
      %broadcast_in_dim3A_517 = vector.broadcast %jit3A_515 : f32 to vector<16xf32>
      %broadcast_in_dim3A_518 = vector.broadcast %jit3A_516 : f32 to vector<16xf32>
      %select_n3A_519 = arith.select %eq3A_514, %broadcast_in_dim3A_517, %broadcast_in_dim3A_518 : vector<16xi1>, vector<16xf32>
      %add3A_520 = arith.addf %add3A_390, %select_n3A_519 : vector<16xf32>
      %eq3A_521 = arith.constant 12 : i32
      %eq3A_522 = vector.broadcast %eq3A_521 : i32 to vector<16xi32>
      %eq3A_523 = arith.cmpi eq, %gather3A_412, %eq3A_522 : vector<16xi32>
      %jit3A_524 = arith.constant 1.000000e+00 : f32
      %jit3A_525 = arith.constant 0.000000e+00 : f32
      %broadcast_in_dim3A_526 = vector.broadcast %jit3A_524 : f32 to vector<16xf32>
      %broadcast_in_dim3A_527 = vector.broadcast %jit3A_525 : f32 to vector<16xf32>
      %select_n3A_528 = arith.select %eq3A_523, %broadcast_in_dim3A_526, %broadcast_in_dim3A_527 : vector<16xi1>, vector<16xf32>
      %add3A_529 = arith.addf %add3A_399, %select_n3A_528 : vector<16xf32>
      %eq3A_530 = arith.constant 13 : i32
      %eq3A_531 = vector.broadcast %eq3A_530 : i32 to vector<16xi32>
      %eq3A_532 = arith.cmpi eq, %gather3A_412, %eq3A_531 : vector<16xi32>
      %jit3A_533 = arith.constant 1.000000e+00 : f32
      %jit3A_534 = arith.constant 0.000000e+00 : f32
      %broadcast_in_dim3A_535 = vector.broadcast %jit3A_533 : f32 to vector<16xf32>
      %broadcast_in_dim3A_536 = vector.broadcast %jit3A_534 : f32 to vector<16xf32>
      %select_n3A_537 = arith.select %eq3A_532, %broadcast_in_dim3A_535, %broadcast_in_dim3A_536 : vector<16xi1>, vector<16xf32>
      %add3A_538 = arith.addf %add3A_408, %select_n3A_537 : vector<16xf32>
      %add3A_539 = arith.constant 4 : i32
      %add3A_540 = vector.broadcast %add3A_539 : i32 to vector<16xi32>
      %add3A_541 = arith.addi %mul3A_22, %add3A_540 : vector<16xi32>
      %gather3A_542 = tpu.vector_load_idx %arg4[%add3A_541] : memref<10240xi32, #tpu.memory_space<vmem>>[vector<16xi32>], vector<16xi32>,
      %eq3A_543 = arith.constant 0 : i32
      %eq3A_544 = vector.broadcast %eq3A_543 : i32 to vector<16xi32>
      %eq3A_545 = arith.cmpi eq, %gather3A_542, %eq3A_544 : vector<16xi32>
      %jit3A_546 = arith.constant 1.000000e+00 : f32
      %jit3A_547 = arith.constant 0.000000e+00 : f32
      %broadcast_in_dim3A_548 = vector.broadcast %jit3A_546 : f32 to vector<16xf32>
      %broadcast_in_dim3A_549 = vector.broadcast %jit3A_547 : f32 to vector<16xf32>
      %select_n3A_550 = arith.select %eq3A_545, %broadcast_in_dim3A_548, %broadcast_in_dim3A_549 : vector<16xi1>, vector<16xf32>
      %add3A_551 = arith.addf %add3A_421, %select_n3A_550 : vector<16xf32>
      %eq3A_552 = arith.constant 1 : i32
      %eq3A_553 = vector.broadcast %eq3A_552 : i32 to vector<16xi32>
      %eq3A_554 = arith.cmpi eq, %gather3A_542, %eq3A_553 : vector<16xi32>
      %jit3A_555 = arith.constant 1.000000e+00 : f32
      %jit3A_556 = arith.constant 0.000000e+00 : f32
      %broadcast_in_dim3A_557 = vector.broadcast %jit3A_555 : f32 to vector<16xf32>
      %broadcast_in_dim3A_558 = vector.broadcast %jit3A_556 : f32 to vector<16xf32>
      %select_n3A_559 = arith.select %eq3A_554, %broadcast_in_dim3A_557, %broadcast_in_dim3A_558 : vector<16xi1>, vector<16xf32>
      %add3A_560 = arith.addf %add3A_430, %select_n3A_559 : vector<16xf32>
      %eq3A_561 = arith.constant 2 : i32
      %eq3A_562 = vector.broadcast %eq3A_561 : i32 to vector<16xi32>
      %eq3A_563 = arith.cmpi eq, %gather3A_542, %eq3A_562 : vector<16xi32>
      %jit3A_564 = arith.constant 1.000000e+00 : f32
      %jit3A_565 = arith.constant 0.000000e+00 : f32
      %broadcast_in_dim3A_566 = vector.broadcast %jit3A_564 : f32 to vector<16xf32>
      %broadcast_in_dim3A_567 = vector.broadcast %jit3A_565 : f32 to vector<16xf32>
      %select_n3A_568 = arith.select %eq3A_563, %broadcast_in_dim3A_566, %broadcast_in_dim3A_567 : vector<16xi1>, vector<16xf32>
      %add3A_569 = arith.addf %add3A_439, %select_n3A_568 : vector<16xf32>
      %eq3A_570 = arith.constant 3 : i32
      %eq3A_571 = vector.broadcast %eq3A_570 : i32 to vector<16xi32>
      %eq3A_572 = arith.cmpi eq, %gather3A_542, %eq3A_571 : vector<16xi32>
      %jit3A_573 = arith.constant 1.000000e+00 : f32
      %jit3A_574 = arith.constant 0.000000e+00 : f32
      %broadcast_in_dim3A_575 = vector.broadcast %jit3A_573 : f32 to vector<16xf32>
      %broadcast_in_dim3A_576 = vector.broadcast %jit3A_574 : f32 to vector<16xf32>
      %select_n3A_577 = arith.select %eq3A_572, %broadcast_in_dim3A_575, %broadcast_in_dim3A_576 : vector<16xi1>, vector<16xf32>
      %add3A_578 = arith.addf %add3A_448, %select_n3A_577 : vector<16xf32>
      %eq3A_579 = arith.constant 4 : i32
      %eq3A_580 = vector.broadcast %eq3A_579 : i32 to vector<16xi32>
      %eq3A_581 = arith.cmpi eq, %gather3A_542, %eq3A_580 : vector<16xi32>
      %jit3A_582 = arith.constant 1.000000e+00 : f32
      %jit3A_583 = arith.constant 0.000000e+00 : f32
      %broadcast_in_dim3A_584 = vector.broadcast %jit3A_582 : f32 to vector<16xf32>
      %broadcast_in_dim3A_585 = vector.broadcast %jit3A_583 : f32 to vector<16xf32>
      %select_n3A_586 = arith.select %eq3A_581, %broadcast_in_dim3A_584, %broadcast_in_dim3A_585 : vector<16xi1>, vector<16xf32>
      %add3A_587 = arith.addf %add3A_457, %select_n3A_586 : vector<16xf32>
      %eq3A_588 = arith.constant 5 : i32
      %eq3A_589 = vector.broadcast %eq3A_588 : i32 to vector<16xi32>
      %eq3A_590 = arith.cmpi eq, %gather3A_542, %eq3A_589 : vector<16xi32>
      %jit3A_591 = arith.constant 1.000000e+00 : f32
      %jit3A_592 = arith.constant 0.000000e+00 : f32
      %broadcast_in_dim3A_593 = vector.broadcast %jit3A_591 : f32 to vector<16xf32>
      %broadcast_in_dim3A_594 = vector.broadcast %jit3A_592 : f32 to vector<16xf32>
      %select_n3A_595 = arith.select %eq3A_590, %broadcast_in_dim3A_593, %broadcast_in_dim3A_594 : vector<16xi1>, vector<16xf32>
      %add3A_596 = arith.addf %add3A_466, %select_n3A_595 : vector<16xf32>
      %eq3A_597 = arith.constant 6 : i32
      %eq3A_598 = vector.broadcast %eq3A_597 : i32 to vector<16xi32>
      %eq3A_599 = arith.cmpi eq, %gather3A_542, %eq3A_598 : vector<16xi32>
      %jit3A_600 = arith.constant 1.000000e+00 : f32
      %jit3A_601 = arith.constant 0.000000e+00 : f32
      %broadcast_in_dim3A_602 = vector.broadcast %jit3A_600 : f32 to vector<16xf32>
      %broadcast_in_dim3A_603 = vector.broadcast %jit3A_601 : f32 to vector<16xf32>
      %select_n3A_604 = arith.select %eq3A_599, %broadcast_in_dim3A_602, %broadcast_in_dim3A_603 : vector<16xi1>, vector<16xf32>
      %add3A_605 = arith.addf %add3A_475, %select_n3A_604 : vector<16xf32>
      %eq3A_606 = arith.constant 7 : i32
      %eq3A_607 = vector.broadcast %eq3A_606 : i32 to vector<16xi32>
      %eq3A_608 = arith.cmpi eq, %gather3A_542, %eq3A_607 : vector<16xi32>
      %jit3A_609 = arith.constant 1.000000e+00 : f32
      %jit3A_610 = arith.constant 0.000000e+00 : f32
      %broadcast_in_dim3A_611 = vector.broadcast %jit3A_609 : f32 to vector<16xf32>
      %broadcast_in_dim3A_612 = vector.broadcast %jit3A_610 : f32 to vector<16xf32>
      %select_n3A_613 = arith.select %eq3A_608, %broadcast_in_dim3A_611, %broadcast_in_dim3A_612 : vector<16xi1>, vector<16xf32>
      %add3A_614 = arith.addf %add3A_484, %select_n3A_613 : vector<16xf32>
      %eq3A_615 = arith.constant 8 : i32
      %eq3A_616 = vector.broadcast %eq3A_615 : i32 to vector<16xi32>
      %eq3A_617 = arith.cmpi eq, %gather3A_542, %eq3A_616 : vector<16xi32>
      %jit3A_618 = arith.constant 1.000000e+00 : f32
      %jit3A_619 = arith.constant 0.000000e+00 : f32
      %broadcast_in_dim3A_620 = vector.broadcast %jit3A_618 : f32 to vector<16xf32>
      %broadcast_in_dim3A_621 = vector.broadcast %jit3A_619 : f32 to vector<16xf32>
      %select_n3A_622 = arith.select %eq3A_617, %broadcast_in_dim3A_620, %broadcast_in_dim3A_621 : vector<16xi1>, vector<16xf32>
      %add3A_623 = arith.addf %add3A_493, %select_n3A_622 : vector<16xf32>
      %eq3A_624 = arith.constant 9 : i32
      %eq3A_625 = vector.broadcast %eq3A_624 : i32 to vector<16xi32>
      %eq3A_626 = arith.cmpi eq, %gather3A_542, %eq3A_625 : vector<16xi32>
      %jit3A_627 = arith.constant 1.000000e+00 : f32
      %jit3A_628 = arith.constant 0.000000e+00 : f32
      %broadcast_in_dim3A_629 = vector.broadcast %jit3A_627 : f32 to vector<16xf32>
      %broadcast_in_dim3A_630 = vector.broadcast %jit3A_628 : f32 to vector<16xf32>
      %select_n3A_631 = arith.select %eq3A_626, %broadcast_in_dim3A_629, %broadcast_in_dim3A_630 : vector<16xi1>, vector<16xf32>
      %add3A_632 = arith.addf %add3A_502, %select_n3A_631 : vector<16xf32>
      %eq3A_633 = arith.constant 10 : i32
      %eq3A_634 = vector.broadcast %eq3A_633 : i32 to vector<16xi32>
      %eq3A_635 = arith.cmpi eq, %gather3A_542, %eq3A_634 : vector<16xi32>
      %jit3A_636 = arith.constant 1.000000e+00 : f32
      %jit3A_637 = arith.constant 0.000000e+00 : f32
      %broadcast_in_dim3A_638 = vector.broadcast %jit3A_636 : f32 to vector<16xf32>
      %broadcast_in_dim3A_639 = vector.broadcast %jit3A_637 : f32 to vector<16xf32>
      %select_n3A_640 = arith.select %eq3A_635, %broadcast_in_dim3A_638, %broadcast_in_dim3A_639 : vector<16xi1>, vector<16xf32>
      %add3A_641 = arith.addf %add3A_511, %select_n3A_640 : vector<16xf32>
      %eq3A_642 = arith.constant 11 : i32
      %eq3A_643 = vector.broadcast %eq3A_642 : i32 to vector<16xi32>
      %eq3A_644 = arith.cmpi eq, %gather3A_542, %eq3A_643 : vector<16xi32>
      %jit3A_645 = arith.constant 1.000000e+00 : f32
      %jit3A_646 = arith.constant 0.000000e+00 : f32
      %broadcast_in_dim3A_647 = vector.broadcast %jit3A_645 : f32 to vector<16xf32>
      %broadcast_in_dim3A_648 = vector.broadcast %jit3A_646 : f32 to vector<16xf32>
      %select_n3A_649 = arith.select %eq3A_644, %broadcast_in_dim3A_647, %broadcast_in_dim3A_648 : vector<16xi1>, vector<16xf32>
      %add3A_650 = arith.addf %add3A_520, %select_n3A_649 : vector<16xf32>
      %eq3A_651 = arith.constant 12 : i32
      %eq3A_652 = vector.broadcast %eq3A_651 : i32 to vector<16xi32>
      %eq3A_653 = arith.cmpi eq, %gather3A_542, %eq3A_652 : vector<16xi32>
      %jit3A_654 = arith.constant 1.000000e+00 : f32
      %jit3A_655 = arith.constant 0.000000e+00 : f32
      %broadcast_in_dim3A_656 = vector.broadcast %jit3A_654 : f32 to vector<16xf32>
      %broadcast_in_dim3A_657 = vector.broadcast %jit3A_655 : f32 to vector<16xf32>
      %select_n3A_658 = arith.select %eq3A_653, %broadcast_in_dim3A_656, %broadcast_in_dim3A_657 : vector<16xi1>, vector<16xf32>
      %add3A_659 = arith.addf %add3A_529, %select_n3A_658 : vector<16xf32>
      %eq3A_660 = arith.constant 13 : i32
      %eq3A_661 = vector.broadcast %eq3A_660 : i32 to vector<16xi32>
      %eq3A_662 = arith.cmpi eq, %gather3A_542, %eq3A_661 : vector<16xi32>
      %jit3A_663 = arith.constant 1.000000e+00 : f32
      %jit3A_664 = arith.constant 0.000000e+00 : f32
      %broadcast_in_dim3A_665 = vector.broadcast %jit3A_663 : f32 to vector<16xf32>
      %broadcast_in_dim3A_666 = vector.broadcast %jit3A_664 : f32 to vector<16xf32>
      %select_n3A_667 = arith.select %eq3A_662, %broadcast_in_dim3A_665, %broadcast_in_dim3A_666 : vector<16xi1>, vector<16xf32>
      %add3A_668 = arith.addf %add3A_538, %select_n3A_667 : vector<16xf32>
      %add3A_669 = arith.constant 5 : i32
      %add3A_670 = vector.broadcast %add3A_669 : i32 to vector<16xi32>
      %add3A_671 = arith.addi %mul3A_22, %add3A_670 : vector<16xi32>
      %gather3A_672 = tpu.vector_load_idx %arg4[%add3A_671] : memref<10240xi32, #tpu.memory_space<vmem>>[vector<16xi32>], vector<16xi32>,
      %eq3A_673 = arith.constant 0 : i32
      %eq3A_674 = vector.broadcast %eq3A_673 : i32 to vector<16xi32>
      %eq3A_675 = arith.cmpi eq, %gather3A_672, %eq3A_674 : vector<16xi32>
      %jit3A_676 = arith.constant 1.000000e+00 : f32
      %jit3A_677 = arith.constant 0.000000e+00 : f32
      %broadcast_in_dim3A_678 = vector.broadcast %jit3A_676 : f32 to vector<16xf32>
      %broadcast_in_dim3A_679 = vector.broadcast %jit3A_677 : f32 to vector<16xf32>
      %select_n3A_680 = arith.select %eq3A_675, %broadcast_in_dim3A_678, %broadcast_in_dim3A_679 : vector<16xi1>, vector<16xf32>
      %add3A_681 = arith.addf %add3A_551, %select_n3A_680 : vector<16xf32>
      %eq3A_682 = arith.constant 1 : i32
      %eq3A_683 = vector.broadcast %eq3A_682 : i32 to vector<16xi32>
      %eq3A_684 = arith.cmpi eq, %gather3A_672, %eq3A_683 : vector<16xi32>
      %jit3A_685 = arith.constant 1.000000e+00 : f32
      %jit3A_686 = arith.constant 0.000000e+00 : f32
      %broadcast_in_dim3A_687 = vector.broadcast %jit3A_685 : f32 to vector<16xf32>
      %broadcast_in_dim3A_688 = vector.broadcast %jit3A_686 : f32 to vector<16xf32>
      %select_n3A_689 = arith.select %eq3A_684, %broadcast_in_dim3A_687, %broadcast_in_dim3A_688 : vector<16xi1>, vector<16xf32>
      %add3A_690 = arith.addf %add3A_560, %select_n3A_689 : vector<16xf32>
      %eq3A_691 = arith.constant 2 : i32
      %eq3A_692 = vector.broadcast %eq3A_691 : i32 to vector<16xi32>
      %eq3A_693 = arith.cmpi eq, %gather3A_672, %eq3A_692 : vector<16xi32>
      %jit3A_694 = arith.constant 1.000000e+00 : f32
      %jit3A_695 = arith.constant 0.000000e+00 : f32
      %broadcast_in_dim3A_696 = vector.broadcast %jit3A_694 : f32 to vector<16xf32>
      %broadcast_in_dim3A_697 = vector.broadcast %jit3A_695 : f32 to vector<16xf32>
      %select_n3A_698 = arith.select %eq3A_693, %broadcast_in_dim3A_696, %broadcast_in_dim3A_697 : vector<16xi1>, vector<16xf32>
      %add3A_699 = arith.addf %add3A_569, %select_n3A_698 : vector<16xf32>
      %eq3A_700 = arith.constant 3 : i32
      %eq3A_701 = vector.broadcast %eq3A_700 : i32 to vector<16xi32>
      %eq3A_702 = arith.cmpi eq, %gather3A_672, %eq3A_701 : vector<16xi32>
      %jit3A_703 = arith.constant 1.000000e+00 : f32
      %jit3A_704 = arith.constant 0.000000e+00 : f32
      %broadcast_in_dim3A_705 = vector.broadcast %jit3A_703 : f32 to vector<16xf32>
      %broadcast_in_dim3A_706 = vector.broadcast %jit3A_704 : f32 to vector<16xf32>
      %select_n3A_707 = arith.select %eq3A_702, %broadcast_in_dim3A_705, %broadcast_in_dim3A_706 : vector<16xi1>, vector<16xf32>
      %add3A_708 = arith.addf %add3A_578, %select_n3A_707 : vector<16xf32>
      %eq3A_709 = arith.constant 4 : i32
      %eq3A_710 = vector.broadcast %eq3A_709 : i32 to vector<16xi32>
      %eq3A_711 = arith.cmpi eq, %gather3A_672, %eq3A_710 : vector<16xi32>
      %jit3A_712 = arith.constant 1.000000e+00 : f32
      %jit3A_713 = arith.constant 0.000000e+00 : f32
      %broadcast_in_dim3A_714 = vector.broadcast %jit3A_712 : f32 to vector<16xf32>
      %broadcast_in_dim3A_715 = vector.broadcast %jit3A_713 : f32 to vector<16xf32>
      %select_n3A_716 = arith.select %eq3A_711, %broadcast_in_dim3A_714, %broadcast_in_dim3A_715 : vector<16xi1>, vector<16xf32>
      %add3A_717 = arith.addf %add3A_587, %select_n3A_716 : vector<16xf32>
      %eq3A_718 = arith.constant 5 : i32
      %eq3A_719 = vector.broadcast %eq3A_718 : i32 to vector<16xi32>
      %eq3A_720 = arith.cmpi eq, %gather3A_672, %eq3A_719 : vector<16xi32>
      %jit3A_721 = arith.constant 1.000000e+00 : f32
      %jit3A_722 = arith.constant 0.000000e+00 : f32
      %broadcast_in_dim3A_723 = vector.broadcast %jit3A_721 : f32 to vector<16xf32>
      %broadcast_in_dim3A_724 = vector.broadcast %jit3A_722 : f32 to vector<16xf32>
      %select_n3A_725 = arith.select %eq3A_720, %broadcast_in_dim3A_723, %broadcast_in_dim3A_724 : vector<16xi1>, vector<16xf32>
      %add3A_726 = arith.addf %add3A_596, %select_n3A_725 : vector<16xf32>
      %eq3A_727 = arith.constant 6 : i32
      %eq3A_728 = vector.broadcast %eq3A_727 : i32 to vector<16xi32>
      %eq3A_729 = arith.cmpi eq, %gather3A_672, %eq3A_728 : vector<16xi32>
      %jit3A_730 = arith.constant 1.000000e+00 : f32
      %jit3A_731 = arith.constant 0.000000e+00 : f32
      %broadcast_in_dim3A_732 = vector.broadcast %jit3A_730 : f32 to vector<16xf32>
      %broadcast_in_dim3A_733 = vector.broadcast %jit3A_731 : f32 to vector<16xf32>
      %select_n3A_734 = arith.select %eq3A_729, %broadcast_in_dim3A_732, %broadcast_in_dim3A_733 : vector<16xi1>, vector<16xf32>
      %add3A_735 = arith.addf %add3A_605, %select_n3A_734 : vector<16xf32>
      %eq3A_736 = arith.constant 7 : i32
      %eq3A_737 = vector.broadcast %eq3A_736 : i32 to vector<16xi32>
      %eq3A_738 = arith.cmpi eq, %gather3A_672, %eq3A_737 : vector<16xi32>
      %jit3A_739 = arith.constant 1.000000e+00 : f32
      %jit3A_740 = arith.constant 0.000000e+00 : f32
      %broadcast_in_dim3A_741 = vector.broadcast %jit3A_739 : f32 to vector<16xf32>
      %broadcast_in_dim3A_742 = vector.broadcast %jit3A_740 : f32 to vector<16xf32>
      %select_n3A_743 = arith.select %eq3A_738, %broadcast_in_dim3A_741, %broadcast_in_dim3A_742 : vector<16xi1>, vector<16xf32>
      %add3A_744 = arith.addf %add3A_614, %select_n3A_743 : vector<16xf32>
      %eq3A_745 = arith.constant 8 : i32
      %eq3A_746 = vector.broadcast %eq3A_745 : i32 to vector<16xi32>
      %eq3A_747 = arith.cmpi eq, %gather3A_672, %eq3A_746 : vector<16xi32>
      %jit3A_748 = arith.constant 1.000000e+00 : f32
      %jit3A_749 = arith.constant 0.000000e+00 : f32
      %broadcast_in_dim3A_750 = vector.broadcast %jit3A_748 : f32 to vector<16xf32>
      %broadcast_in_dim3A_751 = vector.broadcast %jit3A_749 : f32 to vector<16xf32>
      %select_n3A_752 = arith.select %eq3A_747, %broadcast_in_dim3A_750, %broadcast_in_dim3A_751 : vector<16xi1>, vector<16xf32>
      %add3A_753 = arith.addf %add3A_623, %select_n3A_752 : vector<16xf32>
      %eq3A_754 = arith.constant 9 : i32
      %eq3A_755 = vector.broadcast %eq3A_754 : i32 to vector<16xi32>
      %eq3A_756 = arith.cmpi eq, %gather3A_672, %eq3A_755 : vector<16xi32>
      %jit3A_757 = arith.constant 1.000000e+00 : f32
      %jit3A_758 = arith.constant 0.000000e+00 : f32
      %broadcast_in_dim3A_759 = vector.broadcast %jit3A_757 : f32 to vector<16xf32>
      %broadcast_in_dim3A_760 = vector.broadcast %jit3A_758 : f32 to vector<16xf32>
      %select_n3A_761 = arith.select %eq3A_756, %broadcast_in_dim3A_759, %broadcast_in_dim3A_760 : vector<16xi1>, vector<16xf32>
      %add3A_762 = arith.addf %add3A_632, %select_n3A_761 : vector<16xf32>
      %eq3A_763 = arith.constant 10 : i32
      %eq3A_764 = vector.broadcast %eq3A_763 : i32 to vector<16xi32>
      %eq3A_765 = arith.cmpi eq, %gather3A_672, %eq3A_764 : vector<16xi32>
      %jit3A_766 = arith.constant 1.000000e+00 : f32
      %jit3A_767 = arith.constant 0.000000e+00 : f32
      %broadcast_in_dim3A_768 = vector.broadcast %jit3A_766 : f32 to vector<16xf32>
      %broadcast_in_dim3A_769 = vector.broadcast %jit3A_767 : f32 to vector<16xf32>
      %select_n3A_770 = arith.select %eq3A_765, %broadcast_in_dim3A_768, %broadcast_in_dim3A_769 : vector<16xi1>, vector<16xf32>
      %add3A_771 = arith.addf %add3A_641, %select_n3A_770 : vector<16xf32>
      %eq3A_772 = arith.constant 11 : i32
      %eq3A_773 = vector.broadcast %eq3A_772 : i32 to vector<16xi32>
      %eq3A_774 = arith.cmpi eq, %gather3A_672, %eq3A_773 : vector<16xi32>
      %jit3A_775 = arith.constant 1.000000e+00 : f32
      %jit3A_776 = arith.constant 0.000000e+00 : f32
      %broadcast_in_dim3A_777 = vector.broadcast %jit3A_775 : f32 to vector<16xf32>
      %broadcast_in_dim3A_778 = vector.broadcast %jit3A_776 : f32 to vector<16xf32>
      %select_n3A_779 = arith.select %eq3A_774, %broadcast_in_dim3A_777, %broadcast_in_dim3A_778 : vector<16xi1>, vector<16xf32>
      %add3A_780 = arith.addf %add3A_650, %select_n3A_779 : vector<16xf32>
      %eq3A_781 = arith.constant 12 : i32
      %eq3A_782 = vector.broadcast %eq3A_781 : i32 to vector<16xi32>
      %eq3A_783 = arith.cmpi eq, %gather3A_672, %eq3A_782 : vector<16xi32>
      %jit3A_784 = arith.constant 1.000000e+00 : f32
      %jit3A_785 = arith.constant 0.000000e+00 : f32
      %broadcast_in_dim3A_786 = vector.broadcast %jit3A_784 : f32 to vector<16xf32>
      %broadcast_in_dim3A_787 = vector.broadcast %jit3A_785 : f32 to vector<16xf32>
      %select_n3A_788 = arith.select %eq3A_783, %broadcast_in_dim3A_786, %broadcast_in_dim3A_787 : vector<16xi1>, vector<16xf32>
      %add3A_789 = arith.addf %add3A_659, %select_n3A_788 : vector<16xf32>
      %eq3A_790 = arith.constant 13 : i32
      %eq3A_791 = vector.broadcast %eq3A_790 : i32 to vector<16xi32>
      %eq3A_792 = arith.cmpi eq, %gather3A_672, %eq3A_791 : vector<16xi32>
      %jit3A_793 = arith.constant 1.000000e+00 : f32
      %jit3A_794 = arith.constant 0.000000e+00 : f32
      %broadcast_in_dim3A_795 = vector.broadcast %jit3A_793 : f32 to vector<16xf32>
      %broadcast_in_dim3A_796 = vector.broadcast %jit3A_794 : f32 to vector<16xf32>
      %select_n3A_797 = arith.select %eq3A_792, %broadcast_in_dim3A_795, %broadcast_in_dim3A_796 : vector<16xi1>, vector<16xf32>
      %add3A_798 = arith.addf %add3A_668, %select_n3A_797 : vector<16xf32>
      %add3A_799 = arith.constant 6 : i32
      %add3A_800 = vector.broadcast %add3A_799 : i32 to vector<16xi32>
      %add3A_801 = arith.addi %mul3A_22, %add3A_800 : vector<16xi32>
      %gather3A_802 = tpu.vector_load_idx %arg4[%add3A_801] : memref<10240xi32, #tpu.memory_space<vmem>>[vector<16xi32>], vector<16xi32>,
      %eq3A_803 = arith.constant 0 : i32
      %eq3A_804 = vector.broadcast %eq3A_803 : i32 to vector<16xi32>
      %eq3A_805 = arith.cmpi eq, %gather3A_802, %eq3A_804 : vector<16xi32>
      %jit3A_806 = arith.constant 1.000000e+00 : f32
      %jit3A_807 = arith.constant 0.000000e+00 : f32
      %broadcast_in_dim3A_808 = vector.broadcast %jit3A_806 : f32 to vector<16xf32>
      %broadcast_in_dim3A_809 = vector.broadcast %jit3A_807 : f32 to vector<16xf32>
      %select_n3A_810 = arith.select %eq3A_805, %broadcast_in_dim3A_808, %broadcast_in_dim3A_809 : vector<16xi1>, vector<16xf32>
      %add3A_811 = arith.addf %add3A_681, %select_n3A_810 : vector<16xf32>
      %eq3A_812 = arith.constant 1 : i32
      %eq3A_813 = vector.broadcast %eq3A_812 : i32 to vector<16xi32>
      %eq3A_814 = arith.cmpi eq, %gather3A_802, %eq3A_813 : vector<16xi32>
      %jit3A_815 = arith.constant 1.000000e+00 : f32
      %jit3A_816 = arith.constant 0.000000e+00 : f32
      %broadcast_in_dim3A_817 = vector.broadcast %jit3A_815 : f32 to vector<16xf32>
      %broadcast_in_dim3A_818 = vector.broadcast %jit3A_816 : f32 to vector<16xf32>
      %select_n3A_819 = arith.select %eq3A_814, %broadcast_in_dim3A_817, %broadcast_in_dim3A_818 : vector<16xi1>, vector<16xf32>
      %add3A_820 = arith.addf %add3A_690, %select_n3A_819 : vector<16xf32>
      %eq3A_821 = arith.constant 2 : i32
      %eq3A_822 = vector.broadcast %eq3A_821 : i32 to vector<16xi32>
      %eq3A_823 = arith.cmpi eq, %gather3A_802, %eq3A_822 : vector<16xi32>
      %jit3A_824 = arith.constant 1.000000e+00 : f32
      %jit3A_825 = arith.constant 0.000000e+00 : f32
      %broadcast_in_dim3A_826 = vector.broadcast %jit3A_824 : f32 to vector<16xf32>
      %broadcast_in_dim3A_827 = vector.broadcast %jit3A_825 : f32 to vector<16xf32>
      %select_n3A_828 = arith.select %eq3A_823, %broadcast_in_dim3A_826, %broadcast_in_dim3A_827 : vector<16xi1>, vector<16xf32>
      %add3A_829 = arith.addf %add3A_699, %select_n3A_828 : vector<16xf32>
      %eq3A_830 = arith.constant 3 : i32
      %eq3A_831 = vector.broadcast %eq3A_830 : i32 to vector<16xi32>
      %eq3A_832 = arith.cmpi eq, %gather3A_802, %eq3A_831 : vector<16xi32>
      %jit3A_833 = arith.constant 1.000000e+00 : f32
      %jit3A_834 = arith.constant 0.000000e+00 : f32
      %broadcast_in_dim3A_835 = vector.broadcast %jit3A_833 : f32 to vector<16xf32>
      %broadcast_in_dim3A_836 = vector.broadcast %jit3A_834 : f32 to vector<16xf32>
      %select_n3A_837 = arith.select %eq3A_832, %broadcast_in_dim3A_835, %broadcast_in_dim3A_836 : vector<16xi1>, vector<16xf32>
      %add3A_838 = arith.addf %add3A_708, %select_n3A_837 : vector<16xf32>
      %eq3A_839 = arith.constant 4 : i32
      %eq3A_840 = vector.broadcast %eq3A_839 : i32 to vector<16xi32>
      %eq3A_841 = arith.cmpi eq, %gather3A_802, %eq3A_840 : vector<16xi32>
      %jit3A_842 = arith.constant 1.000000e+00 : f32
      %jit3A_843 = arith.constant 0.000000e+00 : f32
      %broadcast_in_dim3A_844 = vector.broadcast %jit3A_842 : f32 to vector<16xf32>
      %broadcast_in_dim3A_845 = vector.broadcast %jit3A_843 : f32 to vector<16xf32>
      %select_n3A_846 = arith.select %eq3A_841, %broadcast_in_dim3A_844, %broadcast_in_dim3A_845 : vector<16xi1>, vector<16xf32>
      %add3A_847 = arith.addf %add3A_717, %select_n3A_846 : vector<16xf32>
      %eq3A_848 = arith.constant 5 : i32
      %eq3A_849 = vector.broadcast %eq3A_848 : i32 to vector<16xi32>
      %eq3A_850 = arith.cmpi eq, %gather3A_802, %eq3A_849 : vector<16xi32>
      %jit3A_851 = arith.constant 1.000000e+00 : f32
      %jit3A_852 = arith.constant 0.000000e+00 : f32
      %broadcast_in_dim3A_853 = vector.broadcast %jit3A_851 : f32 to vector<16xf32>
      %broadcast_in_dim3A_854 = vector.broadcast %jit3A_852 : f32 to vector<16xf32>
      %select_n3A_855 = arith.select %eq3A_850, %broadcast_in_dim3A_853, %broadcast_in_dim3A_854 : vector<16xi1>, vector<16xf32>
      %add3A_856 = arith.addf %add3A_726, %select_n3A_855 : vector<16xf32>
      %eq3A_857 = arith.constant 6 : i32
      %eq3A_858 = vector.broadcast %eq3A_857 : i32 to vector<16xi32>
      %eq3A_859 = arith.cmpi eq, %gather3A_802, %eq3A_858 : vector<16xi32>
      %jit3A_860 = arith.constant 1.000000e+00 : f32
      %jit3A_861 = arith.constant 0.000000e+00 : f32
      %broadcast_in_dim3A_862 = vector.broadcast %jit3A_860 : f32 to vector<16xf32>
      %broadcast_in_dim3A_863 = vector.broadcast %jit3A_861 : f32 to vector<16xf32>
      %select_n3A_864 = arith.select %eq3A_859, %broadcast_in_dim3A_862, %broadcast_in_dim3A_863 : vector<16xi1>, vector<16xf32>
      %add3A_865 = arith.addf %add3A_735, %select_n3A_864 : vector<16xf32>
      %eq3A_866 = arith.constant 7 : i32
      %eq3A_867 = vector.broadcast %eq3A_866 : i32 to vector<16xi32>
      %eq3A_868 = arith.cmpi eq, %gather3A_802, %eq3A_867 : vector<16xi32>
      %jit3A_869 = arith.constant 1.000000e+00 : f32
      %jit3A_870 = arith.constant 0.000000e+00 : f32
      %broadcast_in_dim3A_871 = vector.broadcast %jit3A_869 : f32 to vector<16xf32>
      %broadcast_in_dim3A_872 = vector.broadcast %jit3A_870 : f32 to vector<16xf32>
      %select_n3A_873 = arith.select %eq3A_868, %broadcast_in_dim3A_871, %broadcast_in_dim3A_872 : vector<16xi1>, vector<16xf32>
      %add3A_874 = arith.addf %add3A_744, %select_n3A_873 : vector<16xf32>
      %eq3A_875 = arith.constant 8 : i32
      %eq3A_876 = vector.broadcast %eq3A_875 : i32 to vector<16xi32>
      %eq3A_877 = arith.cmpi eq, %gather3A_802, %eq3A_876 : vector<16xi32>
      %jit3A_878 = arith.constant 1.000000e+00 : f32
      %jit3A_879 = arith.constant 0.000000e+00 : f32
      %broadcast_in_dim3A_880 = vector.broadcast %jit3A_878 : f32 to vector<16xf32>
      %broadcast_in_dim3A_881 = vector.broadcast %jit3A_879 : f32 to vector<16xf32>
      %select_n3A_882 = arith.select %eq3A_877, %broadcast_in_dim3A_880, %broadcast_in_dim3A_881 : vector<16xi1>, vector<16xf32>
      %add3A_883 = arith.addf %add3A_753, %select_n3A_882 : vector<16xf32>
      %eq3A_884 = arith.constant 9 : i32
      %eq3A_885 = vector.broadcast %eq3A_884 : i32 to vector<16xi32>
      %eq3A_886 = arith.cmpi eq, %gather3A_802, %eq3A_885 : vector<16xi32>
      %jit3A_887 = arith.constant 1.000000e+00 : f32
      %jit3A_888 = arith.constant 0.000000e+00 : f32
      %broadcast_in_dim3A_889 = vector.broadcast %jit3A_887 : f32 to vector<16xf32>
      %broadcast_in_dim3A_890 = vector.broadcast %jit3A_888 : f32 to vector<16xf32>
      %select_n3A_891 = arith.select %eq3A_886, %broadcast_in_dim3A_889, %broadcast_in_dim3A_890 : vector<16xi1>, vector<16xf32>
      %add3A_892 = arith.addf %add3A_762, %select_n3A_891 : vector<16xf32>
      %eq3A_893 = arith.constant 10 : i32
      %eq3A_894 = vector.broadcast %eq3A_893 : i32 to vector<16xi32>
      %eq3A_895 = arith.cmpi eq, %gather3A_802, %eq3A_894 : vector<16xi32>
      %jit3A_896 = arith.constant 1.000000e+00 : f32
      %jit3A_897 = arith.constant 0.000000e+00 : f32
      %broadcast_in_dim3A_898 = vector.broadcast %jit3A_896 : f32 to vector<16xf32>
      %broadcast_in_dim3A_899 = vector.broadcast %jit3A_897 : f32 to vector<16xf32>
      %select_n3A_900 = arith.select %eq3A_895, %broadcast_in_dim3A_898, %broadcast_in_dim3A_899 : vector<16xi1>, vector<16xf32>
      %add3A_901 = arith.addf %add3A_771, %select_n3A_900 : vector<16xf32>
      %eq3A_902 = arith.constant 11 : i32
      %eq3A_903 = vector.broadcast %eq3A_902 : i32 to vector<16xi32>
      %eq3A_904 = arith.cmpi eq, %gather3A_802, %eq3A_903 : vector<16xi32>
      %jit3A_905 = arith.constant 1.000000e+00 : f32
      %jit3A_906 = arith.constant 0.000000e+00 : f32
      %broadcast_in_dim3A_907 = vector.broadcast %jit3A_905 : f32 to vector<16xf32>
      %broadcast_in_dim3A_908 = vector.broadcast %jit3A_906 : f32 to vector<16xf32>
      %select_n3A_909 = arith.select %eq3A_904, %broadcast_in_dim3A_907, %broadcast_in_dim3A_908 : vector<16xi1>, vector<16xf32>
      %add3A_910 = arith.addf %add3A_780, %select_n3A_909 : vector<16xf32>
      %eq3A_911 = arith.constant 12 : i32
      %eq3A_912 = vector.broadcast %eq3A_911 : i32 to vector<16xi32>
      %eq3A_913 = arith.cmpi eq, %gather3A_802, %eq3A_912 : vector<16xi32>
      %jit3A_914 = arith.constant 1.000000e+00 : f32
      %jit3A_915 = arith.constant 0.000000e+00 : f32
      %broadcast_in_dim3A_916 = vector.broadcast %jit3A_914 : f32 to vector<16xf32>
      %broadcast_in_dim3A_917 = vector.broadcast %jit3A_915 : f32 to vector<16xf32>
      %select_n3A_918 = arith.select %eq3A_913, %broadcast_in_dim3A_916, %broadcast_in_dim3A_917 : vector<16xi1>, vector<16xf32>
      %add3A_919 = arith.addf %add3A_789, %select_n3A_918 : vector<16xf32>
      %eq3A_920 = arith.constant 13 : i32
      %eq3A_921 = vector.broadcast %eq3A_920 : i32 to vector<16xi32>
      %eq3A_922 = arith.cmpi eq, %gather3A_802, %eq3A_921 : vector<16xi32>
      %jit3A_923 = arith.constant 1.000000e+00 : f32
      %jit3A_924 = arith.constant 0.000000e+00 : f32
      %broadcast_in_dim3A_925 = vector.broadcast %jit3A_923 : f32 to vector<16xf32>
      %broadcast_in_dim3A_926 = vector.broadcast %jit3A_924 : f32 to vector<16xf32>
      %select_n3A_927 = arith.select %eq3A_922, %broadcast_in_dim3A_925, %broadcast_in_dim3A_926 : vector<16xi1>, vector<16xf32>
      %add3A_928 = arith.addf %add3A_798, %select_n3A_927 : vector<16xf32>
      %add3A_929 = arith.constant 7 : i32
      %add3A_930 = vector.broadcast %add3A_929 : i32 to vector<16xi32>
      %add3A_931 = arith.addi %mul3A_22, %add3A_930 : vector<16xi32>
      %gather3A_932 = tpu.vector_load_idx %arg4[%add3A_931] : memref<10240xi32, #tpu.memory_space<vmem>>[vector<16xi32>], vector<16xi32>,
      %eq3A_933 = arith.constant 0 : i32
      %eq3A_934 = vector.broadcast %eq3A_933 : i32 to vector<16xi32>
      %eq3A_935 = arith.cmpi eq, %gather3A_932, %eq3A_934 : vector<16xi32>
      %jit3A_936 = arith.constant 1.000000e+00 : f32
      %jit3A_937 = arith.constant 0.000000e+00 : f32
      %broadcast_in_dim3A_938 = vector.broadcast %jit3A_936 : f32 to vector<16xf32>
      %broadcast_in_dim3A_939 = vector.broadcast %jit3A_937 : f32 to vector<16xf32>
      %select_n3A_940 = arith.select %eq3A_935, %broadcast_in_dim3A_938, %broadcast_in_dim3A_939 : vector<16xi1>, vector<16xf32>
      %add3A_941 = arith.addf %add3A_811, %select_n3A_940 : vector<16xf32>
      %eq3A_942 = arith.constant 1 : i32
      %eq3A_943 = vector.broadcast %eq3A_942 : i32 to vector<16xi32>
      %eq3A_944 = arith.cmpi eq, %gather3A_932, %eq3A_943 : vector<16xi32>
      %jit3A_945 = arith.constant 1.000000e+00 : f32
      %jit3A_946 = arith.constant 0.000000e+00 : f32
      %broadcast_in_dim3A_947 = vector.broadcast %jit3A_945 : f32 to vector<16xf32>
      %broadcast_in_dim3A_948 = vector.broadcast %jit3A_946 : f32 to vector<16xf32>
      %select_n3A_949 = arith.select %eq3A_944, %broadcast_in_dim3A_947, %broadcast_in_dim3A_948 : vector<16xi1>, vector<16xf32>
      %add3A_950 = arith.addf %add3A_820, %select_n3A_949 : vector<16xf32>
      %eq3A_951 = arith.constant 2 : i32
      %eq3A_952 = vector.broadcast %eq3A_951 : i32 to vector<16xi32>
      %eq3A_953 = arith.cmpi eq, %gather3A_932, %eq3A_952 : vector<16xi32>
      %jit3A_954 = arith.constant 1.000000e+00 : f32
      %jit3A_955 = arith.constant 0.000000e+00 : f32
      %broadcast_in_dim3A_956 = vector.broadcast %jit3A_954 : f32 to vector<16xf32>
      %broadcast_in_dim3A_957 = vector.broadcast %jit3A_955 : f32 to vector<16xf32>
      %select_n3A_958 = arith.select %eq3A_953, %broadcast_in_dim3A_956, %broadcast_in_dim3A_957 : vector<16xi1>, vector<16xf32>
      %add3A_959 = arith.addf %add3A_829, %select_n3A_958 : vector<16xf32>
      %eq3A_960 = arith.constant 3 : i32
      %eq3A_961 = vector.broadcast %eq3A_960 : i32 to vector<16xi32>
      %eq3A_962 = arith.cmpi eq, %gather3A_932, %eq3A_961 : vector<16xi32>
      %jit3A_963 = arith.constant 1.000000e+00 : f32
      %jit3A_964 = arith.constant 0.000000e+00 : f32
      %broadcast_in_dim3A_965 = vector.broadcast %jit3A_963 : f32 to vector<16xf32>
      %broadcast_in_dim3A_966 = vector.broadcast %jit3A_964 : f32 to vector<16xf32>
      %select_n3A_967 = arith.select %eq3A_962, %broadcast_in_dim3A_965, %broadcast_in_dim3A_966 : vector<16xi1>, vector<16xf32>
      %add3A_968 = arith.addf %add3A_838, %select_n3A_967 : vector<16xf32>
      %eq3A_969 = arith.constant 4 : i32
      %eq3A_970 = vector.broadcast %eq3A_969 : i32 to vector<16xi32>
      %eq3A_971 = arith.cmpi eq, %gather3A_932, %eq3A_970 : vector<16xi32>
      %jit3A_972 = arith.constant 1.000000e+00 : f32
      %jit3A_973 = arith.constant 0.000000e+00 : f32
      %broadcast_in_dim3A_974 = vector.broadcast %jit3A_972 : f32 to vector<16xf32>
      %broadcast_in_dim3A_975 = vector.broadcast %jit3A_973 : f32 to vector<16xf32>
      %select_n3A_976 = arith.select %eq3A_971, %broadcast_in_dim3A_974, %broadcast_in_dim3A_975 : vector<16xi1>, vector<16xf32>
      %add3A_977 = arith.addf %add3A_847, %select_n3A_976 : vector<16xf32>
      %eq3A_978 = arith.constant 5 : i32
      %eq3A_979 = vector.broadcast %eq3A_978 : i32 to vector<16xi32>
      %eq3A_980 = arith.cmpi eq, %gather3A_932, %eq3A_979 : vector<16xi32>
      %jit3A_981 = arith.constant 1.000000e+00 : f32
      %jit3A_982 = arith.constant 0.000000e+00 : f32
      %broadcast_in_dim3A_983 = vector.broadcast %jit3A_981 : f32 to vector<16xf32>
      %broadcast_in_dim3A_984 = vector.broadcast %jit3A_982 : f32 to vector<16xf32>
      %select_n3A_985 = arith.select %eq3A_980, %broadcast_in_dim3A_983, %broadcast_in_dim3A_984 : vector<16xi1>, vector<16xf32>
      %add3A_986 = arith.addf %add3A_856, %select_n3A_985 : vector<16xf32>
      %eq3A_987 = arith.constant 6 : i32
      %eq3A_988 = vector.broadcast %eq3A_987 : i32 to vector<16xi32>
      %eq3A_989 = arith.cmpi eq, %gather3A_932, %eq3A_988 : vector<16xi32>
      %jit3A_990 = arith.constant 1.000000e+00 : f32
      %jit3A_991 = arith.constant 0.000000e+00 : f32
      %broadcast_in_dim3A_992 = vector.broadcast %jit3A_990 : f32 to vector<16xf32>
      %broadcast_in_dim3A_993 = vector.broadcast %jit3A_991 : f32 to vector<16xf32>
      %select_n3A_994 = arith.select %eq3A_989, %broadcast_in_dim3A_992, %broadcast_in_dim3A_993 : vector<16xi1>, vector<16xf32>
      %add3A_995 = arith.addf %add3A_865, %select_n3A_994 : vector<16xf32>
      %eq3A_996 = arith.constant 7 : i32
      %eq3A_997 = vector.broadcast %eq3A_996 : i32 to vector<16xi32>
      %eq3A_998 = arith.cmpi eq, %gather3A_932, %eq3A_997 : vector<16xi32>
      %jit3A_999 = arith.constant 1.000000e+00 : f32
      %jit3A_1000 = arith.constant 0.000000e+00 : f32
      %broadcast_in_dim3A_1001 = vector.broadcast %jit3A_999 : f32 to vector<16xf32>
      %broadcast_in_dim3A_1002 = vector.broadcast %jit3A_1000 : f32 to vector<16xf32>
      %select_n3A_1003 = arith.select %eq3A_998, %broadcast_in_dim3A_1001, %broadcast_in_dim3A_1002 : vector<16xi1>, vector<16xf32>
      %add3A_1004 = arith.addf %add3A_874, %select_n3A_1003 : vector<16xf32>
      %eq3A_1005 = arith.constant 8 : i32
      %eq3A_1006 = vector.broadcast %eq3A_1005 : i32 to vector<16xi32>
      %eq3A_1007 = arith.cmpi eq, %gather3A_932, %eq3A_1006 : vector<16xi32>
      %jit3A_1008 = arith.constant 1.000000e+00 : f32
      %jit3A_1009 = arith.constant 0.000000e+00 : f32
      %broadcast_in_dim3A_1010 = vector.broadcast %jit3A_1008 : f32 to vector<16xf32>
      %broadcast_in_dim3A_1011 = vector.broadcast %jit3A_1009 : f32 to vector<16xf32>
      %select_n3A_1012 = arith.select %eq3A_1007, %broadcast_in_dim3A_1010, %broadcast_in_dim3A_1011 : vector<16xi1>, vector<16xf32>
      %add3A_1013 = arith.addf %add3A_883, %select_n3A_1012 : vector<16xf32>
      %eq3A_1014 = arith.constant 9 : i32
      %eq3A_1015 = vector.broadcast %eq3A_1014 : i32 to vector<16xi32>
      %eq3A_1016 = arith.cmpi eq, %gather3A_932, %eq3A_1015 : vector<16xi32>
      %jit3A_1017 = arith.constant 1.000000e+00 : f32
      %jit3A_1018 = arith.constant 0.000000e+00 : f32
      %broadcast_in_dim3A_1019 = vector.broadcast %jit3A_1017 : f32 to vector<16xf32>
      %broadcast_in_dim3A_1020 = vector.broadcast %jit3A_1018 : f32 to vector<16xf32>
      %select_n3A_1021 = arith.select %eq3A_1016, %broadcast_in_dim3A_1019, %broadcast_in_dim3A_1020 : vector<16xi1>, vector<16xf32>
      %add3A_1022 = arith.addf %add3A_892, %select_n3A_1021 : vector<16xf32>
      %eq3A_1023 = arith.constant 10 : i32
      %eq3A_1024 = vector.broadcast %eq3A_1023 : i32 to vector<16xi32>
      %eq3A_1025 = arith.cmpi eq, %gather3A_932, %eq3A_1024 : vector<16xi32>
      %jit3A_1026 = arith.constant 1.000000e+00 : f32
      %jit3A_1027 = arith.constant 0.000000e+00 : f32
      %broadcast_in_dim3A_1028 = vector.broadcast %jit3A_1026 : f32 to vector<16xf32>
      %broadcast_in_dim3A_1029 = vector.broadcast %jit3A_1027 : f32 to vector<16xf32>
      %select_n3A_1030 = arith.select %eq3A_1025, %broadcast_in_dim3A_1028, %broadcast_in_dim3A_1029 : vector<16xi1>, vector<16xf32>
      %add3A_1031 = arith.addf %add3A_901, %select_n3A_1030 : vector<16xf32>
      %eq3A_1032 = arith.constant 11 : i32
      %eq3A_1033 = vector.broadcast %eq3A_1032 : i32 to vector<16xi32>
      %eq3A_1034 = arith.cmpi eq, %gather3A_932, %eq3A_1033 : vector<16xi32>
      %jit3A_1035 = arith.constant 1.000000e+00 : f32
      %jit3A_1036 = arith.constant 0.000000e+00 : f32
      %broadcast_in_dim3A_1037 = vector.broadcast %jit3A_1035 : f32 to vector<16xf32>
      %broadcast_in_dim3A_1038 = vector.broadcast %jit3A_1036 : f32 to vector<16xf32>
      %select_n3A_1039 = arith.select %eq3A_1034, %broadcast_in_dim3A_1037, %broadcast_in_dim3A_1038 : vector<16xi1>, vector<16xf32>
      %add3A_1040 = arith.addf %add3A_910, %select_n3A_1039 : vector<16xf32>
      %eq3A_1041 = arith.constant 12 : i32
      %eq3A_1042 = vector.broadcast %eq3A_1041 : i32 to vector<16xi32>
      %eq3A_1043 = arith.cmpi eq, %gather3A_932, %eq3A_1042 : vector<16xi32>
      %jit3A_1044 = arith.constant 1.000000e+00 : f32
      %jit3A_1045 = arith.constant 0.000000e+00 : f32
      %broadcast_in_dim3A_1046 = vector.broadcast %jit3A_1044 : f32 to vector<16xf32>
      %broadcast_in_dim3A_1047 = vector.broadcast %jit3A_1045 : f32 to vector<16xf32>
      %select_n3A_1048 = arith.select %eq3A_1043, %broadcast_in_dim3A_1046, %broadcast_in_dim3A_1047 : vector<16xi1>, vector<16xf32>
      %add3A_1049 = arith.addf %add3A_919, %select_n3A_1048 : vector<16xf32>
      %eq3A_1050 = arith.constant 13 : i32
      %eq3A_1051 = vector.broadcast %eq3A_1050 : i32 to vector<16xi32>
      %eq3A_1052 = arith.cmpi eq, %gather3A_932, %eq3A_1051 : vector<16xi32>
      %jit3A_1053 = arith.constant 1.000000e+00 : f32
      %jit3A_1054 = arith.constant 0.000000e+00 : f32
      %broadcast_in_dim3A_1055 = vector.broadcast %jit3A_1053 : f32 to vector<16xf32>
      %broadcast_in_dim3A_1056 = vector.broadcast %jit3A_1054 : f32 to vector<16xf32>
      %select_n3A_1057 = arith.select %eq3A_1052, %broadcast_in_dim3A_1055, %broadcast_in_dim3A_1056 : vector<16xi1>, vector<16xf32>
      %add3A_1058 = arith.addf %add3A_928, %select_n3A_1057 : vector<16xf32>
      %add3A_1059 = arith.constant 8 : i32
      %add3A_1060 = vector.broadcast %add3A_1059 : i32 to vector<16xi32>
      %add3A_1061 = arith.addi %mul3A_22, %add3A_1060 : vector<16xi32>
      %gather3A_1062 = tpu.vector_load_idx %arg4[%add3A_1061] : memref<10240xi32, #tpu.memory_space<vmem>>[vector<16xi32>], vector<16xi32>,
      %eq3A_1063 = arith.constant 0 : i32
      %eq3A_1064 = vector.broadcast %eq3A_1063 : i32 to vector<16xi32>
      %eq3A_1065 = arith.cmpi eq, %gather3A_1062, %eq3A_1064 : vector<16xi32>
      %jit3A_1066 = arith.constant 1.000000e+00 : f32
      %jit3A_1067 = arith.constant 0.000000e+00 : f32
      %broadcast_in_dim3A_1068 = vector.broadcast %jit3A_1066 : f32 to vector<16xf32>
      %broadcast_in_dim3A_1069 = vector.broadcast %jit3A_1067 : f32 to vector<16xf32>
      %select_n3A_1070 = arith.select %eq3A_1065, %broadcast_in_dim3A_1068, %broadcast_in_dim3A_1069 : vector<16xi1>, vector<16xf32>
      %add3A_1071 = arith.addf %add3A_941, %select_n3A_1070 : vector<16xf32>
      %eq3A_1072 = arith.constant 1 : i32
      %eq3A_1073 = vector.broadcast %eq3A_1072 : i32 to vector<16xi32>
      %eq3A_1074 = arith.cmpi eq, %gather3A_1062, %eq3A_1073 : vector<16xi32>
      %jit3A_1075 = arith.constant 1.000000e+00 : f32
      %jit3A_1076 = arith.constant 0.000000e+00 : f32
      %broadcast_in_dim3A_1077 = vector.broadcast %jit3A_1075 : f32 to vector<16xf32>
      %broadcast_in_dim3A_1078 = vector.broadcast %jit3A_1076 : f32 to vector<16xf32>
      %select_n3A_1079 = arith.select %eq3A_1074, %broadcast_in_dim3A_1077, %broadcast_in_dim3A_1078 : vector<16xi1>, vector<16xf32>
      %add3A_1080 = arith.addf %add3A_950, %select_n3A_1079 : vector<16xf32>
      %eq3A_1081 = arith.constant 2 : i32
      %eq3A_1082 = vector.broadcast %eq3A_1081 : i32 to vector<16xi32>
      %eq3A_1083 = arith.cmpi eq, %gather3A_1062, %eq3A_1082 : vector<16xi32>
      %jit3A_1084 = arith.constant 1.000000e+00 : f32
      %jit3A_1085 = arith.constant 0.000000e+00 : f32
      %broadcast_in_dim3A_1086 = vector.broadcast %jit3A_1084 : f32 to vector<16xf32>
      %broadcast_in_dim3A_1087 = vector.broadcast %jit3A_1085 : f32 to vector<16xf32>
      %select_n3A_1088 = arith.select %eq3A_1083, %broadcast_in_dim3A_1086, %broadcast_in_dim3A_1087 : vector<16xi1>, vector<16xf32>
      %add3A_1089 = arith.addf %add3A_959, %select_n3A_1088 : vector<16xf32>
      %eq3A_1090 = arith.constant 3 : i32
      %eq3A_1091 = vector.broadcast %eq3A_1090 : i32 to vector<16xi32>
      %eq3A_1092 = arith.cmpi eq, %gather3A_1062, %eq3A_1091 : vector<16xi32>
      %jit3A_1093 = arith.constant 1.000000e+00 : f32
      %jit3A_1094 = arith.constant 0.000000e+00 : f32
      %broadcast_in_dim3A_1095 = vector.broadcast %jit3A_1093 : f32 to vector<16xf32>
      %broadcast_in_dim3A_1096 = vector.broadcast %jit3A_1094 : f32 to vector<16xf32>
      %select_n3A_1097 = arith.select %eq3A_1092, %broadcast_in_dim3A_1095, %broadcast_in_dim3A_1096 : vector<16xi1>, vector<16xf32>
      %add3A_1098 = arith.addf %add3A_968, %select_n3A_1097 : vector<16xf32>
      %eq3A_1099 = arith.constant 4 : i32
      %eq3A_1100 = vector.broadcast %eq3A_1099 : i32 to vector<16xi32>
      %eq3A_1101 = arith.cmpi eq, %gather3A_1062, %eq3A_1100 : vector<16xi32>
      %jit3A_1102 = arith.constant 1.000000e+00 : f32
      %jit3A_1103 = arith.constant 0.000000e+00 : f32
      %broadcast_in_dim3A_1104 = vector.broadcast %jit3A_1102 : f32 to vector<16xf32>
      %broadcast_in_dim3A_1105 = vector.broadcast %jit3A_1103 : f32 to vector<16xf32>
      %select_n3A_1106 = arith.select %eq3A_1101, %broadcast_in_dim3A_1104, %broadcast_in_dim3A_1105 : vector<16xi1>, vector<16xf32>
      %add3A_1107 = arith.addf %add3A_977, %select_n3A_1106 : vector<16xf32>
      %eq3A_1108 = arith.constant 5 : i32
      %eq3A_1109 = vector.broadcast %eq3A_1108 : i32 to vector<16xi32>
      %eq3A_1110 = arith.cmpi eq, %gather3A_1062, %eq3A_1109 : vector<16xi32>
      %jit3A_1111 = arith.constant 1.000000e+00 : f32
      %jit3A_1112 = arith.constant 0.000000e+00 : f32
      %broadcast_in_dim3A_1113 = vector.broadcast %jit3A_1111 : f32 to vector<16xf32>
      %broadcast_in_dim3A_1114 = vector.broadcast %jit3A_1112 : f32 to vector<16xf32>
      %select_n3A_1115 = arith.select %eq3A_1110, %broadcast_in_dim3A_1113, %broadcast_in_dim3A_1114 : vector<16xi1>, vector<16xf32>
      %add3A_1116 = arith.addf %add3A_986, %select_n3A_1115 : vector<16xf32>
      %eq3A_1117 = arith.constant 6 : i32
      %eq3A_1118 = vector.broadcast %eq3A_1117 : i32 to vector<16xi32>
      %eq3A_1119 = arith.cmpi eq, %gather3A_1062, %eq3A_1118 : vector<16xi32>
      %jit3A_1120 = arith.constant 1.000000e+00 : f32
      %jit3A_1121 = arith.constant 0.000000e+00 : f32
      %broadcast_in_dim3A_1122 = vector.broadcast %jit3A_1120 : f32 to vector<16xf32>
      %broadcast_in_dim3A_1123 = vector.broadcast %jit3A_1121 : f32 to vector<16xf32>
      %select_n3A_1124 = arith.select %eq3A_1119, %broadcast_in_dim3A_1122, %broadcast_in_dim3A_1123 : vector<16xi1>, vector<16xf32>
      %add3A_1125 = arith.addf %add3A_995, %select_n3A_1124 : vector<16xf32>
      %eq3A_1126 = arith.constant 7 : i32
      %eq3A_1127 = vector.broadcast %eq3A_1126 : i32 to vector<16xi32>
      %eq3A_1128 = arith.cmpi eq, %gather3A_1062, %eq3A_1127 : vector<16xi32>
      %jit3A_1129 = arith.constant 1.000000e+00 : f32
      %jit3A_1130 = arith.constant 0.000000e+00 : f32
      %broadcast_in_dim3A_1131 = vector.broadcast %jit3A_1129 : f32 to vector<16xf32>
      %broadcast_in_dim3A_1132 = vector.broadcast %jit3A_1130 : f32 to vector<16xf32>
      %select_n3A_1133 = arith.select %eq3A_1128, %broadcast_in_dim3A_1131, %broadcast_in_dim3A_1132 : vector<16xi1>, vector<16xf32>
      %add3A_1134 = arith.addf %add3A_1004, %select_n3A_1133 : vector<16xf32>
      %eq3A_1135 = arith.constant 8 : i32
      %eq3A_1136 = vector.broadcast %eq3A_1135 : i32 to vector<16xi32>
      %eq3A_1137 = arith.cmpi eq, %gather3A_1062, %eq3A_1136 : vector<16xi32>
      %jit3A_1138 = arith.constant 1.000000e+00 : f32
      %jit3A_1139 = arith.constant 0.000000e+00 : f32
      %broadcast_in_dim3A_1140 = vector.broadcast %jit3A_1138 : f32 to vector<16xf32>
      %broadcast_in_dim3A_1141 = vector.broadcast %jit3A_1139 : f32 to vector<16xf32>
      %select_n3A_1142 = arith.select %eq3A_1137, %broadcast_in_dim3A_1140, %broadcast_in_dim3A_1141 : vector<16xi1>, vector<16xf32>
      %add3A_1143 = arith.addf %add3A_1013, %select_n3A_1142 : vector<16xf32>
      %eq3A_1144 = arith.constant 9 : i32
      %eq3A_1145 = vector.broadcast %eq3A_1144 : i32 to vector<16xi32>
      %eq3A_1146 = arith.cmpi eq, %gather3A_1062, %eq3A_1145 : vector<16xi32>
      %jit3A_1147 = arith.constant 1.000000e+00 : f32
      %jit3A_1148 = arith.constant 0.000000e+00 : f32
      %broadcast_in_dim3A_1149 = vector.broadcast %jit3A_1147 : f32 to vector<16xf32>
      %broadcast_in_dim3A_1150 = vector.broadcast %jit3A_1148 : f32 to vector<16xf32>
      %select_n3A_1151 = arith.select %eq3A_1146, %broadcast_in_dim3A_1149, %broadcast_in_dim3A_1150 : vector<16xi1>, vector<16xf32>
      %add3A_1152 = arith.addf %add3A_1022, %select_n3A_1151 : vector<16xf32>
      %eq3A_1153 = arith.constant 10 : i32
      %eq3A_1154 = vector.broadcast %eq3A_1153 : i32 to vector<16xi32>
      %eq3A_1155 = arith.cmpi eq, %gather3A_1062, %eq3A_1154 : vector<16xi32>
      %jit3A_1156 = arith.constant 1.000000e+00 : f32
      %jit3A_1157 = arith.constant 0.000000e+00 : f32
      %broadcast_in_dim3A_1158 = vector.broadcast %jit3A_1156 : f32 to vector<16xf32>
      %broadcast_in_dim3A_1159 = vector.broadcast %jit3A_1157 : f32 to vector<16xf32>
      %select_n3A_1160 = arith.select %eq3A_1155, %broadcast_in_dim3A_1158, %broadcast_in_dim3A_1159 : vector<16xi1>, vector<16xf32>
      %add3A_1161 = arith.addf %add3A_1031, %select_n3A_1160 : vector<16xf32>
      %eq3A_1162 = arith.constant 11 : i32
      %eq3A_1163 = vector.broadcast %eq3A_1162 : i32 to vector<16xi32>
      %eq3A_1164 = arith.cmpi eq, %gather3A_1062, %eq3A_1163 : vector<16xi32>
      %jit3A_1165 = arith.constant 1.000000e+00 : f32
      %jit3A_1166 = arith.constant 0.000000e+00 : f32
      %broadcast_in_dim3A_1167 = vector.broadcast %jit3A_1165 : f32 to vector<16xf32>
      %broadcast_in_dim3A_1168 = vector.broadcast %jit3A_1166 : f32 to vector<16xf32>
      %select_n3A_1169 = arith.select %eq3A_1164, %broadcast_in_dim3A_1167, %broadcast_in_dim3A_1168 : vector<16xi1>, vector<16xf32>
      %add3A_1170 = arith.addf %add3A_1040, %select_n3A_1169 : vector<16xf32>
      %eq3A_1171 = arith.constant 12 : i32
      %eq3A_1172 = vector.broadcast %eq3A_1171 : i32 to vector<16xi32>
      %eq3A_1173 = arith.cmpi eq, %gather3A_1062, %eq3A_1172 : vector<16xi32>
      %jit3A_1174 = arith.constant 1.000000e+00 : f32
      %jit3A_1175 = arith.constant 0.000000e+00 : f32
      %broadcast_in_dim3A_1176 = vector.broadcast %jit3A_1174 : f32 to vector<16xf32>
      %broadcast_in_dim3A_1177 = vector.broadcast %jit3A_1175 : f32 to vector<16xf32>
      %select_n3A_1178 = arith.select %eq3A_1173, %broadcast_in_dim3A_1176, %broadcast_in_dim3A_1177 : vector<16xi1>, vector<16xf32>
      %add3A_1179 = arith.addf %add3A_1049, %select_n3A_1178 : vector<16xf32>
      %eq3A_1180 = arith.constant 13 : i32
      %eq3A_1181 = vector.broadcast %eq3A_1180 : i32 to vector<16xi32>
      %eq3A_1182 = arith.cmpi eq, %gather3A_1062, %eq3A_1181 : vector<16xi32>
      %jit3A_1183 = arith.constant 1.000000e+00 : f32
      %jit3A_1184 = arith.constant 0.000000e+00 : f32
      %broadcast_in_dim3A_1185 = vector.broadcast %jit3A_1183 : f32 to vector<16xf32>
      %broadcast_in_dim3A_1186 = vector.broadcast %jit3A_1184 : f32 to vector<16xf32>
      %select_n3A_1187 = arith.select %eq3A_1182, %broadcast_in_dim3A_1185, %broadcast_in_dim3A_1186 : vector<16xi1>, vector<16xf32>
      %add3A_1188 = arith.addf %add3A_1058, %select_n3A_1187 : vector<16xf32>
      %add3A_1189 = arith.constant 9 : i32
      %add3A_1190 = vector.broadcast %add3A_1189 : i32 to vector<16xi32>
      %add3A_1191 = arith.addi %mul3A_22, %add3A_1190 : vector<16xi32>
      %gather3A_1192 = tpu.vector_load_idx %arg4[%add3A_1191] : memref<10240xi32, #tpu.memory_space<vmem>>[vector<16xi32>], vector<16xi32>,
      %eq3A_1193 = arith.constant 0 : i32
      %eq3A_1194 = vector.broadcast %eq3A_1193 : i32 to vector<16xi32>
      %eq3A_1195 = arith.cmpi eq, %gather3A_1192, %eq3A_1194 : vector<16xi32>
      %jit3A_1196 = arith.constant 1.000000e+00 : f32
      %jit3A_1197 = arith.constant 0.000000e+00 : f32
      %broadcast_in_dim3A_1198 = vector.broadcast %jit3A_1196 : f32 to vector<16xf32>
      %broadcast_in_dim3A_1199 = vector.broadcast %jit3A_1197 : f32 to vector<16xf32>
      %select_n3A_1200 = arith.select %eq3A_1195, %broadcast_in_dim3A_1198, %broadcast_in_dim3A_1199 : vector<16xi1>, vector<16xf32>
      %add3A_1201 = arith.addf %add3A_1071, %select_n3A_1200 : vector<16xf32>
      %eq3A_1202 = arith.constant 1 : i32
      %eq3A_1203 = vector.broadcast %eq3A_1202 : i32 to vector<16xi32>
      %eq3A_1204 = arith.cmpi eq, %gather3A_1192, %eq3A_1203 : vector<16xi32>
      %jit3A_1205 = arith.constant 1.000000e+00 : f32
      %jit3A_1206 = arith.constant 0.000000e+00 : f32
      %broadcast_in_dim3A_1207 = vector.broadcast %jit3A_1205 : f32 to vector<16xf32>
      %broadcast_in_dim3A_1208 = vector.broadcast %jit3A_1206 : f32 to vector<16xf32>
      %select_n3A_1209 = arith.select %eq3A_1204, %broadcast_in_dim3A_1207, %broadcast_in_dim3A_1208 : vector<16xi1>, vector<16xf32>
      %add3A_1210 = arith.addf %add3A_1080, %select_n3A_1209 : vector<16xf32>
      %eq3A_1211 = arith.constant 2 : i32
      %eq3A_1212 = vector.broadcast %eq3A_1211 : i32 to vector<16xi32>
      %eq3A_1213 = arith.cmpi eq, %gather3A_1192, %eq3A_1212 : vector<16xi32>
      %jit3A_1214 = arith.constant 1.000000e+00 : f32
      %jit3A_1215 = arith.constant 0.000000e+00 : f32
      %broadcast_in_dim3A_1216 = vector.broadcast %jit3A_1214 : f32 to vector<16xf32>
      %broadcast_in_dim3A_1217 = vector.broadcast %jit3A_1215 : f32 to vector<16xf32>
      %select_n3A_1218 = arith.select %eq3A_1213, %broadcast_in_dim3A_1216, %broadcast_in_dim3A_1217 : vector<16xi1>, vector<16xf32>
      %add3A_1219 = arith.addf %add3A_1089, %select_n3A_1218 : vector<16xf32>
      %eq3A_1220 = arith.constant 3 : i32
      %eq3A_1221 = vector.broadcast %eq3A_1220 : i32 to vector<16xi32>
      %eq3A_1222 = arith.cmpi eq, %gather3A_1192, %eq3A_1221 : vector<16xi32>
      %jit3A_1223 = arith.constant 1.000000e+00 : f32
      %jit3A_1224 = arith.constant 0.000000e+00 : f32
      %broadcast_in_dim3A_1225 = vector.broadcast %jit3A_1223 : f32 to vector<16xf32>
      %broadcast_in_dim3A_1226 = vector.broadcast %jit3A_1224 : f32 to vector<16xf32>
      %select_n3A_1227 = arith.select %eq3A_1222, %broadcast_in_dim3A_1225, %broadcast_in_dim3A_1226 : vector<16xi1>, vector<16xf32>
      %add3A_1228 = arith.addf %add3A_1098, %select_n3A_1227 : vector<16xf32>
      %eq3A_1229 = arith.constant 4 : i32
      %eq3A_1230 = vector.broadcast %eq3A_1229 : i32 to vector<16xi32>
      %eq3A_1231 = arith.cmpi eq, %gather3A_1192, %eq3A_1230 : vector<16xi32>
      %jit3A_1232 = arith.constant 1.000000e+00 : f32
      %jit3A_1233 = arith.constant 0.000000e+00 : f32
      %broadcast_in_dim3A_1234 = vector.broadcast %jit3A_1232 : f32 to vector<16xf32>
      %broadcast_in_dim3A_1235 = vector.broadcast %jit3A_1233 : f32 to vector<16xf32>
      %select_n3A_1236 = arith.select %eq3A_1231, %broadcast_in_dim3A_1234, %broadcast_in_dim3A_1235 : vector<16xi1>, vector<16xf32>
      %add3A_1237 = arith.addf %add3A_1107, %select_n3A_1236 : vector<16xf32>
      %eq3A_1238 = arith.constant 5 : i32
      %eq3A_1239 = vector.broadcast %eq3A_1238 : i32 to vector<16xi32>
      %eq3A_1240 = arith.cmpi eq, %gather3A_1192, %eq3A_1239 : vector<16xi32>
      %jit3A_1241 = arith.constant 1.000000e+00 : f32
      %jit3A_1242 = arith.constant 0.000000e+00 : f32
      %broadcast_in_dim3A_1243 = vector.broadcast %jit3A_1241 : f32 to vector<16xf32>
      %broadcast_in_dim3A_1244 = vector.broadcast %jit3A_1242 : f32 to vector<16xf32>
      %select_n3A_1245 = arith.select %eq3A_1240, %broadcast_in_dim3A_1243, %broadcast_in_dim3A_1244 : vector<16xi1>, vector<16xf32>
      %add3A_1246 = arith.addf %add3A_1116, %select_n3A_1245 : vector<16xf32>
      %eq3A_1247 = arith.constant 6 : i32
      %eq3A_1248 = vector.broadcast %eq3A_1247 : i32 to vector<16xi32>
      %eq3A_1249 = arith.cmpi eq, %gather3A_1192, %eq3A_1248 : vector<16xi32>
      %jit3A_1250 = arith.constant 1.000000e+00 : f32
      %jit3A_1251 = arith.constant 0.000000e+00 : f32
      %broadcast_in_dim3A_1252 = vector.broadcast %jit3A_1250 : f32 to vector<16xf32>
      %broadcast_in_dim3A_1253 = vector.broadcast %jit3A_1251 : f32 to vector<16xf32>
      %select_n3A_1254 = arith.select %eq3A_1249, %broadcast_in_dim3A_1252, %broadcast_in_dim3A_1253 : vector<16xi1>, vector<16xf32>
      %add3A_1255 = arith.addf %add3A_1125, %select_n3A_1254 : vector<16xf32>
      %eq3A_1256 = arith.constant 7 : i32
      %eq3A_1257 = vector.broadcast %eq3A_1256 : i32 to vector<16xi32>
      %eq3A_1258 = arith.cmpi eq, %gather3A_1192, %eq3A_1257 : vector<16xi32>
      %jit3A_1259 = arith.constant 1.000000e+00 : f32
      %jit3A_1260 = arith.constant 0.000000e+00 : f32
      %broadcast_in_dim3A_1261 = vector.broadcast %jit3A_1259 : f32 to vector<16xf32>
      %broadcast_in_dim3A_1262 = vector.broadcast %jit3A_1260 : f32 to vector<16xf32>
      %select_n3A_1263 = arith.select %eq3A_1258, %broadcast_in_dim3A_1261, %broadcast_in_dim3A_1262 : vector<16xi1>, vector<16xf32>
      %add3A_1264 = arith.addf %add3A_1134, %select_n3A_1263 : vector<16xf32>
      %eq3A_1265 = arith.constant 8 : i32
      %eq3A_1266 = vector.broadcast %eq3A_1265 : i32 to vector<16xi32>
      %eq3A_1267 = arith.cmpi eq, %gather3A_1192, %eq3A_1266 : vector<16xi32>
      %jit3A_1268 = arith.constant 1.000000e+00 : f32
      %jit3A_1269 = arith.constant 0.000000e+00 : f32
      %broadcast_in_dim3A_1270 = vector.broadcast %jit3A_1268 : f32 to vector<16xf32>
      %broadcast_in_dim3A_1271 = vector.broadcast %jit3A_1269 : f32 to vector<16xf32>
      %select_n3A_1272 = arith.select %eq3A_1267, %broadcast_in_dim3A_1270, %broadcast_in_dim3A_1271 : vector<16xi1>, vector<16xf32>
      %add3A_1273 = arith.addf %add3A_1143, %select_n3A_1272 : vector<16xf32>
      %eq3A_1274 = arith.constant 9 : i32
      %eq3A_1275 = vector.broadcast %eq3A_1274 : i32 to vector<16xi32>
      %eq3A_1276 = arith.cmpi eq, %gather3A_1192, %eq3A_1275 : vector<16xi32>
      %jit3A_1277 = arith.constant 1.000000e+00 : f32
      %jit3A_1278 = arith.constant 0.000000e+00 : f32
      %broadcast_in_dim3A_1279 = vector.broadcast %jit3A_1277 : f32 to vector<16xf32>
      %broadcast_in_dim3A_1280 = vector.broadcast %jit3A_1278 : f32 to vector<16xf32>
      %select_n3A_1281 = arith.select %eq3A_1276, %broadcast_in_dim3A_1279, %broadcast_in_dim3A_1280 : vector<16xi1>, vector<16xf32>
      %add3A_1282 = arith.addf %add3A_1152, %select_n3A_1281 : vector<16xf32>
      %eq3A_1283 = arith.constant 10 : i32
      %eq3A_1284 = vector.broadcast %eq3A_1283 : i32 to vector<16xi32>
      %eq3A_1285 = arith.cmpi eq, %gather3A_1192, %eq3A_1284 : vector<16xi32>
      %jit3A_1286 = arith.constant 1.000000e+00 : f32
      %jit3A_1287 = arith.constant 0.000000e+00 : f32
      %broadcast_in_dim3A_1288 = vector.broadcast %jit3A_1286 : f32 to vector<16xf32>
      %broadcast_in_dim3A_1289 = vector.broadcast %jit3A_1287 : f32 to vector<16xf32>
      %select_n3A_1290 = arith.select %eq3A_1285, %broadcast_in_dim3A_1288, %broadcast_in_dim3A_1289 : vector<16xi1>, vector<16xf32>
      %add3A_1291 = arith.addf %add3A_1161, %select_n3A_1290 : vector<16xf32>
      %eq3A_1292 = arith.constant 11 : i32
      %eq3A_1293 = vector.broadcast %eq3A_1292 : i32 to vector<16xi32>
      %eq3A_1294 = arith.cmpi eq, %gather3A_1192, %eq3A_1293 : vector<16xi32>
      %jit3A_1295 = arith.constant 1.000000e+00 : f32
      %jit3A_1296 = arith.constant 0.000000e+00 : f32
      %broadcast_in_dim3A_1297 = vector.broadcast %jit3A_1295 : f32 to vector<16xf32>
      %broadcast_in_dim3A_1298 = vector.broadcast %jit3A_1296 : f32 to vector<16xf32>
      %select_n3A_1299 = arith.select %eq3A_1294, %broadcast_in_dim3A_1297, %broadcast_in_dim3A_1298 : vector<16xi1>, vector<16xf32>
      %add3A_1300 = arith.addf %add3A_1170, %select_n3A_1299 : vector<16xf32>
      %eq3A_1301 = arith.constant 12 : i32
      %eq3A_1302 = vector.broadcast %eq3A_1301 : i32 to vector<16xi32>
      %eq3A_1303 = arith.cmpi eq, %gather3A_1192, %eq3A_1302 : vector<16xi32>
      %jit3A_1304 = arith.constant 1.000000e+00 : f32
      %jit3A_1305 = arith.constant 0.000000e+00 : f32
      %broadcast_in_dim3A_1306 = vector.broadcast %jit3A_1304 : f32 to vector<16xf32>
      %broadcast_in_dim3A_1307 = vector.broadcast %jit3A_1305 : f32 to vector<16xf32>
      %select_n3A_1308 = arith.select %eq3A_1303, %broadcast_in_dim3A_1306, %broadcast_in_dim3A_1307 : vector<16xi1>, vector<16xf32>
      %add3A_1309 = arith.addf %add3A_1179, %select_n3A_1308 : vector<16xf32>
      %eq3A_1310 = arith.constant 13 : i32
      %eq3A_1311 = vector.broadcast %eq3A_1310 : i32 to vector<16xi32>
      %eq3A_1312 = arith.cmpi eq, %gather3A_1192, %eq3A_1311 : vector<16xi32>
      %jit3A_1313 = arith.constant 1.000000e+00 : f32
      %jit3A_1314 = arith.constant 0.000000e+00 : f32
      %broadcast_in_dim3A_1315 = vector.broadcast %jit3A_1313 : f32 to vector<16xf32>
      %broadcast_in_dim3A_1316 = vector.broadcast %jit3A_1314 : f32 to vector<16xf32>
      %select_n3A_1317 = arith.select %eq3A_1312, %broadcast_in_dim3A_1315, %broadcast_in_dim3A_1316 : vector<16xi1>, vector<16xf32>
      %add3A_1318 = arith.addf %add3A_1188, %select_n3A_1317 : vector<16xf32>
      %add3A_1319 = arith.constant 10 : i32
      %add3A_1320 = vector.broadcast %add3A_1319 : i32 to vector<16xi32>
      %add3A_1321 = arith.addi %mul3A_22, %add3A_1320 : vector<16xi32>
      %gather3A_1322 = tpu.vector_load_idx %arg4[%add3A_1321] : memref<10240xi32, #tpu.memory_space<vmem>>[vector<16xi32>], vector<16xi32>,
      %eq3A_1323 = arith.constant 0 : i32
      %eq3A_1324 = vector.broadcast %eq3A_1323 : i32 to vector<16xi32>
      %eq3A_1325 = arith.cmpi eq, %gather3A_1322, %eq3A_1324 : vector<16xi32>
      %jit3A_1326 = arith.constant 1.000000e+00 : f32
      %jit3A_1327 = arith.constant 0.000000e+00 : f32
      %broadcast_in_dim3A_1328 = vector.broadcast %jit3A_1326 : f32 to vector<16xf32>
      %broadcast_in_dim3A_1329 = vector.broadcast %jit3A_1327 : f32 to vector<16xf32>
      %select_n3A_1330 = arith.select %eq3A_1325, %broadcast_in_dim3A_1328, %broadcast_in_dim3A_1329 : vector<16xi1>, vector<16xf32>
      %add3A_1331 = arith.addf %add3A_1201, %select_n3A_1330 : vector<16xf32>
      %eq3A_1332 = arith.constant 1 : i32
      %eq3A_1333 = vector.broadcast %eq3A_1332 : i32 to vector<16xi32>
      %eq3A_1334 = arith.cmpi eq, %gather3A_1322, %eq3A_1333 : vector<16xi32>
      %jit3A_1335 = arith.constant 1.000000e+00 : f32
      %jit3A_1336 = arith.constant 0.000000e+00 : f32
      %broadcast_in_dim3A_1337 = vector.broadcast %jit3A_1335 : f32 to vector<16xf32>
      %broadcast_in_dim3A_1338 = vector.broadcast %jit3A_1336 : f32 to vector<16xf32>
      %select_n3A_1339 = arith.select %eq3A_1334, %broadcast_in_dim3A_1337, %broadcast_in_dim3A_1338 : vector<16xi1>, vector<16xf32>
      %add3A_1340 = arith.addf %add3A_1210, %select_n3A_1339 : vector<16xf32>
      %eq3A_1341 = arith.constant 2 : i32
      %eq3A_1342 = vector.broadcast %eq3A_1341 : i32 to vector<16xi32>
      %eq3A_1343 = arith.cmpi eq, %gather3A_1322, %eq3A_1342 : vector<16xi32>
      %jit3A_1344 = arith.constant 1.000000e+00 : f32
      %jit3A_1345 = arith.constant 0.000000e+00 : f32
      %broadcast_in_dim3A_1346 = vector.broadcast %jit3A_1344 : f32 to vector<16xf32>
      %broadcast_in_dim3A_1347 = vector.broadcast %jit3A_1345 : f32 to vector<16xf32>
      %select_n3A_1348 = arith.select %eq3A_1343, %broadcast_in_dim3A_1346, %broadcast_in_dim3A_1347 : vector<16xi1>, vector<16xf32>
      %add3A_1349 = arith.addf %add3A_1219, %select_n3A_1348 : vector<16xf32>
      %eq3A_1350 = arith.constant 3 : i32
      %eq3A_1351 = vector.broadcast %eq3A_1350 : i32 to vector<16xi32>
      %eq3A_1352 = arith.cmpi eq, %gather3A_1322, %eq3A_1351 : vector<16xi32>
      %jit3A_1353 = arith.constant 1.000000e+00 : f32
      %jit3A_1354 = arith.constant 0.000000e+00 : f32
      %broadcast_in_dim3A_1355 = vector.broadcast %jit3A_1353 : f32 to vector<16xf32>
      %broadcast_in_dim3A_1356 = vector.broadcast %jit3A_1354 : f32 to vector<16xf32>
      %select_n3A_1357 = arith.select %eq3A_1352, %broadcast_in_dim3A_1355, %broadcast_in_dim3A_1356 : vector<16xi1>, vector<16xf32>
      %add3A_1358 = arith.addf %add3A_1228, %select_n3A_1357 : vector<16xf32>
      %eq3A_1359 = arith.constant 4 : i32
      %eq3A_1360 = vector.broadcast %eq3A_1359 : i32 to vector<16xi32>
      %eq3A_1361 = arith.cmpi eq, %gather3A_1322, %eq3A_1360 : vector<16xi32>
      %jit3A_1362 = arith.constant 1.000000e+00 : f32
      %jit3A_1363 = arith.constant 0.000000e+00 : f32
      %broadcast_in_dim3A_1364 = vector.broadcast %jit3A_1362 : f32 to vector<16xf32>
      %broadcast_in_dim3A_1365 = vector.broadcast %jit3A_1363 : f32 to vector<16xf32>
      %select_n3A_1366 = arith.select %eq3A_1361, %broadcast_in_dim3A_1364, %broadcast_in_dim3A_1365 : vector<16xi1>, vector<16xf32>
      %add3A_1367 = arith.addf %add3A_1237, %select_n3A_1366 : vector<16xf32>
      %eq3A_1368 = arith.constant 5 : i32
      %eq3A_1369 = vector.broadcast %eq3A_1368 : i32 to vector<16xi32>
      %eq3A_1370 = arith.cmpi eq, %gather3A_1322, %eq3A_1369 : vector<16xi32>
      %jit3A_1371 = arith.constant 1.000000e+00 : f32
      %jit3A_1372 = arith.constant 0.000000e+00 : f32
      %broadcast_in_dim3A_1373 = vector.broadcast %jit3A_1371 : f32 to vector<16xf32>
      %broadcast_in_dim3A_1374 = vector.broadcast %jit3A_1372 : f32 to vector<16xf32>
      %select_n3A_1375 = arith.select %eq3A_1370, %broadcast_in_dim3A_1373, %broadcast_in_dim3A_1374 : vector<16xi1>, vector<16xf32>
      %add3A_1376 = arith.addf %add3A_1246, %select_n3A_1375 : vector<16xf32>
      %eq3A_1377 = arith.constant 6 : i32
      %eq3A_1378 = vector.broadcast %eq3A_1377 : i32 to vector<16xi32>
      %eq3A_1379 = arith.cmpi eq, %gather3A_1322, %eq3A_1378 : vector<16xi32>
      %jit3A_1380 = arith.constant 1.000000e+00 : f32
      %jit3A_1381 = arith.constant 0.000000e+00 : f32
      %broadcast_in_dim3A_1382 = vector.broadcast %jit3A_1380 : f32 to vector<16xf32>
      %broadcast_in_dim3A_1383 = vector.broadcast %jit3A_1381 : f32 to vector<16xf32>
      %select_n3A_1384 = arith.select %eq3A_1379, %broadcast_in_dim3A_1382, %broadcast_in_dim3A_1383 : vector<16xi1>, vector<16xf32>
      %add3A_1385 = arith.addf %add3A_1255, %select_n3A_1384 : vector<16xf32>
      %eq3A_1386 = arith.constant 7 : i32
      %eq3A_1387 = vector.broadcast %eq3A_1386 : i32 to vector<16xi32>
      %eq3A_1388 = arith.cmpi eq, %gather3A_1322, %eq3A_1387 : vector<16xi32>
      %jit3A_1389 = arith.constant 1.000000e+00 : f32
      %jit3A_1390 = arith.constant 0.000000e+00 : f32
      %broadcast_in_dim3A_1391 = vector.broadcast %jit3A_1389 : f32 to vector<16xf32>
      %broadcast_in_dim3A_1392 = vector.broadcast %jit3A_1390 : f32 to vector<16xf32>
      %select_n3A_1393 = arith.select %eq3A_1388, %broadcast_in_dim3A_1391, %broadcast_in_dim3A_1392 : vector<16xi1>, vector<16xf32>
      %add3A_1394 = arith.addf %add3A_1264, %select_n3A_1393 : vector<16xf32>
      %eq3A_1395 = arith.constant 8 : i32
      %eq3A_1396 = vector.broadcast %eq3A_1395 : i32 to vector<16xi32>
      %eq3A_1397 = arith.cmpi eq, %gather3A_1322, %eq3A_1396 : vector<16xi32>
      %jit3A_1398 = arith.constant 1.000000e+00 : f32
      %jit3A_1399 = arith.constant 0.000000e+00 : f32
      %broadcast_in_dim3A_1400 = vector.broadcast %jit3A_1398 : f32 to vector<16xf32>
      %broadcast_in_dim3A_1401 = vector.broadcast %jit3A_1399 : f32 to vector<16xf32>
      %select_n3A_1402 = arith.select %eq3A_1397, %broadcast_in_dim3A_1400, %broadcast_in_dim3A_1401 : vector<16xi1>, vector<16xf32>
      %add3A_1403 = arith.addf %add3A_1273, %select_n3A_1402 : vector<16xf32>
      %eq3A_1404 = arith.constant 9 : i32
      %eq3A_1405 = vector.broadcast %eq3A_1404 : i32 to vector<16xi32>
      %eq3A_1406 = arith.cmpi eq, %gather3A_1322, %eq3A_1405 : vector<16xi32>
      %jit3A_1407 = arith.constant 1.000000e+00 : f32
      %jit3A_1408 = arith.constant 0.000000e+00 : f32
      %broadcast_in_dim3A_1409 = vector.broadcast %jit3A_1407 : f32 to vector<16xf32>
      %broadcast_in_dim3A_1410 = vector.broadcast %jit3A_1408 : f32 to vector<16xf32>
      %select_n3A_1411 = arith.select %eq3A_1406, %broadcast_in_dim3A_1409, %broadcast_in_dim3A_1410 : vector<16xi1>, vector<16xf32>
      %add3A_1412 = arith.addf %add3A_1282, %select_n3A_1411 : vector<16xf32>
      %eq3A_1413 = arith.constant 10 : i32
      %eq3A_1414 = vector.broadcast %eq3A_1413 : i32 to vector<16xi32>
      %eq3A_1415 = arith.cmpi eq, %gather3A_1322, %eq3A_1414 : vector<16xi32>
      %jit3A_1416 = arith.constant 1.000000e+00 : f32
      %jit3A_1417 = arith.constant 0.000000e+00 : f32
      %broadcast_in_dim3A_1418 = vector.broadcast %jit3A_1416 : f32 to vector<16xf32>
      %broadcast_in_dim3A_1419 = vector.broadcast %jit3A_1417 : f32 to vector<16xf32>
      %select_n3A_1420 = arith.select %eq3A_1415, %broadcast_in_dim3A_1418, %broadcast_in_dim3A_1419 : vector<16xi1>, vector<16xf32>
      %add3A_1421 = arith.addf %add3A_1291, %select_n3A_1420 : vector<16xf32>
      %eq3A_1422 = arith.constant 11 : i32
      %eq3A_1423 = vector.broadcast %eq3A_1422 : i32 to vector<16xi32>
      %eq3A_1424 = arith.cmpi eq, %gather3A_1322, %eq3A_1423 : vector<16xi32>
      %jit3A_1425 = arith.constant 1.000000e+00 : f32
      %jit3A_1426 = arith.constant 0.000000e+00 : f32
      %broadcast_in_dim3A_1427 = vector.broadcast %jit3A_1425 : f32 to vector<16xf32>
      %broadcast_in_dim3A_1428 = vector.broadcast %jit3A_1426 : f32 to vector<16xf32>
      %select_n3A_1429 = arith.select %eq3A_1424, %broadcast_in_dim3A_1427, %broadcast_in_dim3A_1428 : vector<16xi1>, vector<16xf32>
      %add3A_1430 = arith.addf %add3A_1300, %select_n3A_1429 : vector<16xf32>
      %eq3A_1431 = arith.constant 12 : i32
      %eq3A_1432 = vector.broadcast %eq3A_1431 : i32 to vector<16xi32>
      %eq3A_1433 = arith.cmpi eq, %gather3A_1322, %eq3A_1432 : vector<16xi32>
      %jit3A_1434 = arith.constant 1.000000e+00 : f32
      %jit3A_1435 = arith.constant 0.000000e+00 : f32
      %broadcast_in_dim3A_1436 = vector.broadcast %jit3A_1434 : f32 to vector<16xf32>
      %broadcast_in_dim3A_1437 = vector.broadcast %jit3A_1435 : f32 to vector<16xf32>
      %select_n3A_1438 = arith.select %eq3A_1433, %broadcast_in_dim3A_1436, %broadcast_in_dim3A_1437 : vector<16xi1>, vector<16xf32>
      %add3A_1439 = arith.addf %add3A_1309, %select_n3A_1438 : vector<16xf32>
      %eq3A_1440 = arith.constant 13 : i32
      %eq3A_1441 = vector.broadcast %eq3A_1440 : i32 to vector<16xi32>
      %eq3A_1442 = arith.cmpi eq, %gather3A_1322, %eq3A_1441 : vector<16xi32>
      %jit3A_1443 = arith.constant 1.000000e+00 : f32
      %jit3A_1444 = arith.constant 0.000000e+00 : f32
      %broadcast_in_dim3A_1445 = vector.broadcast %jit3A_1443 : f32 to vector<16xf32>
      %broadcast_in_dim3A_1446 = vector.broadcast %jit3A_1444 : f32 to vector<16xf32>
      %select_n3A_1447 = arith.select %eq3A_1442, %broadcast_in_dim3A_1445, %broadcast_in_dim3A_1446 : vector<16xi1>, vector<16xf32>
      %add3A_1448 = arith.addf %add3A_1318, %select_n3A_1447 : vector<16xf32>
      %add3A_1449 = arith.constant 11 : i32
      %add3A_1450 = vector.broadcast %add3A_1449 : i32 to vector<16xi32>
      %add3A_1451 = arith.addi %mul3A_22, %add3A_1450 : vector<16xi32>
      %gather3A_1452 = tpu.vector_load_idx %arg4[%add3A_1451] : memref<10240xi32, #tpu.memory_space<vmem>>[vector<16xi32>], vector<16xi32>,
      %eq3A_1453 = arith.constant 0 : i32
      %eq3A_1454 = vector.broadcast %eq3A_1453 : i32 to vector<16xi32>
      %eq3A_1455 = arith.cmpi eq, %gather3A_1452, %eq3A_1454 : vector<16xi32>
      %jit3A_1456 = arith.constant 1.000000e+00 : f32
      %jit3A_1457 = arith.constant 0.000000e+00 : f32
      %broadcast_in_dim3A_1458 = vector.broadcast %jit3A_1456 : f32 to vector<16xf32>
      %broadcast_in_dim3A_1459 = vector.broadcast %jit3A_1457 : f32 to vector<16xf32>
      %select_n3A_1460 = arith.select %eq3A_1455, %broadcast_in_dim3A_1458, %broadcast_in_dim3A_1459 : vector<16xi1>, vector<16xf32>
      %add3A_1461 = arith.addf %add3A_1331, %select_n3A_1460 : vector<16xf32>
      %eq3A_1462 = arith.constant 1 : i32
      %eq3A_1463 = vector.broadcast %eq3A_1462 : i32 to vector<16xi32>
      %eq3A_1464 = arith.cmpi eq, %gather3A_1452, %eq3A_1463 : vector<16xi32>
      %jit3A_1465 = arith.constant 1.000000e+00 : f32
      %jit3A_1466 = arith.constant 0.000000e+00 : f32
      %broadcast_in_dim3A_1467 = vector.broadcast %jit3A_1465 : f32 to vector<16xf32>
      %broadcast_in_dim3A_1468 = vector.broadcast %jit3A_1466 : f32 to vector<16xf32>
      %select_n3A_1469 = arith.select %eq3A_1464, %broadcast_in_dim3A_1467, %broadcast_in_dim3A_1468 : vector<16xi1>, vector<16xf32>
      %add3A_1470 = arith.addf %add3A_1340, %select_n3A_1469 : vector<16xf32>
      %eq3A_1471 = arith.constant 2 : i32
      %eq3A_1472 = vector.broadcast %eq3A_1471 : i32 to vector<16xi32>
      %eq3A_1473 = arith.cmpi eq, %gather3A_1452, %eq3A_1472 : vector<16xi32>
      %jit3A_1474 = arith.constant 1.000000e+00 : f32
      %jit3A_1475 = arith.constant 0.000000e+00 : f32
      %broadcast_in_dim3A_1476 = vector.broadcast %jit3A_1474 : f32 to vector<16xf32>
      %broadcast_in_dim3A_1477 = vector.broadcast %jit3A_1475 : f32 to vector<16xf32>
      %select_n3A_1478 = arith.select %eq3A_1473, %broadcast_in_dim3A_1476, %broadcast_in_dim3A_1477 : vector<16xi1>, vector<16xf32>
      %add3A_1479 = arith.addf %add3A_1349, %select_n3A_1478 : vector<16xf32>
      %eq3A_1480 = arith.constant 3 : i32
      %eq3A_1481 = vector.broadcast %eq3A_1480 : i32 to vector<16xi32>
      %eq3A_1482 = arith.cmpi eq, %gather3A_1452, %eq3A_1481 : vector<16xi32>
      %jit3A_1483 = arith.constant 1.000000e+00 : f32
      %jit3A_1484 = arith.constant 0.000000e+00 : f32
      %broadcast_in_dim3A_1485 = vector.broadcast %jit3A_1483 : f32 to vector<16xf32>
      %broadcast_in_dim3A_1486 = vector.broadcast %jit3A_1484 : f32 to vector<16xf32>
      %select_n3A_1487 = arith.select %eq3A_1482, %broadcast_in_dim3A_1485, %broadcast_in_dim3A_1486 : vector<16xi1>, vector<16xf32>
      %add3A_1488 = arith.addf %add3A_1358, %select_n3A_1487 : vector<16xf32>
      %eq3A_1489 = arith.constant 4 : i32
      %eq3A_1490 = vector.broadcast %eq3A_1489 : i32 to vector<16xi32>
      %eq3A_1491 = arith.cmpi eq, %gather3A_1452, %eq3A_1490 : vector<16xi32>
      %jit3A_1492 = arith.constant 1.000000e+00 : f32
      %jit3A_1493 = arith.constant 0.000000e+00 : f32
      %broadcast_in_dim3A_1494 = vector.broadcast %jit3A_1492 : f32 to vector<16xf32>
      %broadcast_in_dim3A_1495 = vector.broadcast %jit3A_1493 : f32 to vector<16xf32>
      %select_n3A_1496 = arith.select %eq3A_1491, %broadcast_in_dim3A_1494, %broadcast_in_dim3A_1495 : vector<16xi1>, vector<16xf32>
      %add3A_1497 = arith.addf %add3A_1367, %select_n3A_1496 : vector<16xf32>
      %eq3A_1498 = arith.constant 5 : i32
      %eq3A_1499 = vector.broadcast %eq3A_1498 : i32 to vector<16xi32>
      %eq3A_1500 = arith.cmpi eq, %gather3A_1452, %eq3A_1499 : vector<16xi32>
      %jit3A_1501 = arith.constant 1.000000e+00 : f32
      %jit3A_1502 = arith.constant 0.000000e+00 : f32
      %broadcast_in_dim3A_1503 = vector.broadcast %jit3A_1501 : f32 to vector<16xf32>
      %broadcast_in_dim3A_1504 = vector.broadcast %jit3A_1502 : f32 to vector<16xf32>
      %select_n3A_1505 = arith.select %eq3A_1500, %broadcast_in_dim3A_1503, %broadcast_in_dim3A_1504 : vector<16xi1>, vector<16xf32>
      %add3A_1506 = arith.addf %add3A_1376, %select_n3A_1505 : vector<16xf32>
      %eq3A_1507 = arith.constant 6 : i32
      %eq3A_1508 = vector.broadcast %eq3A_1507 : i32 to vector<16xi32>
      %eq3A_1509 = arith.cmpi eq, %gather3A_1452, %eq3A_1508 : vector<16xi32>
      %jit3A_1510 = arith.constant 1.000000e+00 : f32
      %jit3A_1511 = arith.constant 0.000000e+00 : f32
      %broadcast_in_dim3A_1512 = vector.broadcast %jit3A_1510 : f32 to vector<16xf32>
      %broadcast_in_dim3A_1513 = vector.broadcast %jit3A_1511 : f32 to vector<16xf32>
      %select_n3A_1514 = arith.select %eq3A_1509, %broadcast_in_dim3A_1512, %broadcast_in_dim3A_1513 : vector<16xi1>, vector<16xf32>
      %add3A_1515 = arith.addf %add3A_1385, %select_n3A_1514 : vector<16xf32>
      %eq3A_1516 = arith.constant 7 : i32
      %eq3A_1517 = vector.broadcast %eq3A_1516 : i32 to vector<16xi32>
      %eq3A_1518 = arith.cmpi eq, %gather3A_1452, %eq3A_1517 : vector<16xi32>
      %jit3A_1519 = arith.constant 1.000000e+00 : f32
      %jit3A_1520 = arith.constant 0.000000e+00 : f32
      %broadcast_in_dim3A_1521 = vector.broadcast %jit3A_1519 : f32 to vector<16xf32>
      %broadcast_in_dim3A_1522 = vector.broadcast %jit3A_1520 : f32 to vector<16xf32>
      %select_n3A_1523 = arith.select %eq3A_1518, %broadcast_in_dim3A_1521, %broadcast_in_dim3A_1522 : vector<16xi1>, vector<16xf32>
      %add3A_1524 = arith.addf %add3A_1394, %select_n3A_1523 : vector<16xf32>
      %eq3A_1525 = arith.constant 8 : i32
      %eq3A_1526 = vector.broadcast %eq3A_1525 : i32 to vector<16xi32>
      %eq3A_1527 = arith.cmpi eq, %gather3A_1452, %eq3A_1526 : vector<16xi32>
      %jit3A_1528 = arith.constant 1.000000e+00 : f32
      %jit3A_1529 = arith.constant 0.000000e+00 : f32
      %broadcast_in_dim3A_1530 = vector.broadcast %jit3A_1528 : f32 to vector<16xf32>
      %broadcast_in_dim3A_1531 = vector.broadcast %jit3A_1529 : f32 to vector<16xf32>
      %select_n3A_1532 = arith.select %eq3A_1527, %broadcast_in_dim3A_1530, %broadcast_in_dim3A_1531 : vector<16xi1>, vector<16xf32>
      %add3A_1533 = arith.addf %add3A_1403, %select_n3A_1532 : vector<16xf32>
      %eq3A_1534 = arith.constant 9 : i32
      %eq3A_1535 = vector.broadcast %eq3A_1534 : i32 to vector<16xi32>
      %eq3A_1536 = arith.cmpi eq, %gather3A_1452, %eq3A_1535 : vector<16xi32>
      %jit3A_1537 = arith.constant 1.000000e+00 : f32
      %jit3A_1538 = arith.constant 0.000000e+00 : f32
      %broadcast_in_dim3A_1539 = vector.broadcast %jit3A_1537 : f32 to vector<16xf32>
      %broadcast_in_dim3A_1540 = vector.broadcast %jit3A_1538 : f32 to vector<16xf32>
      %select_n3A_1541 = arith.select %eq3A_1536, %broadcast_in_dim3A_1539, %broadcast_in_dim3A_1540 : vector<16xi1>, vector<16xf32>
      %add3A_1542 = arith.addf %add3A_1412, %select_n3A_1541 : vector<16xf32>
      %eq3A_1543 = arith.constant 10 : i32
      %eq3A_1544 = vector.broadcast %eq3A_1543 : i32 to vector<16xi32>
      %eq3A_1545 = arith.cmpi eq, %gather3A_1452, %eq3A_1544 : vector<16xi32>
      %jit3A_1546 = arith.constant 1.000000e+00 : f32
      %jit3A_1547 = arith.constant 0.000000e+00 : f32
      %broadcast_in_dim3A_1548 = vector.broadcast %jit3A_1546 : f32 to vector<16xf32>
      %broadcast_in_dim3A_1549 = vector.broadcast %jit3A_1547 : f32 to vector<16xf32>
      %select_n3A_1550 = arith.select %eq3A_1545, %broadcast_in_dim3A_1548, %broadcast_in_dim3A_1549 : vector<16xi1>, vector<16xf32>
      %add3A_1551 = arith.addf %add3A_1421, %select_n3A_1550 : vector<16xf32>
      %eq3A_1552 = arith.constant 11 : i32
      %eq3A_1553 = vector.broadcast %eq3A_1552 : i32 to vector<16xi32>
      %eq3A_1554 = arith.cmpi eq, %gather3A_1452, %eq3A_1553 : vector<16xi32>
      %jit3A_1555 = arith.constant 1.000000e+00 : f32
      %jit3A_1556 = arith.constant 0.000000e+00 : f32
      %broadcast_in_dim3A_1557 = vector.broadcast %jit3A_1555 : f32 to vector<16xf32>
      %broadcast_in_dim3A_1558 = vector.broadcast %jit3A_1556 : f32 to vector<16xf32>
      %select_n3A_1559 = arith.select %eq3A_1554, %broadcast_in_dim3A_1557, %broadcast_in_dim3A_1558 : vector<16xi1>, vector<16xf32>
      %add3A_1560 = arith.addf %add3A_1430, %select_n3A_1559 : vector<16xf32>
      %eq3A_1561 = arith.constant 12 : i32
      %eq3A_1562 = vector.broadcast %eq3A_1561 : i32 to vector<16xi32>
      %eq3A_1563 = arith.cmpi eq, %gather3A_1452, %eq3A_1562 : vector<16xi32>
      %jit3A_1564 = arith.constant 1.000000e+00 : f32
      %jit3A_1565 = arith.constant 0.000000e+00 : f32
      %broadcast_in_dim3A_1566 = vector.broadcast %jit3A_1564 : f32 to vector<16xf32>
      %broadcast_in_dim3A_1567 = vector.broadcast %jit3A_1565 : f32 to vector<16xf32>
      %select_n3A_1568 = arith.select %eq3A_1563, %broadcast_in_dim3A_1566, %broadcast_in_dim3A_1567 : vector<16xi1>, vector<16xf32>
      %add3A_1569 = arith.addf %add3A_1439, %select_n3A_1568 : vector<16xf32>
      %eq3A_1570 = arith.constant 13 : i32
      %eq3A_1571 = vector.broadcast %eq3A_1570 : i32 to vector<16xi32>
      %eq3A_1572 = arith.cmpi eq, %gather3A_1452, %eq3A_1571 : vector<16xi32>
      %jit3A_1573 = arith.constant 1.000000e+00 : f32
      %jit3A_1574 = arith.constant 0.000000e+00 : f32
      %broadcast_in_dim3A_1575 = vector.broadcast %jit3A_1573 : f32 to vector<16xf32>
      %broadcast_in_dim3A_1576 = vector.broadcast %jit3A_1574 : f32 to vector<16xf32>
      %select_n3A_1577 = arith.select %eq3A_1572, %broadcast_in_dim3A_1575, %broadcast_in_dim3A_1576 : vector<16xi1>, vector<16xf32>
      %add3A_1578 = arith.addf %add3A_1448, %select_n3A_1577 : vector<16xf32>
      %add3A_1579 = arith.constant 12 : i32
      %add3A_1580 = vector.broadcast %add3A_1579 : i32 to vector<16xi32>
      %add3A_1581 = arith.addi %mul3A_22, %add3A_1580 : vector<16xi32>
      %gather3A_1582 = tpu.vector_load_idx %arg4[%add3A_1581] : memref<10240xi32, #tpu.memory_space<vmem>>[vector<16xi32>], vector<16xi32>,
      %eq3A_1583 = arith.constant 0 : i32
      %eq3A_1584 = vector.broadcast %eq3A_1583 : i32 to vector<16xi32>
      %eq3A_1585 = arith.cmpi eq, %gather3A_1582, %eq3A_1584 : vector<16xi32>
      %jit3A_1586 = arith.constant 1.000000e+00 : f32
      %jit3A_1587 = arith.constant 0.000000e+00 : f32
      %broadcast_in_dim3A_1588 = vector.broadcast %jit3A_1586 : f32 to vector<16xf32>
      %broadcast_in_dim3A_1589 = vector.broadcast %jit3A_1587 : f32 to vector<16xf32>
      %select_n3A_1590 = arith.select %eq3A_1585, %broadcast_in_dim3A_1588, %broadcast_in_dim3A_1589 : vector<16xi1>, vector<16xf32>
      %add3A_1591 = arith.addf %add3A_1461, %select_n3A_1590 : vector<16xf32>
      %eq3A_1592 = arith.constant 1 : i32
      %eq3A_1593 = vector.broadcast %eq3A_1592 : i32 to vector<16xi32>
      %eq3A_1594 = arith.cmpi eq, %gather3A_1582, %eq3A_1593 : vector<16xi32>
      %jit3A_1595 = arith.constant 1.000000e+00 : f32
      %jit3A_1596 = arith.constant 0.000000e+00 : f32
      %broadcast_in_dim3A_1597 = vector.broadcast %jit3A_1595 : f32 to vector<16xf32>
      %broadcast_in_dim3A_1598 = vector.broadcast %jit3A_1596 : f32 to vector<16xf32>
      %select_n3A_1599 = arith.select %eq3A_1594, %broadcast_in_dim3A_1597, %broadcast_in_dim3A_1598 : vector<16xi1>, vector<16xf32>
      %add3A_1600 = arith.addf %add3A_1470, %select_n3A_1599 : vector<16xf32>
      %eq3A_1601 = arith.constant 2 : i32
      %eq3A_1602 = vector.broadcast %eq3A_1601 : i32 to vector<16xi32>
      %eq3A_1603 = arith.cmpi eq, %gather3A_1582, %eq3A_1602 : vector<16xi32>
      %jit3A_1604 = arith.constant 1.000000e+00 : f32
      %jit3A_1605 = arith.constant 0.000000e+00 : f32
      %broadcast_in_dim3A_1606 = vector.broadcast %jit3A_1604 : f32 to vector<16xf32>
      %broadcast_in_dim3A_1607 = vector.broadcast %jit3A_1605 : f32 to vector<16xf32>
      %select_n3A_1608 = arith.select %eq3A_1603, %broadcast_in_dim3A_1606, %broadcast_in_dim3A_1607 : vector<16xi1>, vector<16xf32>
      %add3A_1609 = arith.addf %add3A_1479, %select_n3A_1608 : vector<16xf32>
      %eq3A_1610 = arith.constant 3 : i32
      %eq3A_1611 = vector.broadcast %eq3A_1610 : i32 to vector<16xi32>
      %eq3A_1612 = arith.cmpi eq, %gather3A_1582, %eq3A_1611 : vector<16xi32>
      %jit3A_1613 = arith.constant 1.000000e+00 : f32
      %jit3A_1614 = arith.constant 0.000000e+00 : f32
      %broadcast_in_dim3A_1615 = vector.broadcast %jit3A_1613 : f32 to vector<16xf32>
      %broadcast_in_dim3A_1616 = vector.broadcast %jit3A_1614 : f32 to vector<16xf32>
      %select_n3A_1617 = arith.select %eq3A_1612, %broadcast_in_dim3A_1615, %broadcast_in_dim3A_1616 : vector<16xi1>, vector<16xf32>
      %add3A_1618 = arith.addf %add3A_1488, %select_n3A_1617 : vector<16xf32>
      %eq3A_1619 = arith.constant 4 : i32
      %eq3A_1620 = vector.broadcast %eq3A_1619 : i32 to vector<16xi32>
      %eq3A_1621 = arith.cmpi eq, %gather3A_1582, %eq3A_1620 : vector<16xi32>
      %jit3A_1622 = arith.constant 1.000000e+00 : f32
      %jit3A_1623 = arith.constant 0.000000e+00 : f32
      %broadcast_in_dim3A_1624 = vector.broadcast %jit3A_1622 : f32 to vector<16xf32>
      %broadcast_in_dim3A_1625 = vector.broadcast %jit3A_1623 : f32 to vector<16xf32>
      %select_n3A_1626 = arith.select %eq3A_1621, %broadcast_in_dim3A_1624, %broadcast_in_dim3A_1625 : vector<16xi1>, vector<16xf32>
      %add3A_1627 = arith.addf %add3A_1497, %select_n3A_1626 : vector<16xf32>
      %eq3A_1628 = arith.constant 5 : i32
      %eq3A_1629 = vector.broadcast %eq3A_1628 : i32 to vector<16xi32>
      %eq3A_1630 = arith.cmpi eq, %gather3A_1582, %eq3A_1629 : vector<16xi32>
      %jit3A_1631 = arith.constant 1.000000e+00 : f32
      %jit3A_1632 = arith.constant 0.000000e+00 : f32
      %broadcast_in_dim3A_1633 = vector.broadcast %jit3A_1631 : f32 to vector<16xf32>
      %broadcast_in_dim3A_1634 = vector.broadcast %jit3A_1632 : f32 to vector<16xf32>
      %select_n3A_1635 = arith.select %eq3A_1630, %broadcast_in_dim3A_1633, %broadcast_in_dim3A_1634 : vector<16xi1>, vector<16xf32>
      %add3A_1636 = arith.addf %add3A_1506, %select_n3A_1635 : vector<16xf32>
      %eq3A_1637 = arith.constant 6 : i32
      %eq3A_1638 = vector.broadcast %eq3A_1637 : i32 to vector<16xi32>
      %eq3A_1639 = arith.cmpi eq, %gather3A_1582, %eq3A_1638 : vector<16xi32>
      %jit3A_1640 = arith.constant 1.000000e+00 : f32
      %jit3A_1641 = arith.constant 0.000000e+00 : f32
      %broadcast_in_dim3A_1642 = vector.broadcast %jit3A_1640 : f32 to vector<16xf32>
      %broadcast_in_dim3A_1643 = vector.broadcast %jit3A_1641 : f32 to vector<16xf32>
      %select_n3A_1644 = arith.select %eq3A_1639, %broadcast_in_dim3A_1642, %broadcast_in_dim3A_1643 : vector<16xi1>, vector<16xf32>
      %add3A_1645 = arith.addf %add3A_1515, %select_n3A_1644 : vector<16xf32>
      %eq3A_1646 = arith.constant 7 : i32
      %eq3A_1647 = vector.broadcast %eq3A_1646 : i32 to vector<16xi32>
      %eq3A_1648 = arith.cmpi eq, %gather3A_1582, %eq3A_1647 : vector<16xi32>
      %jit3A_1649 = arith.constant 1.000000e+00 : f32
      %jit3A_1650 = arith.constant 0.000000e+00 : f32
      %broadcast_in_dim3A_1651 = vector.broadcast %jit3A_1649 : f32 to vector<16xf32>
      %broadcast_in_dim3A_1652 = vector.broadcast %jit3A_1650 : f32 to vector<16xf32>
      %select_n3A_1653 = arith.select %eq3A_1648, %broadcast_in_dim3A_1651, %broadcast_in_dim3A_1652 : vector<16xi1>, vector<16xf32>
      %add3A_1654 = arith.addf %add3A_1524, %select_n3A_1653 : vector<16xf32>
      %eq3A_1655 = arith.constant 8 : i32
      %eq3A_1656 = vector.broadcast %eq3A_1655 : i32 to vector<16xi32>
      %eq3A_1657 = arith.cmpi eq, %gather3A_1582, %eq3A_1656 : vector<16xi32>
      %jit3A_1658 = arith.constant 1.000000e+00 : f32
      %jit3A_1659 = arith.constant 0.000000e+00 : f32
      %broadcast_in_dim3A_1660 = vector.broadcast %jit3A_1658 : f32 to vector<16xf32>
      %broadcast_in_dim3A_1661 = vector.broadcast %jit3A_1659 : f32 to vector<16xf32>
      %select_n3A_1662 = arith.select %eq3A_1657, %broadcast_in_dim3A_1660, %broadcast_in_dim3A_1661 : vector<16xi1>, vector<16xf32>
      %add3A_1663 = arith.addf %add3A_1533, %select_n3A_1662 : vector<16xf32>
      %eq3A_1664 = arith.constant 9 : i32
      %eq3A_1665 = vector.broadcast %eq3A_1664 : i32 to vector<16xi32>
      %eq3A_1666 = arith.cmpi eq, %gather3A_1582, %eq3A_1665 : vector<16xi32>
      %jit3A_1667 = arith.constant 1.000000e+00 : f32
      %jit3A_1668 = arith.constant 0.000000e+00 : f32
      %broadcast_in_dim3A_1669 = vector.broadcast %jit3A_1667 : f32 to vector<16xf32>
      %broadcast_in_dim3A_1670 = vector.broadcast %jit3A_1668 : f32 to vector<16xf32>
      %select_n3A_1671 = arith.select %eq3A_1666, %broadcast_in_dim3A_1669, %broadcast_in_dim3A_1670 : vector<16xi1>, vector<16xf32>
      %add3A_1672 = arith.addf %add3A_1542, %select_n3A_1671 : vector<16xf32>
      %eq3A_1673 = arith.constant 10 : i32
      %eq3A_1674 = vector.broadcast %eq3A_1673 : i32 to vector<16xi32>
      %eq3A_1675 = arith.cmpi eq, %gather3A_1582, %eq3A_1674 : vector<16xi32>
      %jit3A_1676 = arith.constant 1.000000e+00 : f32
      %jit3A_1677 = arith.constant 0.000000e+00 : f32
      %broadcast_in_dim3A_1678 = vector.broadcast %jit3A_1676 : f32 to vector<16xf32>
      %broadcast_in_dim3A_1679 = vector.broadcast %jit3A_1677 : f32 to vector<16xf32>
      %select_n3A_1680 = arith.select %eq3A_1675, %broadcast_in_dim3A_1678, %broadcast_in_dim3A_1679 : vector<16xi1>, vector<16xf32>
      %add3A_1681 = arith.addf %add3A_1551, %select_n3A_1680 : vector<16xf32>
      %eq3A_1682 = arith.constant 11 : i32
      %eq3A_1683 = vector.broadcast %eq3A_1682 : i32 to vector<16xi32>
      %eq3A_1684 = arith.cmpi eq, %gather3A_1582, %eq3A_1683 : vector<16xi32>
      %jit3A_1685 = arith.constant 1.000000e+00 : f32
      %jit3A_1686 = arith.constant 0.000000e+00 : f32
      %broadcast_in_dim3A_1687 = vector.broadcast %jit3A_1685 : f32 to vector<16xf32>
      %broadcast_in_dim3A_1688 = vector.broadcast %jit3A_1686 : f32 to vector<16xf32>
      %select_n3A_1689 = arith.select %eq3A_1684, %broadcast_in_dim3A_1687, %broadcast_in_dim3A_1688 : vector<16xi1>, vector<16xf32>
      %add3A_1690 = arith.addf %add3A_1560, %select_n3A_1689 : vector<16xf32>
      %eq3A_1691 = arith.constant 12 : i32
      %eq3A_1692 = vector.broadcast %eq3A_1691 : i32 to vector<16xi32>
      %eq3A_1693 = arith.cmpi eq, %gather3A_1582, %eq3A_1692 : vector<16xi32>
      %jit3A_1694 = arith.constant 1.000000e+00 : f32
      %jit3A_1695 = arith.constant 0.000000e+00 : f32
      %broadcast_in_dim3A_1696 = vector.broadcast %jit3A_1694 : f32 to vector<16xf32>
      %broadcast_in_dim3A_1697 = vector.broadcast %jit3A_1695 : f32 to vector<16xf32>
      %select_n3A_1698 = arith.select %eq3A_1693, %broadcast_in_dim3A_1696, %broadcast_in_dim3A_1697 : vector<16xi1>, vector<16xf32>
      %add3A_1699 = arith.addf %add3A_1569, %select_n3A_1698 : vector<16xf32>
      %eq3A_1700 = arith.constant 13 : i32
      %eq3A_1701 = vector.broadcast %eq3A_1700 : i32 to vector<16xi32>
      %eq3A_1702 = arith.cmpi eq, %gather3A_1582, %eq3A_1701 : vector<16xi32>
      %jit3A_1703 = arith.constant 1.000000e+00 : f32
      %jit3A_1704 = arith.constant 0.000000e+00 : f32
      %broadcast_in_dim3A_1705 = vector.broadcast %jit3A_1703 : f32 to vector<16xf32>
      %broadcast_in_dim3A_1706 = vector.broadcast %jit3A_1704 : f32 to vector<16xf32>
      %select_n3A_1707 = arith.select %eq3A_1702, %broadcast_in_dim3A_1705, %broadcast_in_dim3A_1706 : vector<16xi1>, vector<16xf32>
      %add3A_1708 = arith.addf %add3A_1578, %select_n3A_1707 : vector<16xf32>
      %add3A_1709 = arith.constant 13 : i32
      %add3A_1710 = vector.broadcast %add3A_1709 : i32 to vector<16xi32>
      %add3A_1711 = arith.addi %mul3A_22, %add3A_1710 : vector<16xi32>
      %gather3A_1712 = tpu.vector_load_idx %arg4[%add3A_1711] : memref<10240xi32, #tpu.memory_space<vmem>>[vector<16xi32>], vector<16xi32>,
      %eq3A_1713 = arith.constant 0 : i32
      %eq3A_1714 = vector.broadcast %eq3A_1713 : i32 to vector<16xi32>
      %eq3A_1715 = arith.cmpi eq, %gather3A_1712, %eq3A_1714 : vector<16xi32>
      %jit3A_1716 = arith.constant 1.000000e+00 : f32
      %jit3A_1717 = arith.constant 0.000000e+00 : f32
      %broadcast_in_dim3A_1718 = vector.broadcast %jit3A_1716 : f32 to vector<16xf32>
      %broadcast_in_dim3A_1719 = vector.broadcast %jit3A_1717 : f32 to vector<16xf32>
      %select_n3A_1720 = arith.select %eq3A_1715, %broadcast_in_dim3A_1718, %broadcast_in_dim3A_1719 : vector<16xi1>, vector<16xf32>
      %add3A_1721 = arith.addf %add3A_1591, %select_n3A_1720 : vector<16xf32>
      %eq3A_1722 = arith.constant 1 : i32
      %eq3A_1723 = vector.broadcast %eq3A_1722 : i32 to vector<16xi32>
      %eq3A_1724 = arith.cmpi eq, %gather3A_1712, %eq3A_1723 : vector<16xi32>
      %jit3A_1725 = arith.constant 1.000000e+00 : f32
      %jit3A_1726 = arith.constant 0.000000e+00 : f32
      %broadcast_in_dim3A_1727 = vector.broadcast %jit3A_1725 : f32 to vector<16xf32>
      %broadcast_in_dim3A_1728 = vector.broadcast %jit3A_1726 : f32 to vector<16xf32>
      %select_n3A_1729 = arith.select %eq3A_1724, %broadcast_in_dim3A_1727, %broadcast_in_dim3A_1728 : vector<16xi1>, vector<16xf32>
      %add3A_1730 = arith.addf %add3A_1600, %select_n3A_1729 : vector<16xf32>
      %eq3A_1731 = arith.constant 2 : i32
      %eq3A_1732 = vector.broadcast %eq3A_1731 : i32 to vector<16xi32>
      %eq3A_1733 = arith.cmpi eq, %gather3A_1712, %eq3A_1732 : vector<16xi32>
      %jit3A_1734 = arith.constant 1.000000e+00 : f32
      %jit3A_1735 = arith.constant 0.000000e+00 : f32
      %broadcast_in_dim3A_1736 = vector.broadcast %jit3A_1734 : f32 to vector<16xf32>
      %broadcast_in_dim3A_1737 = vector.broadcast %jit3A_1735 : f32 to vector<16xf32>
      %select_n3A_1738 = arith.select %eq3A_1733, %broadcast_in_dim3A_1736, %broadcast_in_dim3A_1737 : vector<16xi1>, vector<16xf32>
      %add3A_1739 = arith.addf %add3A_1609, %select_n3A_1738 : vector<16xf32>
      %eq3A_1740 = arith.constant 3 : i32
      %eq3A_1741 = vector.broadcast %eq3A_1740 : i32 to vector<16xi32>
      %eq3A_1742 = arith.cmpi eq, %gather3A_1712, %eq3A_1741 : vector<16xi32>
      %jit3A_1743 = arith.constant 1.000000e+00 : f32
      %jit3A_1744 = arith.constant 0.000000e+00 : f32
      %broadcast_in_dim3A_1745 = vector.broadcast %jit3A_1743 : f32 to vector<16xf32>
      %broadcast_in_dim3A_1746 = vector.broadcast %jit3A_1744 : f32 to vector<16xf32>
      %select_n3A_1747 = arith.select %eq3A_1742, %broadcast_in_dim3A_1745, %broadcast_in_dim3A_1746 : vector<16xi1>, vector<16xf32>
      %add3A_1748 = arith.addf %add3A_1618, %select_n3A_1747 : vector<16xf32>
      %eq3A_1749 = arith.constant 4 : i32
      %eq3A_1750 = vector.broadcast %eq3A_1749 : i32 to vector<16xi32>
      %eq3A_1751 = arith.cmpi eq, %gather3A_1712, %eq3A_1750 : vector<16xi32>
      %jit3A_1752 = arith.constant 1.000000e+00 : f32
      %jit3A_1753 = arith.constant 0.000000e+00 : f32
      %broadcast_in_dim3A_1754 = vector.broadcast %jit3A_1752 : f32 to vector<16xf32>
      %broadcast_in_dim3A_1755 = vector.broadcast %jit3A_1753 : f32 to vector<16xf32>
      %select_n3A_1756 = arith.select %eq3A_1751, %broadcast_in_dim3A_1754, %broadcast_in_dim3A_1755 : vector<16xi1>, vector<16xf32>
      %add3A_1757 = arith.addf %add3A_1627, %select_n3A_1756 : vector<16xf32>
      %eq3A_1758 = arith.constant 5 : i32
      %eq3A_1759 = vector.broadcast %eq3A_1758 : i32 to vector<16xi32>
      %eq3A_1760 = arith.cmpi eq, %gather3A_1712, %eq3A_1759 : vector<16xi32>
      %jit3A_1761 = arith.constant 1.000000e+00 : f32
      %jit3A_1762 = arith.constant 0.000000e+00 : f32
      %broadcast_in_dim3A_1763 = vector.broadcast %jit3A_1761 : f32 to vector<16xf32>
      %broadcast_in_dim3A_1764 = vector.broadcast %jit3A_1762 : f32 to vector<16xf32>
      %select_n3A_1765 = arith.select %eq3A_1760, %broadcast_in_dim3A_1763, %broadcast_in_dim3A_1764 : vector<16xi1>, vector<16xf32>
      %add3A_1766 = arith.addf %add3A_1636, %select_n3A_1765 : vector<16xf32>
      %eq3A_1767 = arith.constant 6 : i32
      %eq3A_1768 = vector.broadcast %eq3A_1767 : i32 to vector<16xi32>
      %eq3A_1769 = arith.cmpi eq, %gather3A_1712, %eq3A_1768 : vector<16xi32>
      %jit3A_1770 = arith.constant 1.000000e+00 : f32
      %jit3A_1771 = arith.constant 0.000000e+00 : f32
      %broadcast_in_dim3A_1772 = vector.broadcast %jit3A_1770 : f32 to vector<16xf32>
      %broadcast_in_dim3A_1773 = vector.broadcast %jit3A_1771 : f32 to vector<16xf32>
      %select_n3A_1774 = arith.select %eq3A_1769, %broadcast_in_dim3A_1772, %broadcast_in_dim3A_1773 : vector<16xi1>, vector<16xf32>
      %add3A_1775 = arith.addf %add3A_1645, %select_n3A_1774 : vector<16xf32>
      %eq3A_1776 = arith.constant 7 : i32
      %eq3A_1777 = vector.broadcast %eq3A_1776 : i32 to vector<16xi32>
      %eq3A_1778 = arith.cmpi eq, %gather3A_1712, %eq3A_1777 : vector<16xi32>
      %jit3A_1779 = arith.constant 1.000000e+00 : f32
      %jit3A_1780 = arith.constant 0.000000e+00 : f32
      %broadcast_in_dim3A_1781 = vector.broadcast %jit3A_1779 : f32 to vector<16xf32>
      %broadcast_in_dim3A_1782 = vector.broadcast %jit3A_1780 : f32 to vector<16xf32>
      %select_n3A_1783 = arith.select %eq3A_1778, %broadcast_in_dim3A_1781, %broadcast_in_dim3A_1782 : vector<16xi1>, vector<16xf32>
      %add3A_1784 = arith.addf %add3A_1654, %select_n3A_1783 : vector<16xf32>
      %eq3A_1785 = arith.constant 8 : i32
      %eq3A_1786 = vector.broadcast %eq3A_1785 : i32 to vector<16xi32>
      %eq3A_1787 = arith.cmpi eq, %gather3A_1712, %eq3A_1786 : vector<16xi32>
      %jit3A_1788 = arith.constant 1.000000e+00 : f32
      %jit3A_1789 = arith.constant 0.000000e+00 : f32
      %broadcast_in_dim3A_1790 = vector.broadcast %jit3A_1788 : f32 to vector<16xf32>
      %broadcast_in_dim3A_1791 = vector.broadcast %jit3A_1789 : f32 to vector<16xf32>
      %select_n3A_1792 = arith.select %eq3A_1787, %broadcast_in_dim3A_1790, %broadcast_in_dim3A_1791 : vector<16xi1>, vector<16xf32>
      %add3A_1793 = arith.addf %add3A_1663, %select_n3A_1792 : vector<16xf32>
      %eq3A_1794 = arith.constant 9 : i32
      %eq3A_1795 = vector.broadcast %eq3A_1794 : i32 to vector<16xi32>
      %eq3A_1796 = arith.cmpi eq, %gather3A_1712, %eq3A_1795 : vector<16xi32>
      %jit3A_1797 = arith.constant 1.000000e+00 : f32
      %jit3A_1798 = arith.constant 0.000000e+00 : f32
      %broadcast_in_dim3A_1799 = vector.broadcast %jit3A_1797 : f32 to vector<16xf32>
      %broadcast_in_dim3A_1800 = vector.broadcast %jit3A_1798 : f32 to vector<16xf32>
      %select_n3A_1801 = arith.select %eq3A_1796, %broadcast_in_dim3A_1799, %broadcast_in_dim3A_1800 : vector<16xi1>, vector<16xf32>
      %add3A_1802 = arith.addf %add3A_1672, %select_n3A_1801 : vector<16xf32>
      %eq3A_1803 = arith.constant 10 : i32
      %eq3A_1804 = vector.broadcast %eq3A_1803 : i32 to vector<16xi32>
      %eq3A_1805 = arith.cmpi eq, %gather3A_1712, %eq3A_1804 : vector<16xi32>
      %jit3A_1806 = arith.constant 1.000000e+00 : f32
      %jit3A_1807 = arith.constant 0.000000e+00 : f32
      %broadcast_in_dim3A_1808 = vector.broadcast %jit3A_1806 : f32 to vector<16xf32>
      %broadcast_in_dim3A_1809 = vector.broadcast %jit3A_1807 : f32 to vector<16xf32>
      %select_n3A_1810 = arith.select %eq3A_1805, %broadcast_in_dim3A_1808, %broadcast_in_dim3A_1809 : vector<16xi1>, vector<16xf32>
      %add3A_1811 = arith.addf %add3A_1681, %select_n3A_1810 : vector<16xf32>
      %eq3A_1812 = arith.constant 11 : i32
      %eq3A_1813 = vector.broadcast %eq3A_1812 : i32 to vector<16xi32>
      %eq3A_1814 = arith.cmpi eq, %gather3A_1712, %eq3A_1813 : vector<16xi32>
      %jit3A_1815 = arith.constant 1.000000e+00 : f32
      %jit3A_1816 = arith.constant 0.000000e+00 : f32
      %broadcast_in_dim3A_1817 = vector.broadcast %jit3A_1815 : f32 to vector<16xf32>
      %broadcast_in_dim3A_1818 = vector.broadcast %jit3A_1816 : f32 to vector<16xf32>
      %select_n3A_1819 = arith.select %eq3A_1814, %broadcast_in_dim3A_1817, %broadcast_in_dim3A_1818 : vector<16xi1>, vector<16xf32>
      %add3A_1820 = arith.addf %add3A_1690, %select_n3A_1819 : vector<16xf32>
      %eq3A_1821 = arith.constant 12 : i32
      %eq3A_1822 = vector.broadcast %eq3A_1821 : i32 to vector<16xi32>
      %eq3A_1823 = arith.cmpi eq, %gather3A_1712, %eq3A_1822 : vector<16xi32>
      %jit3A_1824 = arith.constant 1.000000e+00 : f32
      %jit3A_1825 = arith.constant 0.000000e+00 : f32
      %broadcast_in_dim3A_1826 = vector.broadcast %jit3A_1824 : f32 to vector<16xf32>
      %broadcast_in_dim3A_1827 = vector.broadcast %jit3A_1825 : f32 to vector<16xf32>
      %select_n3A_1828 = arith.select %eq3A_1823, %broadcast_in_dim3A_1826, %broadcast_in_dim3A_1827 : vector<16xi1>, vector<16xf32>
      %add3A_1829 = arith.addf %add3A_1699, %select_n3A_1828 : vector<16xf32>
      %eq3A_1830 = arith.constant 13 : i32
      %eq3A_1831 = vector.broadcast %eq3A_1830 : i32 to vector<16xi32>
      %eq3A_1832 = arith.cmpi eq, %gather3A_1712, %eq3A_1831 : vector<16xi32>
      %jit3A_1833 = arith.constant 1.000000e+00 : f32
      %jit3A_1834 = arith.constant 0.000000e+00 : f32
      %broadcast_in_dim3A_1835 = vector.broadcast %jit3A_1833 : f32 to vector<16xf32>
      %broadcast_in_dim3A_1836 = vector.broadcast %jit3A_1834 : f32 to vector<16xf32>
      %select_n3A_1837 = arith.select %eq3A_1832, %broadcast_in_dim3A_1835, %broadcast_in_dim3A_1836 : vector<16xi1>, vector<16xf32>
      %add3A_1838 = arith.addf %add3A_1708, %select_n3A_1837 : vector<16xf32>
      %add3A_1839 = arith.constant 14 : i32
      %add3A_1840 = vector.broadcast %add3A_1839 : i32 to vector<16xi32>
      %add3A_1841 = arith.addi %mul3A_22, %add3A_1840 : vector<16xi32>
      %gather3A_1842 = tpu.vector_load_idx %arg4[%add3A_1841] : memref<10240xi32, #tpu.memory_space<vmem>>[vector<16xi32>], vector<16xi32>,
      %eq3A_1843 = arith.constant 0 : i32
      %eq3A_1844 = vector.broadcast %eq3A_1843 : i32 to vector<16xi32>
      %eq3A_1845 = arith.cmpi eq, %gather3A_1842, %eq3A_1844 : vector<16xi32>
      %jit3A_1846 = arith.constant 1.000000e+00 : f32
      %jit3A_1847 = arith.constant 0.000000e+00 : f32
      %broadcast_in_dim3A_1848 = vector.broadcast %jit3A_1846 : f32 to vector<16xf32>
      %broadcast_in_dim3A_1849 = vector.broadcast %jit3A_1847 : f32 to vector<16xf32>
      %select_n3A_1850 = arith.select %eq3A_1845, %broadcast_in_dim3A_1848, %broadcast_in_dim3A_1849 : vector<16xi1>, vector<16xf32>
      %add3A_1851 = arith.addf %add3A_1721, %select_n3A_1850 : vector<16xf32>
      %eq3A_1852 = arith.constant 1 : i32
      %eq3A_1853 = vector.broadcast %eq3A_1852 : i32 to vector<16xi32>
      %eq3A_1854 = arith.cmpi eq, %gather3A_1842, %eq3A_1853 : vector<16xi32>
      %jit3A_1855 = arith.constant 1.000000e+00 : f32
      %jit3A_1856 = arith.constant 0.000000e+00 : f32
      %broadcast_in_dim3A_1857 = vector.broadcast %jit3A_1855 : f32 to vector<16xf32>
      %broadcast_in_dim3A_1858 = vector.broadcast %jit3A_1856 : f32 to vector<16xf32>
      %select_n3A_1859 = arith.select %eq3A_1854, %broadcast_in_dim3A_1857, %broadcast_in_dim3A_1858 : vector<16xi1>, vector<16xf32>
      %add3A_1860 = arith.addf %add3A_1730, %select_n3A_1859 : vector<16xf32>
      %eq3A_1861 = arith.constant 2 : i32
      %eq3A_1862 = vector.broadcast %eq3A_1861 : i32 to vector<16xi32>
      %eq3A_1863 = arith.cmpi eq, %gather3A_1842, %eq3A_1862 : vector<16xi32>
      %jit3A_1864 = arith.constant 1.000000e+00 : f32
      %jit3A_1865 = arith.constant 0.000000e+00 : f32
      %broadcast_in_dim3A_1866 = vector.broadcast %jit3A_1864 : f32 to vector<16xf32>
      %broadcast_in_dim3A_1867 = vector.broadcast %jit3A_1865 : f32 to vector<16xf32>
      %select_n3A_1868 = arith.select %eq3A_1863, %broadcast_in_dim3A_1866, %broadcast_in_dim3A_1867 : vector<16xi1>, vector<16xf32>
      %add3A_1869 = arith.addf %add3A_1739, %select_n3A_1868 : vector<16xf32>
      %eq3A_1870 = arith.constant 3 : i32
      %eq3A_1871 = vector.broadcast %eq3A_1870 : i32 to vector<16xi32>
      %eq3A_1872 = arith.cmpi eq, %gather3A_1842, %eq3A_1871 : vector<16xi32>
      %jit3A_1873 = arith.constant 1.000000e+00 : f32
      %jit3A_1874 = arith.constant 0.000000e+00 : f32
      %broadcast_in_dim3A_1875 = vector.broadcast %jit3A_1873 : f32 to vector<16xf32>
      %broadcast_in_dim3A_1876 = vector.broadcast %jit3A_1874 : f32 to vector<16xf32>
      %select_n3A_1877 = arith.select %eq3A_1872, %broadcast_in_dim3A_1875, %broadcast_in_dim3A_1876 : vector<16xi1>, vector<16xf32>
      %add3A_1878 = arith.addf %add3A_1748, %select_n3A_1877 : vector<16xf32>
      %eq3A_1879 = arith.constant 4 : i32
      %eq3A_1880 = vector.broadcast %eq3A_1879 : i32 to vector<16xi32>
      %eq3A_1881 = arith.cmpi eq, %gather3A_1842, %eq3A_1880 : vector<16xi32>
      %jit3A_1882 = arith.constant 1.000000e+00 : f32
      %jit3A_1883 = arith.constant 0.000000e+00 : f32
      %broadcast_in_dim3A_1884 = vector.broadcast %jit3A_1882 : f32 to vector<16xf32>
      %broadcast_in_dim3A_1885 = vector.broadcast %jit3A_1883 : f32 to vector<16xf32>
      %select_n3A_1886 = arith.select %eq3A_1881, %broadcast_in_dim3A_1884, %broadcast_in_dim3A_1885 : vector<16xi1>, vector<16xf32>
      %add3A_1887 = arith.addf %add3A_1757, %select_n3A_1886 : vector<16xf32>
      %eq3A_1888 = arith.constant 5 : i32
      %eq3A_1889 = vector.broadcast %eq3A_1888 : i32 to vector<16xi32>
      %eq3A_1890 = arith.cmpi eq, %gather3A_1842, %eq3A_1889 : vector<16xi32>
      %jit3A_1891 = arith.constant 1.000000e+00 : f32
      %jit3A_1892 = arith.constant 0.000000e+00 : f32
      %broadcast_in_dim3A_1893 = vector.broadcast %jit3A_1891 : f32 to vector<16xf32>
      %broadcast_in_dim3A_1894 = vector.broadcast %jit3A_1892 : f32 to vector<16xf32>
      %select_n3A_1895 = arith.select %eq3A_1890, %broadcast_in_dim3A_1893, %broadcast_in_dim3A_1894 : vector<16xi1>, vector<16xf32>
      %add3A_1896 = arith.addf %add3A_1766, %select_n3A_1895 : vector<16xf32>
      %eq3A_1897 = arith.constant 6 : i32
      %eq3A_1898 = vector.broadcast %eq3A_1897 : i32 to vector<16xi32>
      %eq3A_1899 = arith.cmpi eq, %gather3A_1842, %eq3A_1898 : vector<16xi32>
      %jit3A_1900 = arith.constant 1.000000e+00 : f32
      %jit3A_1901 = arith.constant 0.000000e+00 : f32
      %broadcast_in_dim3A_1902 = vector.broadcast %jit3A_1900 : f32 to vector<16xf32>
      %broadcast_in_dim3A_1903 = vector.broadcast %jit3A_1901 : f32 to vector<16xf32>
      %select_n3A_1904 = arith.select %eq3A_1899, %broadcast_in_dim3A_1902, %broadcast_in_dim3A_1903 : vector<16xi1>, vector<16xf32>
      %add3A_1905 = arith.addf %add3A_1775, %select_n3A_1904 : vector<16xf32>
      %eq3A_1906 = arith.constant 7 : i32
      %eq3A_1907 = vector.broadcast %eq3A_1906 : i32 to vector<16xi32>
      %eq3A_1908 = arith.cmpi eq, %gather3A_1842, %eq3A_1907 : vector<16xi32>
      %jit3A_1909 = arith.constant 1.000000e+00 : f32
      %jit3A_1910 = arith.constant 0.000000e+00 : f32
      %broadcast_in_dim3A_1911 = vector.broadcast %jit3A_1909 : f32 to vector<16xf32>
      %broadcast_in_dim3A_1912 = vector.broadcast %jit3A_1910 : f32 to vector<16xf32>
      %select_n3A_1913 = arith.select %eq3A_1908, %broadcast_in_dim3A_1911, %broadcast_in_dim3A_1912 : vector<16xi1>, vector<16xf32>
      %add3A_1914 = arith.addf %add3A_1784, %select_n3A_1913 : vector<16xf32>
      %eq3A_1915 = arith.constant 8 : i32
      %eq3A_1916 = vector.broadcast %eq3A_1915 : i32 to vector<16xi32>
      %eq3A_1917 = arith.cmpi eq, %gather3A_1842, %eq3A_1916 : vector<16xi32>
      %jit3A_1918 = arith.constant 1.000000e+00 : f32
      %jit3A_1919 = arith.constant 0.000000e+00 : f32
      %broadcast_in_dim3A_1920 = vector.broadcast %jit3A_1918 : f32 to vector<16xf32>
      %broadcast_in_dim3A_1921 = vector.broadcast %jit3A_1919 : f32 to vector<16xf32>
      %select_n3A_1922 = arith.select %eq3A_1917, %broadcast_in_dim3A_1920, %broadcast_in_dim3A_1921 : vector<16xi1>, vector<16xf32>
      %add3A_1923 = arith.addf %add3A_1793, %select_n3A_1922 : vector<16xf32>
      %eq3A_1924 = arith.constant 9 : i32
      %eq3A_1925 = vector.broadcast %eq3A_1924 : i32 to vector<16xi32>
      %eq3A_1926 = arith.cmpi eq, %gather3A_1842, %eq3A_1925 : vector<16xi32>
      %jit3A_1927 = arith.constant 1.000000e+00 : f32
      %jit3A_1928 = arith.constant 0.000000e+00 : f32
      %broadcast_in_dim3A_1929 = vector.broadcast %jit3A_1927 : f32 to vector<16xf32>
      %broadcast_in_dim3A_1930 = vector.broadcast %jit3A_1928 : f32 to vector<16xf32>
      %select_n3A_1931 = arith.select %eq3A_1926, %broadcast_in_dim3A_1929, %broadcast_in_dim3A_1930 : vector<16xi1>, vector<16xf32>
      %add3A_1932 = arith.addf %add3A_1802, %select_n3A_1931 : vector<16xf32>
      %eq3A_1933 = arith.constant 10 : i32
      %eq3A_1934 = vector.broadcast %eq3A_1933 : i32 to vector<16xi32>
      %eq3A_1935 = arith.cmpi eq, %gather3A_1842, %eq3A_1934 : vector<16xi32>
      %jit3A_1936 = arith.constant 1.000000e+00 : f32
      %jit3A_1937 = arith.constant 0.000000e+00 : f32
      %broadcast_in_dim3A_1938 = vector.broadcast %jit3A_1936 : f32 to vector<16xf32>
      %broadcast_in_dim3A_1939 = vector.broadcast %jit3A_1937 : f32 to vector<16xf32>
      %select_n3A_1940 = arith.select %eq3A_1935, %broadcast_in_dim3A_1938, %broadcast_in_dim3A_1939 : vector<16xi1>, vector<16xf32>
      %add3A_1941 = arith.addf %add3A_1811, %select_n3A_1940 : vector<16xf32>
      %eq3A_1942 = arith.constant 11 : i32
      %eq3A_1943 = vector.broadcast %eq3A_1942 : i32 to vector<16xi32>
      %eq3A_1944 = arith.cmpi eq, %gather3A_1842, %eq3A_1943 : vector<16xi32>
      %jit3A_1945 = arith.constant 1.000000e+00 : f32
      %jit3A_1946 = arith.constant 0.000000e+00 : f32
      %broadcast_in_dim3A_1947 = vector.broadcast %jit3A_1945 : f32 to vector<16xf32>
      %broadcast_in_dim3A_1948 = vector.broadcast %jit3A_1946 : f32 to vector<16xf32>
      %select_n3A_1949 = arith.select %eq3A_1944, %broadcast_in_dim3A_1947, %broadcast_in_dim3A_1948 : vector<16xi1>, vector<16xf32>
      %add3A_1950 = arith.addf %add3A_1820, %select_n3A_1949 : vector<16xf32>
      %eq3A_1951 = arith.constant 12 : i32
      %eq3A_1952 = vector.broadcast %eq3A_1951 : i32 to vector<16xi32>
      %eq3A_1953 = arith.cmpi eq, %gather3A_1842, %eq3A_1952 : vector<16xi32>
      %jit3A_1954 = arith.constant 1.000000e+00 : f32
      %jit3A_1955 = arith.constant 0.000000e+00 : f32
      %broadcast_in_dim3A_1956 = vector.broadcast %jit3A_1954 : f32 to vector<16xf32>
      %broadcast_in_dim3A_1957 = vector.broadcast %jit3A_1955 : f32 to vector<16xf32>
      %select_n3A_1958 = arith.select %eq3A_1953, %broadcast_in_dim3A_1956, %broadcast_in_dim3A_1957 : vector<16xi1>, vector<16xf32>
      %add3A_1959 = arith.addf %add3A_1829, %select_n3A_1958 : vector<16xf32>
      %eq3A_1960 = arith.constant 13 : i32
      %eq3A_1961 = vector.broadcast %eq3A_1960 : i32 to vector<16xi32>
      %eq3A_1962 = arith.cmpi eq, %gather3A_1842, %eq3A_1961 : vector<16xi32>
      %jit3A_1963 = arith.constant 1.000000e+00 : f32
      %jit3A_1964 = arith.constant 0.000000e+00 : f32
      %broadcast_in_dim3A_1965 = vector.broadcast %jit3A_1963 : f32 to vector<16xf32>
      %broadcast_in_dim3A_1966 = vector.broadcast %jit3A_1964 : f32 to vector<16xf32>
      %select_n3A_1967 = arith.select %eq3A_1962, %broadcast_in_dim3A_1965, %broadcast_in_dim3A_1966 : vector<16xi1>, vector<16xf32>
      %add3A_1968 = arith.addf %add3A_1838, %select_n3A_1967 : vector<16xf32>
      %add3A_1969 = arith.constant 15 : i32
      %add3A_1970 = vector.broadcast %add3A_1969 : i32 to vector<16xi32>
      %add3A_1971 = arith.addi %mul3A_22, %add3A_1970 : vector<16xi32>
      %gather3A_1972 = tpu.vector_load_idx %arg4[%add3A_1971] : memref<10240xi32, #tpu.memory_space<vmem>>[vector<16xi32>], vector<16xi32>,
      %eq3A_1973 = arith.constant 0 : i32
      %eq3A_1974 = vector.broadcast %eq3A_1973 : i32 to vector<16xi32>
      %eq3A_1975 = arith.cmpi eq, %gather3A_1972, %eq3A_1974 : vector<16xi32>
      %jit3A_1976 = arith.constant 1.000000e+00 : f32
      %jit3A_1977 = arith.constant 0.000000e+00 : f32
      %broadcast_in_dim3A_1978 = vector.broadcast %jit3A_1976 : f32 to vector<16xf32>
      %broadcast_in_dim3A_1979 = vector.broadcast %jit3A_1977 : f32 to vector<16xf32>
      %select_n3A_1980 = arith.select %eq3A_1975, %broadcast_in_dim3A_1978, %broadcast_in_dim3A_1979 : vector<16xi1>, vector<16xf32>
      %add3A_1981 = arith.addf %add3A_1851, %select_n3A_1980 : vector<16xf32>
      %eq3A_1982 = arith.constant 1 : i32
      %eq3A_1983 = vector.broadcast %eq3A_1982 : i32 to vector<16xi32>
      %eq3A_1984 = arith.cmpi eq, %gather3A_1972, %eq3A_1983 : vector<16xi32>
      %jit3A_1985 = arith.constant 1.000000e+00 : f32
      %jit3A_1986 = arith.constant 0.000000e+00 : f32
      %broadcast_in_dim3A_1987 = vector.broadcast %jit3A_1985 : f32 to vector<16xf32>
      %broadcast_in_dim3A_1988 = vector.broadcast %jit3A_1986 : f32 to vector<16xf32>
      %select_n3A_1989 = arith.select %eq3A_1984, %broadcast_in_dim3A_1987, %broadcast_in_dim3A_1988 : vector<16xi1>, vector<16xf32>
      %add3A_1990 = arith.addf %add3A_1860, %select_n3A_1989 : vector<16xf32>
      %eq3A_1991 = arith.constant 2 : i32
      %eq3A_1992 = vector.broadcast %eq3A_1991 : i32 to vector<16xi32>
      %eq3A_1993 = arith.cmpi eq, %gather3A_1972, %eq3A_1992 : vector<16xi32>
      %jit3A_1994 = arith.constant 1.000000e+00 : f32
      %jit3A_1995 = arith.constant 0.000000e+00 : f32
      %broadcast_in_dim3A_1996 = vector.broadcast %jit3A_1994 : f32 to vector<16xf32>
      %broadcast_in_dim3A_1997 = vector.broadcast %jit3A_1995 : f32 to vector<16xf32>
      %select_n3A_1998 = arith.select %eq3A_1993, %broadcast_in_dim3A_1996, %broadcast_in_dim3A_1997 : vector<16xi1>, vector<16xf32>
      %add3A_1999 = arith.addf %add3A_1869, %select_n3A_1998 : vector<16xf32>
      %eq3A_2000 = arith.constant 3 : i32
      %eq3A_2001 = vector.broadcast %eq3A_2000 : i32 to vector<16xi32>
      %eq3A_2002 = arith.cmpi eq, %gather3A_1972, %eq3A_2001 : vector<16xi32>
      %jit3A_2003 = arith.constant 1.000000e+00 : f32
      %jit3A_2004 = arith.constant 0.000000e+00 : f32
      %broadcast_in_dim3A_2005 = vector.broadcast %jit3A_2003 : f32 to vector<16xf32>
      %broadcast_in_dim3A_2006 = vector.broadcast %jit3A_2004 : f32 to vector<16xf32>
      %select_n3A_2007 = arith.select %eq3A_2002, %broadcast_in_dim3A_2005, %broadcast_in_dim3A_2006 : vector<16xi1>, vector<16xf32>
      %add3A_2008 = arith.addf %add3A_1878, %select_n3A_2007 : vector<16xf32>
      %eq3A_2009 = arith.constant 4 : i32
      %eq3A_2010 = vector.broadcast %eq3A_2009 : i32 to vector<16xi32>
      %eq3A_2011 = arith.cmpi eq, %gather3A_1972, %eq3A_2010 : vector<16xi32>
      %jit3A_2012 = arith.constant 1.000000e+00 : f32
      %jit3A_2013 = arith.constant 0.000000e+00 : f32
      %broadcast_in_dim3A_2014 = vector.broadcast %jit3A_2012 : f32 to vector<16xf32>
      %broadcast_in_dim3A_2015 = vector.broadcast %jit3A_2013 : f32 to vector<16xf32>
      %select_n3A_2016 = arith.select %eq3A_2011, %broadcast_in_dim3A_2014, %broadcast_in_dim3A_2015 : vector<16xi1>, vector<16xf32>
      %add3A_2017 = arith.addf %add3A_1887, %select_n3A_2016 : vector<16xf32>
      %eq3A_2018 = arith.constant 5 : i32
      %eq3A_2019 = vector.broadcast %eq3A_2018 : i32 to vector<16xi32>
      %eq3A_2020 = arith.cmpi eq, %gather3A_1972, %eq3A_2019 : vector<16xi32>
      %jit3A_2021 = arith.constant 1.000000e+00 : f32
      %jit3A_2022 = arith.constant 0.000000e+00 : f32
      %broadcast_in_dim3A_2023 = vector.broadcast %jit3A_2021 : f32 to vector<16xf32>
      %broadcast_in_dim3A_2024 = vector.broadcast %jit3A_2022 : f32 to vector<16xf32>
      %select_n3A_2025 = arith.select %eq3A_2020, %broadcast_in_dim3A_2023, %broadcast_in_dim3A_2024 : vector<16xi1>, vector<16xf32>
      %add3A_2026 = arith.addf %add3A_1896, %select_n3A_2025 : vector<16xf32>
      %eq3A_2027 = arith.constant 6 : i32
      %eq3A_2028 = vector.broadcast %eq3A_2027 : i32 to vector<16xi32>
      %eq3A_2029 = arith.cmpi eq, %gather3A_1972, %eq3A_2028 : vector<16xi32>
      %jit3A_2030 = arith.constant 1.000000e+00 : f32
      %jit3A_2031 = arith.constant 0.000000e+00 : f32
      %broadcast_in_dim3A_2032 = vector.broadcast %jit3A_2030 : f32 to vector<16xf32>
      %broadcast_in_dim3A_2033 = vector.broadcast %jit3A_2031 : f32 to vector<16xf32>
      %select_n3A_2034 = arith.select %eq3A_2029, %broadcast_in_dim3A_2032, %broadcast_in_dim3A_2033 : vector<16xi1>, vector<16xf32>
      %add3A_2035 = arith.addf %add3A_1905, %select_n3A_2034 : vector<16xf32>
      %eq3A_2036 = arith.constant 7 : i32
      %eq3A_2037 = vector.broadcast %eq3A_2036 : i32 to vector<16xi32>
      %eq3A_2038 = arith.cmpi eq, %gather3A_1972, %eq3A_2037 : vector<16xi32>
      %jit3A_2039 = arith.constant 1.000000e+00 : f32
      %jit3A_2040 = arith.constant 0.000000e+00 : f32
      %broadcast_in_dim3A_2041 = vector.broadcast %jit3A_2039 : f32 to vector<16xf32>
      %broadcast_in_dim3A_2042 = vector.broadcast %jit3A_2040 : f32 to vector<16xf32>
      %select_n3A_2043 = arith.select %eq3A_2038, %broadcast_in_dim3A_2041, %broadcast_in_dim3A_2042 : vector<16xi1>, vector<16xf32>
      %add3A_2044 = arith.addf %add3A_1914, %select_n3A_2043 : vector<16xf32>
      %eq3A_2045 = arith.constant 8 : i32
      %eq3A_2046 = vector.broadcast %eq3A_2045 : i32 to vector<16xi32>
      %eq3A_2047 = arith.cmpi eq, %gather3A_1972, %eq3A_2046 : vector<16xi32>
      %jit3A_2048 = arith.constant 1.000000e+00 : f32
      %jit3A_2049 = arith.constant 0.000000e+00 : f32
      %broadcast_in_dim3A_2050 = vector.broadcast %jit3A_2048 : f32 to vector<16xf32>
      %broadcast_in_dim3A_2051 = vector.broadcast %jit3A_2049 : f32 to vector<16xf32>
      %select_n3A_2052 = arith.select %eq3A_2047, %broadcast_in_dim3A_2050, %broadcast_in_dim3A_2051 : vector<16xi1>, vector<16xf32>
      %add3A_2053 = arith.addf %add3A_1923, %select_n3A_2052 : vector<16xf32>
      %eq3A_2054 = arith.constant 9 : i32
      %eq3A_2055 = vector.broadcast %eq3A_2054 : i32 to vector<16xi32>
      %eq3A_2056 = arith.cmpi eq, %gather3A_1972, %eq3A_2055 : vector<16xi32>
      %jit3A_2057 = arith.constant 1.000000e+00 : f32
      %jit3A_2058 = arith.constant 0.000000e+00 : f32
      %broadcast_in_dim3A_2059 = vector.broadcast %jit3A_2057 : f32 to vector<16xf32>
      %broadcast_in_dim3A_2060 = vector.broadcast %jit3A_2058 : f32 to vector<16xf32>
      %select_n3A_2061 = arith.select %eq3A_2056, %broadcast_in_dim3A_2059, %broadcast_in_dim3A_2060 : vector<16xi1>, vector<16xf32>
      %add3A_2062 = arith.addf %add3A_1932, %select_n3A_2061 : vector<16xf32>
      %eq3A_2063 = arith.constant 10 : i32
      %eq3A_2064 = vector.broadcast %eq3A_2063 : i32 to vector<16xi32>
      %eq3A_2065 = arith.cmpi eq, %gather3A_1972, %eq3A_2064 : vector<16xi32>
      %jit3A_2066 = arith.constant 1.000000e+00 : f32
      %jit3A_2067 = arith.constant 0.000000e+00 : f32
      %broadcast_in_dim3A_2068 = vector.broadcast %jit3A_2066 : f32 to vector<16xf32>
      %broadcast_in_dim3A_2069 = vector.broadcast %jit3A_2067 : f32 to vector<16xf32>
      %select_n3A_2070 = arith.select %eq3A_2065, %broadcast_in_dim3A_2068, %broadcast_in_dim3A_2069 : vector<16xi1>, vector<16xf32>
      %add3A_2071 = arith.addf %add3A_1941, %select_n3A_2070 : vector<16xf32>
      %eq3A_2072 = arith.constant 11 : i32
      %eq3A_2073 = vector.broadcast %eq3A_2072 : i32 to vector<16xi32>
      %eq3A_2074 = arith.cmpi eq, %gather3A_1972, %eq3A_2073 : vector<16xi32>
      %jit3A_2075 = arith.constant 1.000000e+00 : f32
      %jit3A_2076 = arith.constant 0.000000e+00 : f32
      %broadcast_in_dim3A_2077 = vector.broadcast %jit3A_2075 : f32 to vector<16xf32>
      %broadcast_in_dim3A_2078 = vector.broadcast %jit3A_2076 : f32 to vector<16xf32>
      %select_n3A_2079 = arith.select %eq3A_2074, %broadcast_in_dim3A_2077, %broadcast_in_dim3A_2078 : vector<16xi1>, vector<16xf32>
      %add3A_2080 = arith.addf %add3A_1950, %select_n3A_2079 : vector<16xf32>
      %eq3A_2081 = arith.constant 12 : i32
      %eq3A_2082 = vector.broadcast %eq3A_2081 : i32 to vector<16xi32>
      %eq3A_2083 = arith.cmpi eq, %gather3A_1972, %eq3A_2082 : vector<16xi32>
      %jit3A_2084 = arith.constant 1.000000e+00 : f32
      %jit3A_2085 = arith.constant 0.000000e+00 : f32
      %broadcast_in_dim3A_2086 = vector.broadcast %jit3A_2084 : f32 to vector<16xf32>
      %broadcast_in_dim3A_2087 = vector.broadcast %jit3A_2085 : f32 to vector<16xf32>
      %select_n3A_2088 = arith.select %eq3A_2083, %broadcast_in_dim3A_2086, %broadcast_in_dim3A_2087 : vector<16xi1>, vector<16xf32>
      %add3A_2089 = arith.addf %add3A_1959, %select_n3A_2088 : vector<16xf32>
      %eq3A_2090 = arith.constant 13 : i32
      %eq3A_2091 = vector.broadcast %eq3A_2090 : i32 to vector<16xi32>
      %eq3A_2092 = arith.cmpi eq, %gather3A_1972, %eq3A_2091 : vector<16xi32>
      %jit3A_2093 = arith.constant 1.000000e+00 : f32
      %jit3A_2094 = arith.constant 0.000000e+00 : f32
      %broadcast_in_dim3A_2095 = vector.broadcast %jit3A_2093 : f32 to vector<16xf32>
      %broadcast_in_dim3A_2096 = vector.broadcast %jit3A_2094 : f32 to vector<16xf32>
      %select_n3A_2097 = arith.select %eq3A_2092, %broadcast_in_dim3A_2095, %broadcast_in_dim3A_2096 : vector<16xi1>, vector<16xf32>
      %add3A_2098 = arith.addf %add3A_1968, %select_n3A_2097 : vector<16xf32>
      %add3A_2099 = arith.constant 16 : i32
      %add3A_2100 = vector.broadcast %add3A_2099 : i32 to vector<16xi32>
      %add3A_2101 = arith.addi %mul3A_22, %add3A_2100 : vector<16xi32>
      %gather3A_2102 = tpu.vector_load_idx %arg4[%add3A_2101] : memref<10240xi32, #tpu.memory_space<vmem>>[vector<16xi32>], vector<16xi32>,
      %eq3A_2103 = arith.constant 0 : i32
      %eq3A_2104 = vector.broadcast %eq3A_2103 : i32 to vector<16xi32>
      %eq3A_2105 = arith.cmpi eq, %gather3A_2102, %eq3A_2104 : vector<16xi32>
      %jit3A_2106 = arith.constant 1.000000e+00 : f32
      %jit3A_2107 = arith.constant 0.000000e+00 : f32
      %broadcast_in_dim3A_2108 = vector.broadcast %jit3A_2106 : f32 to vector<16xf32>
      %broadcast_in_dim3A_2109 = vector.broadcast %jit3A_2107 : f32 to vector<16xf32>
      %select_n3A_2110 = arith.select %eq3A_2105, %broadcast_in_dim3A_2108, %broadcast_in_dim3A_2109 : vector<16xi1>, vector<16xf32>
      %add3A_2111 = arith.addf %add3A_1981, %select_n3A_2110 : vector<16xf32>
      %eq3A_2112 = arith.constant 1 : i32
      %eq3A_2113 = vector.broadcast %eq3A_2112 : i32 to vector<16xi32>
      %eq3A_2114 = arith.cmpi eq, %gather3A_2102, %eq3A_2113 : vector<16xi32>
      %jit3A_2115 = arith.constant 1.000000e+00 : f32
      %jit3A_2116 = arith.constant 0.000000e+00 : f32
      %broadcast_in_dim3A_2117 = vector.broadcast %jit3A_2115 : f32 to vector<16xf32>
      %broadcast_in_dim3A_2118 = vector.broadcast %jit3A_2116 : f32 to vector<16xf32>
      %select_n3A_2119 = arith.select %eq3A_2114, %broadcast_in_dim3A_2117, %broadcast_in_dim3A_2118 : vector<16xi1>, vector<16xf32>
      %add3A_2120 = arith.addf %add3A_1990, %select_n3A_2119 : vector<16xf32>
      %eq3A_2121 = arith.constant 2 : i32
      %eq3A_2122 = vector.broadcast %eq3A_2121 : i32 to vector<16xi32>
      %eq3A_2123 = arith.cmpi eq, %gather3A_2102, %eq3A_2122 : vector<16xi32>
      %jit3A_2124 = arith.constant 1.000000e+00 : f32
      %jit3A_2125 = arith.constant 0.000000e+00 : f32
      %broadcast_in_dim3A_2126 = vector.broadcast %jit3A_2124 : f32 to vector<16xf32>
      %broadcast_in_dim3A_2127 = vector.broadcast %jit3A_2125 : f32 to vector<16xf32>
      %select_n3A_2128 = arith.select %eq3A_2123, %broadcast_in_dim3A_2126, %broadcast_in_dim3A_2127 : vector<16xi1>, vector<16xf32>
      %add3A_2129 = arith.addf %add3A_1999, %select_n3A_2128 : vector<16xf32>
      %eq3A_2130 = arith.constant 3 : i32
      %eq3A_2131 = vector.broadcast %eq3A_2130 : i32 to vector<16xi32>
      %eq3A_2132 = arith.cmpi eq, %gather3A_2102, %eq3A_2131 : vector<16xi32>
      %jit3A_2133 = arith.constant 1.000000e+00 : f32
      %jit3A_2134 = arith.constant 0.000000e+00 : f32
      %broadcast_in_dim3A_2135 = vector.broadcast %jit3A_2133 : f32 to vector<16xf32>
      %broadcast_in_dim3A_2136 = vector.broadcast %jit3A_2134 : f32 to vector<16xf32>
      %select_n3A_2137 = arith.select %eq3A_2132, %broadcast_in_dim3A_2135, %broadcast_in_dim3A_2136 : vector<16xi1>, vector<16xf32>
      %add3A_2138 = arith.addf %add3A_2008, %select_n3A_2137 : vector<16xf32>
      %eq3A_2139 = arith.constant 4 : i32
      %eq3A_2140 = vector.broadcast %eq3A_2139 : i32 to vector<16xi32>
      %eq3A_2141 = arith.cmpi eq, %gather3A_2102, %eq3A_2140 : vector<16xi32>
      %jit3A_2142 = arith.constant 1.000000e+00 : f32
      %jit3A_2143 = arith.constant 0.000000e+00 : f32
      %broadcast_in_dim3A_2144 = vector.broadcast %jit3A_2142 : f32 to vector<16xf32>
      %broadcast_in_dim3A_2145 = vector.broadcast %jit3A_2143 : f32 to vector<16xf32>
      %select_n3A_2146 = arith.select %eq3A_2141, %broadcast_in_dim3A_2144, %broadcast_in_dim3A_2145 : vector<16xi1>, vector<16xf32>
      %add3A_2147 = arith.addf %add3A_2017, %select_n3A_2146 : vector<16xf32>
      %eq3A_2148 = arith.constant 5 : i32
      %eq3A_2149 = vector.broadcast %eq3A_2148 : i32 to vector<16xi32>
      %eq3A_2150 = arith.cmpi eq, %gather3A_2102, %eq3A_2149 : vector<16xi32>
      %jit3A_2151 = arith.constant 1.000000e+00 : f32
      %jit3A_2152 = arith.constant 0.000000e+00 : f32
      %broadcast_in_dim3A_2153 = vector.broadcast %jit3A_2151 : f32 to vector<16xf32>
      %broadcast_in_dim3A_2154 = vector.broadcast %jit3A_2152 : f32 to vector<16xf32>
      %select_n3A_2155 = arith.select %eq3A_2150, %broadcast_in_dim3A_2153, %broadcast_in_dim3A_2154 : vector<16xi1>, vector<16xf32>
      %add3A_2156 = arith.addf %add3A_2026, %select_n3A_2155 : vector<16xf32>
      %eq3A_2157 = arith.constant 6 : i32
      %eq3A_2158 = vector.broadcast %eq3A_2157 : i32 to vector<16xi32>
      %eq3A_2159 = arith.cmpi eq, %gather3A_2102, %eq3A_2158 : vector<16xi32>
      %jit3A_2160 = arith.constant 1.000000e+00 : f32
      %jit3A_2161 = arith.constant 0.000000e+00 : f32
      %broadcast_in_dim3A_2162 = vector.broadcast %jit3A_2160 : f32 to vector<16xf32>
      %broadcast_in_dim3A_2163 = vector.broadcast %jit3A_2161 : f32 to vector<16xf32>
      %select_n3A_2164 = arith.select %eq3A_2159, %broadcast_in_dim3A_2162, %broadcast_in_dim3A_2163 : vector<16xi1>, vector<16xf32>
      %add3A_2165 = arith.addf %add3A_2035, %select_n3A_2164 : vector<16xf32>
      %eq3A_2166 = arith.constant 7 : i32
      %eq3A_2167 = vector.broadcast %eq3A_2166 : i32 to vector<16xi32>
      %eq3A_2168 = arith.cmpi eq, %gather3A_2102, %eq3A_2167 : vector<16xi32>
      %jit3A_2169 = arith.constant 1.000000e+00 : f32
      %jit3A_2170 = arith.constant 0.000000e+00 : f32
      %broadcast_in_dim3A_2171 = vector.broadcast %jit3A_2169 : f32 to vector<16xf32>
      %broadcast_in_dim3A_2172 = vector.broadcast %jit3A_2170 : f32 to vector<16xf32>
      %select_n3A_2173 = arith.select %eq3A_2168, %broadcast_in_dim3A_2171, %broadcast_in_dim3A_2172 : vector<16xi1>, vector<16xf32>
      %add3A_2174 = arith.addf %add3A_2044, %select_n3A_2173 : vector<16xf32>
      %eq3A_2175 = arith.constant 8 : i32
      %eq3A_2176 = vector.broadcast %eq3A_2175 : i32 to vector<16xi32>
      %eq3A_2177 = arith.cmpi eq, %gather3A_2102, %eq3A_2176 : vector<16xi32>
      %jit3A_2178 = arith.constant 1.000000e+00 : f32
      %jit3A_2179 = arith.constant 0.000000e+00 : f32
      %broadcast_in_dim3A_2180 = vector.broadcast %jit3A_2178 : f32 to vector<16xf32>
      %broadcast_in_dim3A_2181 = vector.broadcast %jit3A_2179 : f32 to vector<16xf32>
      %select_n3A_2182 = arith.select %eq3A_2177, %broadcast_in_dim3A_2180, %broadcast_in_dim3A_2181 : vector<16xi1>, vector<16xf32>
      %add3A_2183 = arith.addf %add3A_2053, %select_n3A_2182 : vector<16xf32>
      %eq3A_2184 = arith.constant 9 : i32
      %eq3A_2185 = vector.broadcast %eq3A_2184 : i32 to vector<16xi32>
      %eq3A_2186 = arith.cmpi eq, %gather3A_2102, %eq3A_2185 : vector<16xi32>
      %jit3A_2187 = arith.constant 1.000000e+00 : f32
      %jit3A_2188 = arith.constant 0.000000e+00 : f32
      %broadcast_in_dim3A_2189 = vector.broadcast %jit3A_2187 : f32 to vector<16xf32>
      %broadcast_in_dim3A_2190 = vector.broadcast %jit3A_2188 : f32 to vector<16xf32>
      %select_n3A_2191 = arith.select %eq3A_2186, %broadcast_in_dim3A_2189, %broadcast_in_dim3A_2190 : vector<16xi1>, vector<16xf32>
      %add3A_2192 = arith.addf %add3A_2062, %select_n3A_2191 : vector<16xf32>
      %eq3A_2193 = arith.constant 10 : i32
      %eq3A_2194 = vector.broadcast %eq3A_2193 : i32 to vector<16xi32>
      %eq3A_2195 = arith.cmpi eq, %gather3A_2102, %eq3A_2194 : vector<16xi32>
      %jit3A_2196 = arith.constant 1.000000e+00 : f32
      %jit3A_2197 = arith.constant 0.000000e+00 : f32
      %broadcast_in_dim3A_2198 = vector.broadcast %jit3A_2196 : f32 to vector<16xf32>
      %broadcast_in_dim3A_2199 = vector.broadcast %jit3A_2197 : f32 to vector<16xf32>
      %select_n3A_2200 = arith.select %eq3A_2195, %broadcast_in_dim3A_2198, %broadcast_in_dim3A_2199 : vector<16xi1>, vector<16xf32>
      %add3A_2201 = arith.addf %add3A_2071, %select_n3A_2200 : vector<16xf32>
      %eq3A_2202 = arith.constant 11 : i32
      %eq3A_2203 = vector.broadcast %eq3A_2202 : i32 to vector<16xi32>
      %eq3A_2204 = arith.cmpi eq, %gather3A_2102, %eq3A_2203 : vector<16xi32>
      %jit3A_2205 = arith.constant 1.000000e+00 : f32
      %jit3A_2206 = arith.constant 0.000000e+00 : f32
      %broadcast_in_dim3A_2207 = vector.broadcast %jit3A_2205 : f32 to vector<16xf32>
      %broadcast_in_dim3A_2208 = vector.broadcast %jit3A_2206 : f32 to vector<16xf32>
      %select_n3A_2209 = arith.select %eq3A_2204, %broadcast_in_dim3A_2207, %broadcast_in_dim3A_2208 : vector<16xi1>, vector<16xf32>
      %add3A_2210 = arith.addf %add3A_2080, %select_n3A_2209 : vector<16xf32>
      %eq3A_2211 = arith.constant 12 : i32
      %eq3A_2212 = vector.broadcast %eq3A_2211 : i32 to vector<16xi32>
      %eq3A_2213 = arith.cmpi eq, %gather3A_2102, %eq3A_2212 : vector<16xi32>
      %jit3A_2214 = arith.constant 1.000000e+00 : f32
      %jit3A_2215 = arith.constant 0.000000e+00 : f32
      %broadcast_in_dim3A_2216 = vector.broadcast %jit3A_2214 : f32 to vector<16xf32>
      %broadcast_in_dim3A_2217 = vector.broadcast %jit3A_2215 : f32 to vector<16xf32>
      %select_n3A_2218 = arith.select %eq3A_2213, %broadcast_in_dim3A_2216, %broadcast_in_dim3A_2217 : vector<16xi1>, vector<16xf32>
      %add3A_2219 = arith.addf %add3A_2089, %select_n3A_2218 : vector<16xf32>
      %eq3A_2220 = arith.constant 13 : i32
      %eq3A_2221 = vector.broadcast %eq3A_2220 : i32 to vector<16xi32>
      %eq3A_2222 = arith.cmpi eq, %gather3A_2102, %eq3A_2221 : vector<16xi32>
      %jit3A_2223 = arith.constant 1.000000e+00 : f32
      %jit3A_2224 = arith.constant 0.000000e+00 : f32
      %broadcast_in_dim3A_2225 = vector.broadcast %jit3A_2223 : f32 to vector<16xf32>
      %broadcast_in_dim3A_2226 = vector.broadcast %jit3A_2224 : f32 to vector<16xf32>
      %select_n3A_2227 = arith.select %eq3A_2222, %broadcast_in_dim3A_2225, %broadcast_in_dim3A_2226 : vector<16xi1>, vector<16xf32>
      %add3A_2228 = arith.addf %add3A_2098, %select_n3A_2227 : vector<16xf32>
      %add3A_2229 = arith.constant 17 : i32
      %add3A_2230 = vector.broadcast %add3A_2229 : i32 to vector<16xi32>
      %add3A_2231 = arith.addi %mul3A_22, %add3A_2230 : vector<16xi32>
      %gather3A_2232 = tpu.vector_load_idx %arg4[%add3A_2231] : memref<10240xi32, #tpu.memory_space<vmem>>[vector<16xi32>], vector<16xi32>,
      %eq3A_2233 = arith.constant 0 : i32
      %eq3A_2234 = vector.broadcast %eq3A_2233 : i32 to vector<16xi32>
      %eq3A_2235 = arith.cmpi eq, %gather3A_2232, %eq3A_2234 : vector<16xi32>
      %jit3A_2236 = arith.constant 1.000000e+00 : f32
      %jit3A_2237 = arith.constant 0.000000e+00 : f32
      %broadcast_in_dim3A_2238 = vector.broadcast %jit3A_2236 : f32 to vector<16xf32>
      %broadcast_in_dim3A_2239 = vector.broadcast %jit3A_2237 : f32 to vector<16xf32>
      %select_n3A_2240 = arith.select %eq3A_2235, %broadcast_in_dim3A_2238, %broadcast_in_dim3A_2239 : vector<16xi1>, vector<16xf32>
      %add3A_2241 = arith.addf %add3A_2111, %select_n3A_2240 : vector<16xf32>
      %eq3A_2242 = arith.constant 1 : i32
      %eq3A_2243 = vector.broadcast %eq3A_2242 : i32 to vector<16xi32>
      %eq3A_2244 = arith.cmpi eq, %gather3A_2232, %eq3A_2243 : vector<16xi32>
      %jit3A_2245 = arith.constant 1.000000e+00 : f32
      %jit3A_2246 = arith.constant 0.000000e+00 : f32
      %broadcast_in_dim3A_2247 = vector.broadcast %jit3A_2245 : f32 to vector<16xf32>
      %broadcast_in_dim3A_2248 = vector.broadcast %jit3A_2246 : f32 to vector<16xf32>
      %select_n3A_2249 = arith.select %eq3A_2244, %broadcast_in_dim3A_2247, %broadcast_in_dim3A_2248 : vector<16xi1>, vector<16xf32>
      %add3A_2250 = arith.addf %add3A_2120, %select_n3A_2249 : vector<16xf32>
      %eq3A_2251 = arith.constant 2 : i32
      %eq3A_2252 = vector.broadcast %eq3A_2251 : i32 to vector<16xi32>
      %eq3A_2253 = arith.cmpi eq, %gather3A_2232, %eq3A_2252 : vector<16xi32>
      %jit3A_2254 = arith.constant 1.000000e+00 : f32
      %jit3A_2255 = arith.constant 0.000000e+00 : f32
      %broadcast_in_dim3A_2256 = vector.broadcast %jit3A_2254 : f32 to vector<16xf32>
      %broadcast_in_dim3A_2257 = vector.broadcast %jit3A_2255 : f32 to vector<16xf32>
      %select_n3A_2258 = arith.select %eq3A_2253, %broadcast_in_dim3A_2256, %broadcast_in_dim3A_2257 : vector<16xi1>, vector<16xf32>
      %add3A_2259 = arith.addf %add3A_2129, %select_n3A_2258 : vector<16xf32>
      %eq3A_2260 = arith.constant 3 : i32
      %eq3A_2261 = vector.broadcast %eq3A_2260 : i32 to vector<16xi32>
      %eq3A_2262 = arith.cmpi eq, %gather3A_2232, %eq3A_2261 : vector<16xi32>
      %jit3A_2263 = arith.constant 1.000000e+00 : f32
      %jit3A_2264 = arith.constant 0.000000e+00 : f32
      %broadcast_in_dim3A_2265 = vector.broadcast %jit3A_2263 : f32 to vector<16xf32>
      %broadcast_in_dim3A_2266 = vector.broadcast %jit3A_2264 : f32 to vector<16xf32>
      %select_n3A_2267 = arith.select %eq3A_2262, %broadcast_in_dim3A_2265, %broadcast_in_dim3A_2266 : vector<16xi1>, vector<16xf32>
      %add3A_2268 = arith.addf %add3A_2138, %select_n3A_2267 : vector<16xf32>
      %eq3A_2269 = arith.constant 4 : i32
      %eq3A_2270 = vector.broadcast %eq3A_2269 : i32 to vector<16xi32>
      %eq3A_2271 = arith.cmpi eq, %gather3A_2232, %eq3A_2270 : vector<16xi32>
      %jit3A_2272 = arith.constant 1.000000e+00 : f32
      %jit3A_2273 = arith.constant 0.000000e+00 : f32
      %broadcast_in_dim3A_2274 = vector.broadcast %jit3A_2272 : f32 to vector<16xf32>
      %broadcast_in_dim3A_2275 = vector.broadcast %jit3A_2273 : f32 to vector<16xf32>
      %select_n3A_2276 = arith.select %eq3A_2271, %broadcast_in_dim3A_2274, %broadcast_in_dim3A_2275 : vector<16xi1>, vector<16xf32>
      %add3A_2277 = arith.addf %add3A_2147, %select_n3A_2276 : vector<16xf32>
      %eq3A_2278 = arith.constant 5 : i32
      %eq3A_2279 = vector.broadcast %eq3A_2278 : i32 to vector<16xi32>
      %eq3A_2280 = arith.cmpi eq, %gather3A_2232, %eq3A_2279 : vector<16xi32>
      %jit3A_2281 = arith.constant 1.000000e+00 : f32
      %jit3A_2282 = arith.constant 0.000000e+00 : f32
      %broadcast_in_dim3A_2283 = vector.broadcast %jit3A_2281 : f32 to vector<16xf32>
      %broadcast_in_dim3A_2284 = vector.broadcast %jit3A_2282 : f32 to vector<16xf32>
      %select_n3A_2285 = arith.select %eq3A_2280, %broadcast_in_dim3A_2283, %broadcast_in_dim3A_2284 : vector<16xi1>, vector<16xf32>
      %add3A_2286 = arith.addf %add3A_2156, %select_n3A_2285 : vector<16xf32>
      %eq3A_2287 = arith.constant 6 : i32
      %eq3A_2288 = vector.broadcast %eq3A_2287 : i32 to vector<16xi32>
      %eq3A_2289 = arith.cmpi eq, %gather3A_2232, %eq3A_2288 : vector<16xi32>
      %jit3A_2290 = arith.constant 1.000000e+00 : f32
      %jit3A_2291 = arith.constant 0.000000e+00 : f32
      %broadcast_in_dim3A_2292 = vector.broadcast %jit3A_2290 : f32 to vector<16xf32>
      %broadcast_in_dim3A_2293 = vector.broadcast %jit3A_2291 : f32 to vector<16xf32>
      %select_n3A_2294 = arith.select %eq3A_2289, %broadcast_in_dim3A_2292, %broadcast_in_dim3A_2293 : vector<16xi1>, vector<16xf32>
      %add3A_2295 = arith.addf %add3A_2165, %select_n3A_2294 : vector<16xf32>
      %eq3A_2296 = arith.constant 7 : i32
      %eq3A_2297 = vector.broadcast %eq3A_2296 : i32 to vector<16xi32>
      %eq3A_2298 = arith.cmpi eq, %gather3A_2232, %eq3A_2297 : vector<16xi32>
      %jit3A_2299 = arith.constant 1.000000e+00 : f32
      %jit3A_2300 = arith.constant 0.000000e+00 : f32
      %broadcast_in_dim3A_2301 = vector.broadcast %jit3A_2299 : f32 to vector<16xf32>
      %broadcast_in_dim3A_2302 = vector.broadcast %jit3A_2300 : f32 to vector<16xf32>
      %select_n3A_2303 = arith.select %eq3A_2298, %broadcast_in_dim3A_2301, %broadcast_in_dim3A_2302 : vector<16xi1>, vector<16xf32>
      %add3A_2304 = arith.addf %add3A_2174, %select_n3A_2303 : vector<16xf32>
      %eq3A_2305 = arith.constant 8 : i32
      %eq3A_2306 = vector.broadcast %eq3A_2305 : i32 to vector<16xi32>
      %eq3A_2307 = arith.cmpi eq, %gather3A_2232, %eq3A_2306 : vector<16xi32>
      %jit3A_2308 = arith.constant 1.000000e+00 : f32
      %jit3A_2309 = arith.constant 0.000000e+00 : f32
      %broadcast_in_dim3A_2310 = vector.broadcast %jit3A_2308 : f32 to vector<16xf32>
      %broadcast_in_dim3A_2311 = vector.broadcast %jit3A_2309 : f32 to vector<16xf32>
      %select_n3A_2312 = arith.select %eq3A_2307, %broadcast_in_dim3A_2310, %broadcast_in_dim3A_2311 : vector<16xi1>, vector<16xf32>
      %add3A_2313 = arith.addf %add3A_2183, %select_n3A_2312 : vector<16xf32>
      %eq3A_2314 = arith.constant 9 : i32
      %eq3A_2315 = vector.broadcast %eq3A_2314 : i32 to vector<16xi32>
      %eq3A_2316 = arith.cmpi eq, %gather3A_2232, %eq3A_2315 : vector<16xi32>
      %jit3A_2317 = arith.constant 1.000000e+00 : f32
      %jit3A_2318 = arith.constant 0.000000e+00 : f32
      %broadcast_in_dim3A_2319 = vector.broadcast %jit3A_2317 : f32 to vector<16xf32>
      %broadcast_in_dim3A_2320 = vector.broadcast %jit3A_2318 : f32 to vector<16xf32>
      %select_n3A_2321 = arith.select %eq3A_2316, %broadcast_in_dim3A_2319, %broadcast_in_dim3A_2320 : vector<16xi1>, vector<16xf32>
      %add3A_2322 = arith.addf %add3A_2192, %select_n3A_2321 : vector<16xf32>
      %eq3A_2323 = arith.constant 10 : i32
      %eq3A_2324 = vector.broadcast %eq3A_2323 : i32 to vector<16xi32>
      %eq3A_2325 = arith.cmpi eq, %gather3A_2232, %eq3A_2324 : vector<16xi32>
      %jit3A_2326 = arith.constant 1.000000e+00 : f32
      %jit3A_2327 = arith.constant 0.000000e+00 : f32
      %broadcast_in_dim3A_2328 = vector.broadcast %jit3A_2326 : f32 to vector<16xf32>
      %broadcast_in_dim3A_2329 = vector.broadcast %jit3A_2327 : f32 to vector<16xf32>
      %select_n3A_2330 = arith.select %eq3A_2325, %broadcast_in_dim3A_2328, %broadcast_in_dim3A_2329 : vector<16xi1>, vector<16xf32>
      %add3A_2331 = arith.addf %add3A_2201, %select_n3A_2330 : vector<16xf32>
      %eq3A_2332 = arith.constant 11 : i32
      %eq3A_2333 = vector.broadcast %eq3A_2332 : i32 to vector<16xi32>
      %eq3A_2334 = arith.cmpi eq, %gather3A_2232, %eq3A_2333 : vector<16xi32>
      %jit3A_2335 = arith.constant 1.000000e+00 : f32
      %jit3A_2336 = arith.constant 0.000000e+00 : f32
      %broadcast_in_dim3A_2337 = vector.broadcast %jit3A_2335 : f32 to vector<16xf32>
      %broadcast_in_dim3A_2338 = vector.broadcast %jit3A_2336 : f32 to vector<16xf32>
      %select_n3A_2339 = arith.select %eq3A_2334, %broadcast_in_dim3A_2337, %broadcast_in_dim3A_2338 : vector<16xi1>, vector<16xf32>
      %add3A_2340 = arith.addf %add3A_2210, %select_n3A_2339 : vector<16xf32>
      %eq3A_2341 = arith.constant 12 : i32
      %eq3A_2342 = vector.broadcast %eq3A_2341 : i32 to vector<16xi32>
      %eq3A_2343 = arith.cmpi eq, %gather3A_2232, %eq3A_2342 : vector<16xi32>
      %jit3A_2344 = arith.constant 1.000000e+00 : f32
      %jit3A_2345 = arith.constant 0.000000e+00 : f32
      %broadcast_in_dim3A_2346 = vector.broadcast %jit3A_2344 : f32 to vector<16xf32>
      %broadcast_in_dim3A_2347 = vector.broadcast %jit3A_2345 : f32 to vector<16xf32>
      %select_n3A_2348 = arith.select %eq3A_2343, %broadcast_in_dim3A_2346, %broadcast_in_dim3A_2347 : vector<16xi1>, vector<16xf32>
      %add3A_2349 = arith.addf %add3A_2219, %select_n3A_2348 : vector<16xf32>
      %eq3A_2350 = arith.constant 13 : i32
      %eq3A_2351 = vector.broadcast %eq3A_2350 : i32 to vector<16xi32>
      %eq3A_2352 = arith.cmpi eq, %gather3A_2232, %eq3A_2351 : vector<16xi32>
      %jit3A_2353 = arith.constant 1.000000e+00 : f32
      %jit3A_2354 = arith.constant 0.000000e+00 : f32
      %broadcast_in_dim3A_2355 = vector.broadcast %jit3A_2353 : f32 to vector<16xf32>
      %broadcast_in_dim3A_2356 = vector.broadcast %jit3A_2354 : f32 to vector<16xf32>
      %select_n3A_2357 = arith.select %eq3A_2352, %broadcast_in_dim3A_2355, %broadcast_in_dim3A_2356 : vector<16xi1>, vector<16xf32>
      %add3A_2358 = arith.addf %add3A_2228, %select_n3A_2357 : vector<16xf32>
      %add3A_2359 = arith.constant 18 : i32
      %add3A_2360 = vector.broadcast %add3A_2359 : i32 to vector<16xi32>
      %add3A_2361 = arith.addi %mul3A_22, %add3A_2360 : vector<16xi32>
      %gather3A_2362 = tpu.vector_load_idx %arg4[%add3A_2361] : memref<10240xi32, #tpu.memory_space<vmem>>[vector<16xi32>], vector<16xi32>,
      %eq3A_2363 = arith.constant 0 : i32
      %eq3A_2364 = vector.broadcast %eq3A_2363 : i32 to vector<16xi32>
      %eq3A_2365 = arith.cmpi eq, %gather3A_2362, %eq3A_2364 : vector<16xi32>
      %jit3A_2366 = arith.constant 1.000000e+00 : f32
      %jit3A_2367 = arith.constant 0.000000e+00 : f32
      %broadcast_in_dim3A_2368 = vector.broadcast %jit3A_2366 : f32 to vector<16xf32>
      %broadcast_in_dim3A_2369 = vector.broadcast %jit3A_2367 : f32 to vector<16xf32>
      %select_n3A_2370 = arith.select %eq3A_2365, %broadcast_in_dim3A_2368, %broadcast_in_dim3A_2369 : vector<16xi1>, vector<16xf32>
      %add3A_2371 = arith.addf %add3A_2241, %select_n3A_2370 : vector<16xf32>
      %eq3A_2372 = arith.constant 1 : i32
      %eq3A_2373 = vector.broadcast %eq3A_2372 : i32 to vector<16xi32>
      %eq3A_2374 = arith.cmpi eq, %gather3A_2362, %eq3A_2373 : vector<16xi32>
      %jit3A_2375 = arith.constant 1.000000e+00 : f32
      %jit3A_2376 = arith.constant 0.000000e+00 : f32
      %broadcast_in_dim3A_2377 = vector.broadcast %jit3A_2375 : f32 to vector<16xf32>
      %broadcast_in_dim3A_2378 = vector.broadcast %jit3A_2376 : f32 to vector<16xf32>
      %select_n3A_2379 = arith.select %eq3A_2374, %broadcast_in_dim3A_2377, %broadcast_in_dim3A_2378 : vector<16xi1>, vector<16xf32>
      %add3A_2380 = arith.addf %add3A_2250, %select_n3A_2379 : vector<16xf32>
      %eq3A_2381 = arith.constant 2 : i32
      %eq3A_2382 = vector.broadcast %eq3A_2381 : i32 to vector<16xi32>
      %eq3A_2383 = arith.cmpi eq, %gather3A_2362, %eq3A_2382 : vector<16xi32>
      %jit3A_2384 = arith.constant 1.000000e+00 : f32
      %jit3A_2385 = arith.constant 0.000000e+00 : f32
      %broadcast_in_dim3A_2386 = vector.broadcast %jit3A_2384 : f32 to vector<16xf32>
      %broadcast_in_dim3A_2387 = vector.broadcast %jit3A_2385 : f32 to vector<16xf32>
      %select_n3A_2388 = arith.select %eq3A_2383, %broadcast_in_dim3A_2386, %broadcast_in_dim3A_2387 : vector<16xi1>, vector<16xf32>
      %add3A_2389 = arith.addf %add3A_2259, %select_n3A_2388 : vector<16xf32>
      %eq3A_2390 = arith.constant 3 : i32
      %eq3A_2391 = vector.broadcast %eq3A_2390 : i32 to vector<16xi32>
      %eq3A_2392 = arith.cmpi eq, %gather3A_2362, %eq3A_2391 : vector<16xi32>
      %jit3A_2393 = arith.constant 1.000000e+00 : f32
      %jit3A_2394 = arith.constant 0.000000e+00 : f32
      %broadcast_in_dim3A_2395 = vector.broadcast %jit3A_2393 : f32 to vector<16xf32>
      %broadcast_in_dim3A_2396 = vector.broadcast %jit3A_2394 : f32 to vector<16xf32>
      %select_n3A_2397 = arith.select %eq3A_2392, %broadcast_in_dim3A_2395, %broadcast_in_dim3A_2396 : vector<16xi1>, vector<16xf32>
      %add3A_2398 = arith.addf %add3A_2268, %select_n3A_2397 : vector<16xf32>
      %eq3A_2399 = arith.constant 4 : i32
      %eq3A_2400 = vector.broadcast %eq3A_2399 : i32 to vector<16xi32>
      %eq3A_2401 = arith.cmpi eq, %gather3A_2362, %eq3A_2400 : vector<16xi32>
      %jit3A_2402 = arith.constant 1.000000e+00 : f32
      %jit3A_2403 = arith.constant 0.000000e+00 : f32
      %broadcast_in_dim3A_2404 = vector.broadcast %jit3A_2402 : f32 to vector<16xf32>
      %broadcast_in_dim3A_2405 = vector.broadcast %jit3A_2403 : f32 to vector<16xf32>
      %select_n3A_2406 = arith.select %eq3A_2401, %broadcast_in_dim3A_2404, %broadcast_in_dim3A_2405 : vector<16xi1>, vector<16xf32>
      %add3A_2407 = arith.addf %add3A_2277, %select_n3A_2406 : vector<16xf32>
      %eq3A_2408 = arith.constant 5 : i32
      %eq3A_2409 = vector.broadcast %eq3A_2408 : i32 to vector<16xi32>
      %eq3A_2410 = arith.cmpi eq, %gather3A_2362, %eq3A_2409 : vector<16xi32>
      %jit3A_2411 = arith.constant 1.000000e+00 : f32
      %jit3A_2412 = arith.constant 0.000000e+00 : f32
      %broadcast_in_dim3A_2413 = vector.broadcast %jit3A_2411 : f32 to vector<16xf32>
      %broadcast_in_dim3A_2414 = vector.broadcast %jit3A_2412 : f32 to vector<16xf32>
      %select_n3A_2415 = arith.select %eq3A_2410, %broadcast_in_dim3A_2413, %broadcast_in_dim3A_2414 : vector<16xi1>, vector<16xf32>
      %add3A_2416 = arith.addf %add3A_2286, %select_n3A_2415 : vector<16xf32>
      %eq3A_2417 = arith.constant 6 : i32
      %eq3A_2418 = vector.broadcast %eq3A_2417 : i32 to vector<16xi32>
      %eq3A_2419 = arith.cmpi eq, %gather3A_2362, %eq3A_2418 : vector<16xi32>
      %jit3A_2420 = arith.constant 1.000000e+00 : f32
      %jit3A_2421 = arith.constant 0.000000e+00 : f32
      %broadcast_in_dim3A_2422 = vector.broadcast %jit3A_2420 : f32 to vector<16xf32>
      %broadcast_in_dim3A_2423 = vector.broadcast %jit3A_2421 : f32 to vector<16xf32>
      %select_n3A_2424 = arith.select %eq3A_2419, %broadcast_in_dim3A_2422, %broadcast_in_dim3A_2423 : vector<16xi1>, vector<16xf32>
      %add3A_2425 = arith.addf %add3A_2295, %select_n3A_2424 : vector<16xf32>
      %eq3A_2426 = arith.constant 7 : i32
      %eq3A_2427 = vector.broadcast %eq3A_2426 : i32 to vector<16xi32>
      %eq3A_2428 = arith.cmpi eq, %gather3A_2362, %eq3A_2427 : vector<16xi32>
      %jit3A_2429 = arith.constant 1.000000e+00 : f32
      %jit3A_2430 = arith.constant 0.000000e+00 : f32
      %broadcast_in_dim3A_2431 = vector.broadcast %jit3A_2429 : f32 to vector<16xf32>
      %broadcast_in_dim3A_2432 = vector.broadcast %jit3A_2430 : f32 to vector<16xf32>
      %select_n3A_2433 = arith.select %eq3A_2428, %broadcast_in_dim3A_2431, %broadcast_in_dim3A_2432 : vector<16xi1>, vector<16xf32>
      %add3A_2434 = arith.addf %add3A_2304, %select_n3A_2433 : vector<16xf32>
      %eq3A_2435 = arith.constant 8 : i32
      %eq3A_2436 = vector.broadcast %eq3A_2435 : i32 to vector<16xi32>
      %eq3A_2437 = arith.cmpi eq, %gather3A_2362, %eq3A_2436 : vector<16xi32>
      %jit3A_2438 = arith.constant 1.000000e+00 : f32
      %jit3A_2439 = arith.constant 0.000000e+00 : f32
      %broadcast_in_dim3A_2440 = vector.broadcast %jit3A_2438 : f32 to vector<16xf32>
      %broadcast_in_dim3A_2441 = vector.broadcast %jit3A_2439 : f32 to vector<16xf32>
      %select_n3A_2442 = arith.select %eq3A_2437, %broadcast_in_dim3A_2440, %broadcast_in_dim3A_2441 : vector<16xi1>, vector<16xf32>
      %add3A_2443 = arith.addf %add3A_2313, %select_n3A_2442 : vector<16xf32>
      %eq3A_2444 = arith.constant 9 : i32
      %eq3A_2445 = vector.broadcast %eq3A_2444 : i32 to vector<16xi32>
      %eq3A_2446 = arith.cmpi eq, %gather3A_2362, %eq3A_2445 : vector<16xi32>
      %jit3A_2447 = arith.constant 1.000000e+00 : f32
      %jit3A_2448 = arith.constant 0.000000e+00 : f32
      %broadcast_in_dim3A_2449 = vector.broadcast %jit3A_2447 : f32 to vector<16xf32>
      %broadcast_in_dim3A_2450 = vector.broadcast %jit3A_2448 : f32 to vector<16xf32>
      %select_n3A_2451 = arith.select %eq3A_2446, %broadcast_in_dim3A_2449, %broadcast_in_dim3A_2450 : vector<16xi1>, vector<16xf32>
      %add3A_2452 = arith.addf %add3A_2322, %select_n3A_2451 : vector<16xf32>
      %eq3A_2453 = arith.constant 10 : i32
      %eq3A_2454 = vector.broadcast %eq3A_2453 : i32 to vector<16xi32>
      %eq3A_2455 = arith.cmpi eq, %gather3A_2362, %eq3A_2454 : vector<16xi32>
      %jit3A_2456 = arith.constant 1.000000e+00 : f32
      %jit3A_2457 = arith.constant 0.000000e+00 : f32
      %broadcast_in_dim3A_2458 = vector.broadcast %jit3A_2456 : f32 to vector<16xf32>
      %broadcast_in_dim3A_2459 = vector.broadcast %jit3A_2457 : f32 to vector<16xf32>
      %select_n3A_2460 = arith.select %eq3A_2455, %broadcast_in_dim3A_2458, %broadcast_in_dim3A_2459 : vector<16xi1>, vector<16xf32>
      %add3A_2461 = arith.addf %add3A_2331, %select_n3A_2460 : vector<16xf32>
      %eq3A_2462 = arith.constant 11 : i32
      %eq3A_2463 = vector.broadcast %eq3A_2462 : i32 to vector<16xi32>
      %eq3A_2464 = arith.cmpi eq, %gather3A_2362, %eq3A_2463 : vector<16xi32>
      %jit3A_2465 = arith.constant 1.000000e+00 : f32
      %jit3A_2466 = arith.constant 0.000000e+00 : f32
      %broadcast_in_dim3A_2467 = vector.broadcast %jit3A_2465 : f32 to vector<16xf32>
      %broadcast_in_dim3A_2468 = vector.broadcast %jit3A_2466 : f32 to vector<16xf32>
      %select_n3A_2469 = arith.select %eq3A_2464, %broadcast_in_dim3A_2467, %broadcast_in_dim3A_2468 : vector<16xi1>, vector<16xf32>
      %add3A_2470 = arith.addf %add3A_2340, %select_n3A_2469 : vector<16xf32>
      %eq3A_2471 = arith.constant 12 : i32
      %eq3A_2472 = vector.broadcast %eq3A_2471 : i32 to vector<16xi32>
      %eq3A_2473 = arith.cmpi eq, %gather3A_2362, %eq3A_2472 : vector<16xi32>
      %jit3A_2474 = arith.constant 1.000000e+00 : f32
      %jit3A_2475 = arith.constant 0.000000e+00 : f32
      %broadcast_in_dim3A_2476 = vector.broadcast %jit3A_2474 : f32 to vector<16xf32>
      %broadcast_in_dim3A_2477 = vector.broadcast %jit3A_2475 : f32 to vector<16xf32>
      %select_n3A_2478 = arith.select %eq3A_2473, %broadcast_in_dim3A_2476, %broadcast_in_dim3A_2477 : vector<16xi1>, vector<16xf32>
      %add3A_2479 = arith.addf %add3A_2349, %select_n3A_2478 : vector<16xf32>
      %eq3A_2480 = arith.constant 13 : i32
      %eq3A_2481 = vector.broadcast %eq3A_2480 : i32 to vector<16xi32>
      %eq3A_2482 = arith.cmpi eq, %gather3A_2362, %eq3A_2481 : vector<16xi32>
      %jit3A_2483 = arith.constant 1.000000e+00 : f32
      %jit3A_2484 = arith.constant 0.000000e+00 : f32
      %broadcast_in_dim3A_2485 = vector.broadcast %jit3A_2483 : f32 to vector<16xf32>
      %broadcast_in_dim3A_2486 = vector.broadcast %jit3A_2484 : f32 to vector<16xf32>
      %select_n3A_2487 = arith.select %eq3A_2482, %broadcast_in_dim3A_2485, %broadcast_in_dim3A_2486 : vector<16xi1>, vector<16xf32>
      %add3A_2488 = arith.addf %add3A_2358, %select_n3A_2487 : vector<16xf32>
      %add3A_2489 = arith.constant 19 : i32
      %add3A_2490 = vector.broadcast %add3A_2489 : i32 to vector<16xi32>
      %add3A_2491 = arith.addi %mul3A_22, %add3A_2490 : vector<16xi32>
      %gather3A_2492 = tpu.vector_load_idx %arg4[%add3A_2491] : memref<10240xi32, #tpu.memory_space<vmem>>[vector<16xi32>], vector<16xi32>,
      %eq3A_2493 = arith.constant 0 : i32
      %eq3A_2494 = vector.broadcast %eq3A_2493 : i32 to vector<16xi32>
      %eq3A_2495 = arith.cmpi eq, %gather3A_2492, %eq3A_2494 : vector<16xi32>
      %jit3A_2496 = arith.constant 1.000000e+00 : f32
      %jit3A_2497 = arith.constant 0.000000e+00 : f32
      %broadcast_in_dim3A_2498 = vector.broadcast %jit3A_2496 : f32 to vector<16xf32>
      %broadcast_in_dim3A_2499 = vector.broadcast %jit3A_2497 : f32 to vector<16xf32>
      %select_n3A_2500 = arith.select %eq3A_2495, %broadcast_in_dim3A_2498, %broadcast_in_dim3A_2499 : vector<16xi1>, vector<16xf32>
      %add3A_2501 = arith.addf %add3A_2371, %select_n3A_2500 : vector<16xf32>
      %eq3A_2502 = arith.constant 1 : i32
      %eq3A_2503 = vector.broadcast %eq3A_2502 : i32 to vector<16xi32>
      %eq3A_2504 = arith.cmpi eq, %gather3A_2492, %eq3A_2503 : vector<16xi32>
      %jit3A_2505 = arith.constant 1.000000e+00 : f32
      %jit3A_2506 = arith.constant 0.000000e+00 : f32
      %broadcast_in_dim3A_2507 = vector.broadcast %jit3A_2505 : f32 to vector<16xf32>
      %broadcast_in_dim3A_2508 = vector.broadcast %jit3A_2506 : f32 to vector<16xf32>
      %select_n3A_2509 = arith.select %eq3A_2504, %broadcast_in_dim3A_2507, %broadcast_in_dim3A_2508 : vector<16xi1>, vector<16xf32>
      %add3A_2510 = arith.addf %add3A_2380, %select_n3A_2509 : vector<16xf32>
      %eq3A_2511 = arith.constant 2 : i32
      %eq3A_2512 = vector.broadcast %eq3A_2511 : i32 to vector<16xi32>
      %eq3A_2513 = arith.cmpi eq, %gather3A_2492, %eq3A_2512 : vector<16xi32>
      %jit3A_2514 = arith.constant 1.000000e+00 : f32
      %jit3A_2515 = arith.constant 0.000000e+00 : f32
      %broadcast_in_dim3A_2516 = vector.broadcast %jit3A_2514 : f32 to vector<16xf32>
      %broadcast_in_dim3A_2517 = vector.broadcast %jit3A_2515 : f32 to vector<16xf32>
      %select_n3A_2518 = arith.select %eq3A_2513, %broadcast_in_dim3A_2516, %broadcast_in_dim3A_2517 : vector<16xi1>, vector<16xf32>
      %add3A_2519 = arith.addf %add3A_2389, %select_n3A_2518 : vector<16xf32>
      %eq3A_2520 = arith.constant 3 : i32
      %eq3A_2521 = vector.broadcast %eq3A_2520 : i32 to vector<16xi32>
      %eq3A_2522 = arith.cmpi eq, %gather3A_2492, %eq3A_2521 : vector<16xi32>
      %jit3A_2523 = arith.constant 1.000000e+00 : f32
      %jit3A_2524 = arith.constant 0.000000e+00 : f32
      %broadcast_in_dim3A_2525 = vector.broadcast %jit3A_2523 : f32 to vector<16xf32>
      %broadcast_in_dim3A_2526 = vector.broadcast %jit3A_2524 : f32 to vector<16xf32>
      %select_n3A_2527 = arith.select %eq3A_2522, %broadcast_in_dim3A_2525, %broadcast_in_dim3A_2526 : vector<16xi1>, vector<16xf32>
      %add3A_2528 = arith.addf %add3A_2398, %select_n3A_2527 : vector<16xf32>
      %eq3A_2529 = arith.constant 4 : i32
      %eq3A_2530 = vector.broadcast %eq3A_2529 : i32 to vector<16xi32>
      %eq3A_2531 = arith.cmpi eq, %gather3A_2492, %eq3A_2530 : vector<16xi32>
      %jit3A_2532 = arith.constant 1.000000e+00 : f32
      %jit3A_2533 = arith.constant 0.000000e+00 : f32
      %broadcast_in_dim3A_2534 = vector.broadcast %jit3A_2532 : f32 to vector<16xf32>
      %broadcast_in_dim3A_2535 = vector.broadcast %jit3A_2533 : f32 to vector<16xf32>
      %select_n3A_2536 = arith.select %eq3A_2531, %broadcast_in_dim3A_2534, %broadcast_in_dim3A_2535 : vector<16xi1>, vector<16xf32>
      %add3A_2537 = arith.addf %add3A_2407, %select_n3A_2536 : vector<16xf32>
      %eq3A_2538 = arith.constant 5 : i32
      %eq3A_2539 = vector.broadcast %eq3A_2538 : i32 to vector<16xi32>
      %eq3A_2540 = arith.cmpi eq, %gather3A_2492, %eq3A_2539 : vector<16xi32>
      %jit3A_2541 = arith.constant 1.000000e+00 : f32
      %jit3A_2542 = arith.constant 0.000000e+00 : f32
      %broadcast_in_dim3A_2543 = vector.broadcast %jit3A_2541 : f32 to vector<16xf32>
      %broadcast_in_dim3A_2544 = vector.broadcast %jit3A_2542 : f32 to vector<16xf32>
      %select_n3A_2545 = arith.select %eq3A_2540, %broadcast_in_dim3A_2543, %broadcast_in_dim3A_2544 : vector<16xi1>, vector<16xf32>
      %add3A_2546 = arith.addf %add3A_2416, %select_n3A_2545 : vector<16xf32>
      %eq3A_2547 = arith.constant 6 : i32
      %eq3A_2548 = vector.broadcast %eq3A_2547 : i32 to vector<16xi32>
      %eq3A_2549 = arith.cmpi eq, %gather3A_2492, %eq3A_2548 : vector<16xi32>
      %jit3A_2550 = arith.constant 1.000000e+00 : f32
      %jit3A_2551 = arith.constant 0.000000e+00 : f32
      %broadcast_in_dim3A_2552 = vector.broadcast %jit3A_2550 : f32 to vector<16xf32>
      %broadcast_in_dim3A_2553 = vector.broadcast %jit3A_2551 : f32 to vector<16xf32>
      %select_n3A_2554 = arith.select %eq3A_2549, %broadcast_in_dim3A_2552, %broadcast_in_dim3A_2553 : vector<16xi1>, vector<16xf32>
      %add3A_2555 = arith.addf %add3A_2425, %select_n3A_2554 : vector<16xf32>
      %eq3A_2556 = arith.constant 7 : i32
      %eq3A_2557 = vector.broadcast %eq3A_2556 : i32 to vector<16xi32>
      %eq3A_2558 = arith.cmpi eq, %gather3A_2492, %eq3A_2557 : vector<16xi32>
      %jit3A_2559 = arith.constant 1.000000e+00 : f32
      %jit3A_2560 = arith.constant 0.000000e+00 : f32
      %broadcast_in_dim3A_2561 = vector.broadcast %jit3A_2559 : f32 to vector<16xf32>
      %broadcast_in_dim3A_2562 = vector.broadcast %jit3A_2560 : f32 to vector<16xf32>
      %select_n3A_2563 = arith.select %eq3A_2558, %broadcast_in_dim3A_2561, %broadcast_in_dim3A_2562 : vector<16xi1>, vector<16xf32>
      %add3A_2564 = arith.addf %add3A_2434, %select_n3A_2563 : vector<16xf32>
      %eq3A_2565 = arith.constant 8 : i32
      %eq3A_2566 = vector.broadcast %eq3A_2565 : i32 to vector<16xi32>
      %eq3A_2567 = arith.cmpi eq, %gather3A_2492, %eq3A_2566 : vector<16xi32>
      %jit3A_2568 = arith.constant 1.000000e+00 : f32
      %jit3A_2569 = arith.constant 0.000000e+00 : f32
      %broadcast_in_dim3A_2570 = vector.broadcast %jit3A_2568 : f32 to vector<16xf32>
      %broadcast_in_dim3A_2571 = vector.broadcast %jit3A_2569 : f32 to vector<16xf32>
      %select_n3A_2572 = arith.select %eq3A_2567, %broadcast_in_dim3A_2570, %broadcast_in_dim3A_2571 : vector<16xi1>, vector<16xf32>
      %add3A_2573 = arith.addf %add3A_2443, %select_n3A_2572 : vector<16xf32>
      %eq3A_2574 = arith.constant 9 : i32
      %eq3A_2575 = vector.broadcast %eq3A_2574 : i32 to vector<16xi32>
      %eq3A_2576 = arith.cmpi eq, %gather3A_2492, %eq3A_2575 : vector<16xi32>
      %jit3A_2577 = arith.constant 1.000000e+00 : f32
      %jit3A_2578 = arith.constant 0.000000e+00 : f32
      %broadcast_in_dim3A_2579 = vector.broadcast %jit3A_2577 : f32 to vector<16xf32>
      %broadcast_in_dim3A_2580 = vector.broadcast %jit3A_2578 : f32 to vector<16xf32>
      %select_n3A_2581 = arith.select %eq3A_2576, %broadcast_in_dim3A_2579, %broadcast_in_dim3A_2580 : vector<16xi1>, vector<16xf32>
      %add3A_2582 = arith.addf %add3A_2452, %select_n3A_2581 : vector<16xf32>
      %eq3A_2583 = arith.constant 10 : i32
      %eq3A_2584 = vector.broadcast %eq3A_2583 : i32 to vector<16xi32>
      %eq3A_2585 = arith.cmpi eq, %gather3A_2492, %eq3A_2584 : vector<16xi32>
      %jit3A_2586 = arith.constant 1.000000e+00 : f32
      %jit3A_2587 = arith.constant 0.000000e+00 : f32
      %broadcast_in_dim3A_2588 = vector.broadcast %jit3A_2586 : f32 to vector<16xf32>
      %broadcast_in_dim3A_2589 = vector.broadcast %jit3A_2587 : f32 to vector<16xf32>
      %select_n3A_2590 = arith.select %eq3A_2585, %broadcast_in_dim3A_2588, %broadcast_in_dim3A_2589 : vector<16xi1>, vector<16xf32>
      %add3A_2591 = arith.addf %add3A_2461, %select_n3A_2590 : vector<16xf32>
      %eq3A_2592 = arith.constant 11 : i32
      %eq3A_2593 = vector.broadcast %eq3A_2592 : i32 to vector<16xi32>
      %eq3A_2594 = arith.cmpi eq, %gather3A_2492, %eq3A_2593 : vector<16xi32>
      %jit3A_2595 = arith.constant 1.000000e+00 : f32
      %jit3A_2596 = arith.constant 0.000000e+00 : f32
      %broadcast_in_dim3A_2597 = vector.broadcast %jit3A_2595 : f32 to vector<16xf32>
      %broadcast_in_dim3A_2598 = vector.broadcast %jit3A_2596 : f32 to vector<16xf32>
      %select_n3A_2599 = arith.select %eq3A_2594, %broadcast_in_dim3A_2597, %broadcast_in_dim3A_2598 : vector<16xi1>, vector<16xf32>
      %add3A_2600 = arith.addf %add3A_2470, %select_n3A_2599 : vector<16xf32>
      %eq3A_2601 = arith.constant 12 : i32
      %eq3A_2602 = vector.broadcast %eq3A_2601 : i32 to vector<16xi32>
      %eq3A_2603 = arith.cmpi eq, %gather3A_2492, %eq3A_2602 : vector<16xi32>
      %jit3A_2604 = arith.constant 1.000000e+00 : f32
      %jit3A_2605 = arith.constant 0.000000e+00 : f32
      %broadcast_in_dim3A_2606 = vector.broadcast %jit3A_2604 : f32 to vector<16xf32>
      %broadcast_in_dim3A_2607 = vector.broadcast %jit3A_2605 : f32 to vector<16xf32>
      %select_n3A_2608 = arith.select %eq3A_2603, %broadcast_in_dim3A_2606, %broadcast_in_dim3A_2607 : vector<16xi1>, vector<16xf32>
      %add3A_2609 = arith.addf %add3A_2479, %select_n3A_2608 : vector<16xf32>
      %eq3A_2610 = arith.constant 13 : i32
      %eq3A_2611 = vector.broadcast %eq3A_2610 : i32 to vector<16xi32>
      %eq3A_2612 = arith.cmpi eq, %gather3A_2492, %eq3A_2611 : vector<16xi32>
      %jit3A_2613 = arith.constant 1.000000e+00 : f32
      %jit3A_2614 = arith.constant 0.000000e+00 : f32
      %broadcast_in_dim3A_2615 = vector.broadcast %jit3A_2613 : f32 to vector<16xf32>
      %broadcast_in_dim3A_2616 = vector.broadcast %jit3A_2614 : f32 to vector<16xf32>
      %select_n3A_2617 = arith.select %eq3A_2612, %broadcast_in_dim3A_2615, %broadcast_in_dim3A_2616 : vector<16xi1>, vector<16xf32>
      %add3A_2618 = arith.addf %add3A_2488, %select_n3A_2617 : vector<16xf32>
      %mul3A_2619 = arith.constant 16 : i32
      %mul3A_2620 = vector.broadcast %mul3A_2619 : i32 to vector<16xi32>
      %mul3A_2621 = arith.muli %add3A_19, %mul3A_2620 : vector<16xi32>
      %add3A_2622 = arith.constant 0 : i32
      %add3A_2623 = vector.broadcast %add3A_2622 : i32 to vector<16xi32>
      %add3A_2624 = arith.addi %mul3A_2621, %add3A_2623 : vector<16xi32>
      tpu.vector_store_idx %arg5[%add3A_2624], %add3A_2501 : memref<8192xf32, #tpu.memory_space<vmem>>[vector<16xi32>], vector<16xf32>,
      %add3A_2625 = arith.constant 1 : i32
      %add3A_2626 = vector.broadcast %add3A_2625 : i32 to vector<16xi32>
      %add3A_2627 = arith.addi %mul3A_2621, %add3A_2626 : vector<16xi32>
      tpu.vector_store_idx %arg5[%add3A_2627], %add3A_2510 : memref<8192xf32, #tpu.memory_space<vmem>>[vector<16xi32>], vector<16xf32>,
      %add3A_2628 = arith.constant 2 : i32
      %add3A_2629 = vector.broadcast %add3A_2628 : i32 to vector<16xi32>
      %add3A_2630 = arith.addi %mul3A_2621, %add3A_2629 : vector<16xi32>
      tpu.vector_store_idx %arg5[%add3A_2630], %add3A_2519 : memref<8192xf32, #tpu.memory_space<vmem>>[vector<16xi32>], vector<16xf32>,
      %add3A_2631 = arith.constant 3 : i32
      %add3A_2632 = vector.broadcast %add3A_2631 : i32 to vector<16xi32>
      %add3A_2633 = arith.addi %mul3A_2621, %add3A_2632 : vector<16xi32>
      tpu.vector_store_idx %arg5[%add3A_2633], %add3A_2528 : memref<8192xf32, #tpu.memory_space<vmem>>[vector<16xi32>], vector<16xf32>,
      %add3A_2634 = arith.constant 4 : i32
      %add3A_2635 = vector.broadcast %add3A_2634 : i32 to vector<16xi32>
      %add3A_2636 = arith.addi %mul3A_2621, %add3A_2635 : vector<16xi32>
      tpu.vector_store_idx %arg5[%add3A_2636], %add3A_2537 : memref<8192xf32, #tpu.memory_space<vmem>>[vector<16xi32>], vector<16xf32>,
      %add3A_2637 = arith.constant 5 : i32
      %add3A_2638 = vector.broadcast %add3A_2637 : i32 to vector<16xi32>
      %add3A_2639 = arith.addi %mul3A_2621, %add3A_2638 : vector<16xi32>
      tpu.vector_store_idx %arg5[%add3A_2639], %add3A_2546 : memref<8192xf32, #tpu.memory_space<vmem>>[vector<16xi32>], vector<16xf32>,
      %add3A_2640 = arith.constant 6 : i32
      %add3A_2641 = vector.broadcast %add3A_2640 : i32 to vector<16xi32>
      %add3A_2642 = arith.addi %mul3A_2621, %add3A_2641 : vector<16xi32>
      tpu.vector_store_idx %arg5[%add3A_2642], %add3A_2555 : memref<8192xf32, #tpu.memory_space<vmem>>[vector<16xi32>], vector<16xf32>,
      %add3A_2643 = arith.constant 7 : i32
      %add3A_2644 = vector.broadcast %add3A_2643 : i32 to vector<16xi32>
      %add3A_2645 = arith.addi %mul3A_2621, %add3A_2644 : vector<16xi32>
      tpu.vector_store_idx %arg5[%add3A_2645], %add3A_2564 : memref<8192xf32, #tpu.memory_space<vmem>>[vector<16xi32>], vector<16xf32>,
      %add3A_2646 = arith.constant 8 : i32
      %add3A_2647 = vector.broadcast %add3A_2646 : i32 to vector<16xi32>
      %add3A_2648 = arith.addi %mul3A_2621, %add3A_2647 : vector<16xi32>
      tpu.vector_store_idx %arg5[%add3A_2648], %add3A_2573 : memref<8192xf32, #tpu.memory_space<vmem>>[vector<16xi32>], vector<16xf32>,
      %add3A_2649 = arith.constant 9 : i32
      %add3A_2650 = vector.broadcast %add3A_2649 : i32 to vector<16xi32>
      %add3A_2651 = arith.addi %mul3A_2621, %add3A_2650 : vector<16xi32>
      tpu.vector_store_idx %arg5[%add3A_2651], %add3A_2582 : memref<8192xf32, #tpu.memory_space<vmem>>[vector<16xi32>], vector<16xf32>,
      %add3A_2652 = arith.constant 10 : i32
      %add3A_2653 = vector.broadcast %add3A_2652 : i32 to vector<16xi32>
      %add3A_2654 = arith.addi %mul3A_2621, %add3A_2653 : vector<16xi32>
      tpu.vector_store_idx %arg5[%add3A_2654], %add3A_2591 : memref<8192xf32, #tpu.memory_space<vmem>>[vector<16xi32>], vector<16xf32>,
      %add3A_2655 = arith.constant 11 : i32
      %add3A_2656 = vector.broadcast %add3A_2655 : i32 to vector<16xi32>
      %add3A_2657 = arith.addi %mul3A_2621, %add3A_2656 : vector<16xi32>
      tpu.vector_store_idx %arg5[%add3A_2657], %add3A_2600 : memref<8192xf32, #tpu.memory_space<vmem>>[vector<16xi32>], vector<16xf32>,
      %add3A_2658 = arith.constant 12 : i32
      %add3A_2659 = vector.broadcast %add3A_2658 : i32 to vector<16xi32>
      %add3A_2660 = arith.addi %mul3A_2621, %add3A_2659 : vector<16xi32>
      tpu.vector_store_idx %arg5[%add3A_2660], %add3A_2609 : memref<8192xf32, #tpu.memory_space<vmem>>[vector<16xi32>], vector<16xf32>,
      %add3A_2661 = arith.constant 13 : i32
      %add3A_2662 = vector.broadcast %add3A_2661 : i32 to vector<16xi32>
      %add3A_2663 = arith.addi %mul3A_2621, %add3A_2662 : vector<16xi32>
      tpu.vector_store_idx %arg5[%add3A_2663], %add3A_2618 : memref<8192xf32, #tpu.memory_space<vmem>>[vector<16xi32>], vector<16xf32>,
      %add3A_2664 = arith.constant 14 : i32
      %add3A_2665 = vector.broadcast %add3A_2664 : i32 to vector<16xi32>
      %add3A_2666 = arith.addi %mul3A_2621, %add3A_2665 : vector<16xi32>
      tpu.vector_store_idx %arg5[%add3A_2666], %broadcast_in_dim3A_5 : memref<8192xf32, #tpu.memory_space<vmem>>[vector<16xi32>], vector<16xf32>,
      %add3A_2667 = arith.constant 14 : i32
      %add3A_2668 = vector.broadcast %add3A_2667 : i32 to vector<16xi32>
      %add3A_2669 = arith.addi %mul3A_2621, %add3A_2668 : vector<16xi32>
      %add3A_2670 = arith.constant 1 : i32
      %add3A_2671 = vector.broadcast %add3A_2670 : i32 to vector<16xi32>
      %add3A_2672 = arith.addi %add3A_2669, %add3A_2671 : vector<16xi32>
      tpu.vector_store_idx %arg5[%add3A_2672], %broadcast_in_dim3A_5 : memref<8192xf32, #tpu.memory_space<vmem>>[vector<16xi32>], vector<16xf32>,
      %scan3A_2673 = arith.constant 0 : i32
      scf.yield %scan3A_2673 : i32
    }
    %scan3A_11 = arith.constant 32 : i32
    %mul3A_12 = arith.constant 16 : i32
    %mul3A_13 = arith.muli %mul3A_2, %mul3A_12 : i32
    "tpu.region"() ({
      %run_scoped3A = tpu.sem_alloc : memref<!tpu.dma_semaphore, #tpu.memory_space<semaphore_mem>>
      %dma_start3A = tpu.memref_slice %arg3[%mul3A_13] : memref<262144xf32, #tpu.memory_space<hbm>> -> memref<8192xf32, #tpu.memory_space<hbm>>
      %dma_start3A_14 = tpu.memref_slice %arg3[%mul3A_13] : memref<262144xf32, #tpu.memory_space<hbm>> -> memref<8192xf32, #tpu.memory_space<hbm>>
      tpu.enqueue_dma source(%arg5 : memref<8192xf32, #tpu.memory_space<vmem>>) target(%dma_start3A_14 : memref<8192xf32, #tpu.memory_space<hbm>>) target_semaphore(%run_scoped3A : memref<!tpu.dma_semaphore, #tpu.memory_space<semaphore_mem>>)
      %dma_wait3A = tpu.memref_slice %arg3[%mul3A_13] : memref<262144xf32, #tpu.memory_space<hbm>> -> memref<8192xf32, #tpu.memory_space<hbm>>
      %dma_wait3A_15 = tpu.memref_slice %arg3[%mul3A_13] : memref<262144xf32, #tpu.memory_space<hbm>> -> memref<8192xf32, #tpu.memory_space<hbm>>
      tpu.wait_dma2 semaphore(%run_scoped3A : memref<!tpu.dma_semaphore, #tpu.memory_space<semaphore_mem>>) src(%arg5 : memref<8192xf32, #tpu.memory_space<vmem>>) dst(%dma_wait3A_15 : memref<8192xf32, #tpu.memory_space<hbm>>)
      tpu.yield
    }) : () -> ()
    return
  }
}

module attributes {stable_mosaic.version = 14 : i64} {
  func.func @_matmul_body(%arg0: i32, %arg1: memref<2048x16xf32, #tpu.memory_space<vmem>>, %arg2: memref<16x128xf32, #tpu.memory_space<vmem>>, %arg3: memref<2048x128xf32, #tpu.memory_space<vmem>>) attributes {dimension_semantics = [#tpu.dimension_semantics<arbitrary>], iteration_bounds = array<i64: 8>, scalar_prefetch = 0 : i64, scratch_operands = 0 : i64, tpu.core_type = #tpu.core_type<tc>, window_params = [{transform_indices = @transform_0, window_bounds = array<i64: 2048, 16>}, {pipeline_mode = #tpu.pipeline_mode<synchronous>, transform_indices = @transform_1, window_bounds = array<i64: 16, 128>}, {transform_indices = @transform_2, window_bounds = array<i64: 2048, 128>}]} {
    %get3A = arith.constant 0 : index
    %get3A_0 = arith.constant 0 : index
    %get3A_1 = vector.load %arg1[%get3A, %get3A_0] : memref<2048x16xf32, #tpu.memory_space<vmem>>, vector<2048x16xf32>
    %get3A_2 = arith.constant 0 : index
    %get3A_3 = arith.constant 0 : index
    %get3A_4 = vector.load %arg2[%get3A_2, %get3A_3] : memref<16x128xf32, #tpu.memory_space<vmem>>, vector<16x128xf32>
    %dot_general3A = arith.constant dense<0.000000e+00> : vector<2048x128xf32>
    %dot_general3A_5 = tpu.matmul %get3A_1, %get3A_4, %dot_general3A {dimension_numbers = #tpu.dot_dimension_numbers<[1], [0], [0], [1], [0, 0, 1, 1], [], []>, transpose_lhs_hint = false} : vector<2048x16xf32>, vector<16x128xf32>, vector<2048x128xf32> -> vector<2048x128xf32>
    %mul3A = arith.constant 5.000000e-02 : f32
    %mul3A_6 = vector.broadcast %mul3A : f32 to vector<2048x128xf32>
    %mul3A_7 = arith.mulf %dot_general3A_5, %mul3A_6 : vector<2048x128xf32>
    %swap3A = arith.constant 0 : index
    %swap3A_8 = arith.constant 0 : index
    %swap3A_9 = vector.load %arg3[%swap3A, %swap3A_8] : memref<2048x128xf32, #tpu.memory_space<vmem>>, vector<2048x128xf32>
    tpu.vector_store %arg3[%swap3A, %swap3A_8], %mul3A_7 {strides = array<i32>} : memref<2048x128xf32, #tpu.memory_space<vmem>>, vector<2048x128xf32>,
    return
  }
  func.func @transform_0(%arg0: i32) -> (i32, i32) {
    %c0_i32 = arith.constant 0 : i32
    %c0_i32_0 = arith.constant 0 : i32
    return %arg0, %c0_i32 : i32, i32
  }
  func.func @transform_1(%arg0: i32) -> (i32, i32) {
    %c0_i32 = arith.constant 0 : i32
    %c0_i32_0 = arith.constant 0 : i32
    %c0_i32_1 = arith.constant 0 : i32
    return %c0_i32, %c0_i32_0 : i32, i32
  }
  func.func @transform_2(%arg0: i32) -> (i32, i32) {
    %c0_i32 = arith.constant 0 : i32
    %c0_i32_0 = arith.constant 0 : i32
    return %arg0, %c0_i32 : i32, i32
  }
}

</mosaic_0001>

<sc_bundles>
// kernel: kernel.4.cloned.1.call-start
scs
__scs_entry_jumppad:
0x0: {  	(pc) =	sbr.rel $0x88, $3  }
0x1: {  	(tag) =	ssettag $0x0;
	lr =	simm.s32 $0x1  }
0x2: {  	[smem:$0x3F9F] =	sst lr;
	_ =	strace $0xD0000000  }
0x3: {  	_ = 	snop  }
0x4: {  	_ = 	snop  }
0x5: {  	_ = 	snop  }
0x6: {  	_ = 	snop  }
0x7: {  	_ = 	snop  }
__scs_overlays_trampoline_lowered:
0x8: {  	[smem:$0x3FAE] =	sst s0  }
0x9: {  	[smem:$0x3FAF] =	sst s1  }
0xa: {  	[smem:$0x3FB0] =	sst s2  }
0xb: {  	[smem:$0x3FB1] =	sst s3  }
0xc: {  	[smem:$0x3FB2] =	sst s4  }
0xd: {  	[smem:$0x3FB3] =	sst s5  }
0xe: {  	[smem:$0x3FB4] =	sst s6  }
0xf: {  	[smem:$0x3FB5] =	sst s7  }
0x10: {  	[smem:$0x3FB6] =	sst s8  }
0x11: {  	[smem:$0x3FB7] =	sst s9;
	s0 =	simm.s32 @!p0 $0x0  }
0x12: {  	s1 =	sld [smem:$0x3F9D];
	s0 =	simm.s32 @p0 $0x1  }
0x13: {  	[smem:$0x3FB8] =	sst s0;
	s0 =	simm.s32 @!p1 $0x0  }
0x14: {  	s2 =	sld [smem:$0x3F9C];
	s0 =	simm.s32 @p1 $0x1  }
0x15: {  	[smem:$0x3FB9] =	sst s0;
	s0 =	simm.s32 @!p2 $0x0  }
0x16: {  	s3 =	sld [smem:$0x3FDB];
	s0 =	simm.s32 @p2 $0x1  }
0x17: {  	s4 =	simm.s32 $0x1BF5;
	[smem:$0x3FBB] =	sst s0  }
0x18: {  	s0 =	sld [smem:$0x3F9E];
	_ =	swait.ge [sflag:s4], $0x0  }
0x19: {  	s7 =	sld [smem:$0x3F9F]  }
0x1a: {  	s8 =	sadd.s32 $0xFFFFE003, lr  }
0x1b: {  	s9 =	sadd.s32 $0xFFFFFEF7, lr;
	s5 =	simm.s32 $0xFFFFFFFF;
	p2 =	slt.u32 s8, $0xFFFFF086  }
0x1c: {  	p1 =	slt.u32 s9, $0xF7A;
	s5 =	simm.s32 @!p2 $0x0  }
0x1d: {  	s5 =	simm.s32 @p1 $0x1;
	p0 =	seq.s32 s7, s2  }
0x1e: {  	s7 =	smul.u32 @!p0 $0xF7A, s2;
	p2 =	seq.s32 @!p0 s5, $0x0  }
0x1f: {  	s9 =	smul.u32 $0xF7A, s1;
	s8 =	simm.s32 @!p0 $0x1BF5;
	p2 =	por !p2, p0  }
0x20: {  	[sflag:s8] =	ssyncset.s32 @!p0 $0xFFFFF086;
	s6 =	sadd.s32 @!p0 s3, s7;
	s7 =	simm.s32 @!p0 $0x108  }
0x21: {  	s3 =	sadd.s32 s3, s9;
	s6 =	sadd.s32 @!p0 $0x88, s6;
	s7 =	simm.s32 @p2 $0x1082  }
0x22: {  	[simem:s7], [sflag:s8] =	dma.local @!p0 [hbm:s6], $0xF7A  }
0x23: {  	s9 =	sor.u32 $0xD0000000, s2;
	s6 =	simm.s32 $0x108;
	_ =	swait.ge @!p0 [sflag:s8], $0x0  }
0x24: {  	s3 =	sadd.s32 $0x88, s3;
	s6 =	simm.s32 @!p1 $0x1082;
	[sflag:s4] =	ssyncset.s32 $0xFFFFF086  }
0x25: {  	[simem:s6], [sflag:s4] =	dma.local [hbm:s3], $0xF7A  }
0x26: {  	[smem:$0x3F9F] =	sst s1;
	(tag) =	ssettag s2;
	_ =	strace s9  }
0x27: {  	s1 =	sld [smem:$0x3FAF]  }
0x28: {  	s2 =	sld [smem:$0x3FB0]  }
0x29: {  	s4 =	sld [smem:$0x3FB2]  }
0x2a: {  	p0 =	seq.s32 s5, $0x0;
	s5 =	sld [smem:$0x3FB3]  }
0x2b: {  	s6 =	sld [smem:$0x3FB4]  }
0x2c: {  	s7 =	sld [smem:$0x3FB5]  }
0x2d: {  	s3 =	simm.s32 $0x108;
	s8 =	sld [smem:$0x3FB6]  }
0x2e: {  	s3 =	simm.s32 @!p0 $0x1082;
	s9 =	sld [smem:$0x3FB7]  }
0x2f: {  	lr =	sadd.s32 s0, s3;
	s0 =	sld [smem:$0x3FAE]  }
0x30: {  	s3 =	sld [smem:$0x3FB1]  }
0x31: {  	[smem:$0x3FBA] =	sst s10  }
0x32: {  	s10 =	sld [smem:$0x3FB8];
	_ =	sdelay $0x3  }
0x33: {  	p0 =	seq.s32 s10, $0x1;
	s10 =	sld [smem:$0x3FBA];
	_ =	sdelay $0x3  }
0x34: {  	[smem:$0x3FBA] =	sst s10  }
0x35: {  	s10 =	sld [smem:$0x3FB9];
	_ =	sdelay $0x3  }
0x36: {  	p1 =	seq.s32 s10, $0x1;
	s10 =	sld [smem:$0x3FBA];
	_ =	sdelay $0x3  }
0x37: {  	[smem:$0x3FBA] =	sst s10  }
0x38: {  	s10 =	sld [smem:$0x3FBB]  }
0x39: {  	_ = 	snop;
	(pc) =	sbr.ind lr, $3  }
0x3a: {  	_ = 	snop  }
0x3b: {  	_ = 	snop  }
0x3c: {  	p2 =	seq.s32 s10, $0x1;
	s10 =	sld [smem:$0x3FBA]  }
0x3d: {  	_ =	shalt  }
0x3e: {  	_ =	shalt  }
0x3f: {  	_ =	shalt  }
0x40: {  	_ =	shalt  }
0x41: {  	_ =	shalt  }
0x42: {  	_ =	shalt  }
0x43: {  	_ =	shalt  }
0x44: {  	_ =	shalt  }
0x45: {  	_ =	shalt  }
0x46: {  	_ =	shalt  }
0x47: {  	_ =	shalt  }
0x48: {  	_ =	shalt  }
0x49: {  	_ =	shalt  }
0x4a: {  	_ =	shalt  }
0x4b: {  	_ =	shalt  }
0x4c: {  	_ =	shalt  }
0x4d: {  	_ =	shalt  }
0x4e: {  	_ =	shalt  }
0x4f: {  	_ =	shalt  }
0x50: {  	_ =	shalt  }
0x51: {  	_ =	shalt  }
0x52: {  	_ =	shalt  }
0x53: {  	_ =	shalt  }
0x54: {  	_ =	shalt  }
0x55: {  	_ =	shalt  }
0x56: {  	_ =	shalt  }
0x57: {  	_ =	shalt  }
0x58: {  	_ =	shalt  }
0x59: {  	_ =	shalt  }
0x5a: {  	_ =	shalt  }
0x5b: {  	_ =	shalt  }
0x5c: {  	_ =	shalt  }
0x5d: {  	_ =	shalt  }
0x5e: {  	_ =	shalt  }
0x5f: {  	_ =	shalt  }
0x60: {  	_ =	shalt  }
0x61: {  	_ =	shalt  }
0x62: {  	_ =	shalt  }
0x63: {  	_ =	shalt  }
0x64: {  	_ =	shalt  }
0x65: {  	_ =	shalt  }
0x66: {  	_ =	shalt  }
0x67: {  	_ =	shalt  }
0x68: {  	_ =	shalt  }
0x69: {  	_ =	shalt  }
0x6a: {  	_ =	shalt  }
0x6b: {  	_ =	shalt  }
0x6c: {  	_ =	shalt  }
0x6d: {  	_ =	shalt  }
0x6e: {  	_ =	shalt  }
0x6f: {  	_ =	shalt  }
0x70: {  	_ =	shalt  }
0x71: {  	_ =	shalt  }
0x72: {  	_ =	shalt  }
0x73: {  	_ =	shalt  }
0x74: {  	_ =	shalt  }
0x75: {  	_ =	shalt  }
0x76: {  	_ =	shalt  }
0x77: {  	_ =	shalt  }
0x78: {  	_ =	shalt  }
0x79: {  	_ =	shalt  }
0x7a: {  	_ =	shalt  }
0x7b: {  	_ =	shalt  }
0x7c: {  	_ =	shalt  }
0x7d: {  	_ =	shalt  }
0x7e: {  	_ =	shalt  }
0x7f: {  	_ =	shalt  }
0x80: {  	_ =	shalt  }
0x81: {  	_ =	shalt  }
0x82: {  	_ =	shalt  }
0x83: {  	_ =	shalt  }
0x84: {  	_ =	shalt  }
0x85: {  	_ =	shalt  }
0x86: {  	_ =	shalt  }
0x87: {  	_ =	shalt  }
.Lfunc_end0:
.L_simem_size_0:
called_computation_lowered:
.L_overlay_start_0:
0x88: {  	s2 =	sld [smem:$0x3FD9]  }
0x89: {  	s3 =	sld [smem:$0x3FFE];
	_ =	sdelay $0x1  }
0x8a: {  	s1 =	srdreg.scid  }
0x8b: {  	s0 =	sand.u32 $0x1, s1  }
0x8c: {  	s17 =	sshll.u32 s0, $0xA;
	s2 =	sadd.s32 s3, s2  }
0x8d: {  	s2 =	sadd.s32 s2, s17  }
0x8e: {  	[smem:$0x3FC6] =	sst s2  }
0x8f: {  	_ = 	snop  }
0x90: {  	s2 =	sld [smem:$0x3FD0];
	(tm) =	ssettm $0x1  }
0x91: {  	s18 =	sld [smem:$0x3FFB];
	_ =	sdelay $0x3  }
0x92: {  	_ =	strace s18  }
0x93: {  	s3 =	sld [smem:$0x3FFC];
	_ =	sdelay $0x3  }
0x94: {  	_ =	strace s3  }
0x95: {  	s3 =	sld [smem:$0x3FFD];
	_ =	sdelay $0x3  }
0x96: {  	_ =	strace s3  }
0x97: {  	_ =	strace $0x8FFFFFFF  }
0x98: {  	s19 =	sld [smem:$0x3FDB];
	_ =	sdelay $0x1  }
0x99: {  	s4 =	simm.s32 $_scs_section_size  }
0x9a: {  	s5 =	simm.s32 $_size__tile_overlayer_lowered;
	s6 =	simm.s32 $_tile_overlayer_lowered  }
0x9b: {  	s22 =	simm.s32 $0x1BFF;
	s21 =	sshll.u32 s6, $0x1;
	s3 =	sadd.s32 s4, s19  }
0x9c: {  	s7 =	simm.s32 $0x0;
	s20 =	sshll.u32 s5, $0x1;
	s5 =	sadd.s32 s21, s3  }
0x9d: {  	[timem:s7], [sflag:s22] =	dma.local [hbm:s5], s20  }
0x9e: {  	_ =	swait.ge [sflag:s22], s20  }
0x9f: {  	s4 =	ssub.s32 $0x0, s20;
	[sflag:s22] =	ssyncset.done $0x0  }
0xa0: {  	[sflag:s22] =	ssyncadd.s32 s4;
	_ =	sdelay $0x1  }
0xa1: {  	s23 =	simm.s32 $0x1B8B  }
0xa2: {  	_ =	swait.ge [sflag:s23], $0x1  }
0xa3: {  	[sflag:s23] =	ssyncset.done $0x0  }
0xa4: {  	s25 =	simm.s32 $0x1B8E;
	s24 =	sld [smem:$0x3FFE];
	[sflag:s23] =	ssyncadd.s32 $0xFFFFFFFF  }
0xa5: {  	s26 =	simm.s32 $execute0_lowered;
	[smem:$0x3FD2] =	sst s25  }
0xa6: {  	s5 =	sshll.u32 s26, $0x1;
	_ =	strace $0x80000046;
	[dreg:$0x1] =	wrdreg $0xFFFFFFFF  }
0xa7: {  	s28 =	simm.s32 $_size_execute0_lowered;
	s3 =	sadd.s32 s3, s5;
	[dreg:$0x0] =	wrdreg $0x0  }
0xa8: {  	s5 =	sshll.u32 s28, $0x1;
	[dreg:$0x2] =	wrdreg s3  }
0xa9: {  	[dreg:$0x3] =	wrdreg s5  }
0xaa: {  	[dreg:$0x4] =	wrdreg $0xC0  }
0xab: {  	_ =	task [dreg:s7], $0x5FFFF  }
0xac: {  	[dreg:$0x1] =	wrdreg $0xFFFFFFFF  }
0xad: {  	[dreg:$0x0] =	wrdreg $0x60  }
0xae: {  	[dreg:$0x2] =	wrdreg s2  }
0xaf: {  	[dreg:$0x3] =	wrdreg s24  }
0xb0: {  	[dreg:$0x4] =	wrdreg $0x9  }
0xb1: {  	_ =	task.clear_ibuf [dreg:s7], $0x5FFFF;
	_ =	strace $0x90000046  }
0xb2: {  	s29 =	simm.s32 $0x9;
	_ =	strace $0x80000048  }
0xb3: {  	_ =	swait.ge [sflag:s29], $0x1  }
0xb4: {  	[sflag:s29] =	ssyncadd.s32 $0xFFFFFFFF  }
0xb5: {  	_ =	strace $0x90000048  }
0xb6: {  	_ =	sfence  }
0xb7: {  	s30 =	sld [smem:$0x0];
	_ =	sdelay $0x2  }
0xb8: {  	s31 =	sshll.u32 s1, $0xD;
	s1 =	sshrl.u32 s1, $0x2  }
0xb9: {  	s3 =	sand.u32 $0x4000, s31;
	s1 =	sadd.s32 s1, s30  }
0xba: {  	s0 =	sor.u32 s3, s0;
	s1 =	sshll.u32 s1, $0x11  }
0xbb: {  	s0 =	sor.u32 s1, s0  }
0xbc: {  	s0 =	sadd.s32 $0x8F2B, s0  }
0xbd: {  	[sflag:s0] =	ssyncadd.remote.s32 $0x1  }
0xbe: {  	_ =	sfence.sel $0xFFFF  }
0xbf: {  	[dreg:$0x0] =	wrdreg $0xFFFFFFFF;
	(pc) =	sbr.abs _section_cstart, $3  }
0xc0: {  	[dreg:$0x1] =	wrdreg $0xFFFFFFFF  }
0xc1: {  	_ =	task.clear_ibuf [dreg:s7], $0x2FFFF;
	_ =	strace $0x9FFFFFFF  }
0xc2: {  	(tm) =	ssettm $0x7FFFFFFF  }
0xc3: {  	_ =	shalt  }
tec
execute0_lowered:
.L_overlay_start_1:
0x0: {  	(tag) =	ssettag $0x1  }
0x1: {  	s3 =	rddreg [dreg:$0x0]  }
0x2: {  	s4 =	rddreg [dreg:$0x1]  }
0x3: {  	s0 =	rddreg [dreg:$0x2]  }
0x4: {  	s5 =	srdreg.scid;
	s1 =	stileid.u32  }
0x5: {  	s2 =	simm.s32 $0x0;
	s5 =	sand.u32 $0x1, s5;
	s6 =	sshll.u32 s1, $0x1  }
0x6: {  	[smem:$0x7FF] =	sst s2;
	s6 =	sor.u32 s5, s6;
	s5 =	ssub.s32 $0x2, s5  }
0x7: {  	s7 =	sshll.u32 s6, $0xA;
	s8 =	sshrl.u32 s5, $0x1;
	s6 =	smul.u32 $0x500, s6  }
0x8: {  	_ =	strace $0x80000047;
	s4 =	sadd.s32 s7, s4;
	s5 =	ssub.s32 s5, s8  }
0x9: {  	s7 =	simm.s32 $0x2800;
	s8 =	simm.s32 $0x0;
	s3 =	sadd.s32 s3, s6  }
0xa: {  	v0 =	vlaneseq.u32;
	v1 =	vimm.f32 $0.0e+00;
	s4 =	sadd.s32 $0x600, s4;
	s5 =	smax.u32 s5, $0x1;
	s6 =	simm.s32 $0x1  }
.LBB2_1:
0xb: {  	[tilespmem:s2], [sflag:$0x1] =	stream.linear.gather [hbm4b:s3+s2], $0x2800, $0x38;
	[tilespmem:$0x4800] =	vst v63  }
0xc: {  	_ =	swait.ge [sflag:s6], $0x2800  }
0xd: {  	[sflag:s6] =	ssyncset.done $0x0  }
0xe: {  	s9 =	simm.s32 $0x0;
	[sflag:s6] =	ssyncadd.s32 $0xFFFFD800  }
.LBB2_2:
0xf: {  	v2 =	vor.u32 s9, v0  }
0x10: {  	v3 =	vmul.u32 $0x14, v2;
	_ =	sdelay $0x5  }
0x11: {  	v4 =	vld.idx.msk [tilespmem:v3+s2+$0x0], $0xffff;
	_ =	sdelay $0x2  }
0x12: {  	v2 =	vshll.u32 v2, $0x4;
	v5 =	vor.u32 $0x1, v3  }
0x13: {  	v21 =	vor.u32 $0x2, v3;
	v22 =	vor.u32 $0x3, v3;
	v57 =	vadd.s32 $0x4, v3  }
0x14: {  	vm0 =	veq.s32 v4, $0x0;
	vm14 =	veq.s32 v4, $0x1;
	vm1 =	veq.s32 v4, $0x2  }
0x15: {  	vm15 =	veq.s32 v4, $0x3;
	vm4 =	veq.s32 v4, $0x4;
	vm5 =	veq.s32 v4, $0x5  }
0x16: {  	vm6 =	veq.s32 v4, $0x6;
	vm7 =	veq.s32 v4, $0x7;
	vm8 =	veq.s32 v4, $0x8  }
0x17: {  	vm9 =	veq.s32 v4, $0x9;
	vm10 =	veq.s32 v4, $0xA;
	vm11 =	veq.s32 v4, $0xB  }
0x18: {  	v5 =	vld.idx.msk [tilespmem:v5+s2+$0x0], $0xffff;
	vm12 =	veq.s32 v4, $0xC;
	vm13 =	veq.s32 v4, $0xD;
	v6 =	vsel vm0, $0x3F800000, v1  }
0x19: {  	v7 =	vsel vm14, $0x3F800000, v1;
	v8 =	vsel vm1, $0x3F800000, v1;
	v9 =	vsel vm15, $0x3F800000, v1  }
0x1a: {  	v10 =	vsel vm4, $0x3F800000, v1;
	v11 =	vsel vm5, $0x3F800000, v1;
	v12 =	vsel vm6, $0x3F800000, v1  }
0x1b: {  	v13 =	vsel vm7, $0x3F800000, v1;
	v14 =	vsel vm8, $0x3F800000, v1;
	v15 =	vsel vm9, $0x3F800000, v1  }
0x1c: {  	v16 =	vsel vm10, $0x3F800000, v1;
	v17 =	vsel vm11, $0x3F800000, v1;
	v18 =	vsel vm12, $0x3F800000, v1  }
0x1d: {  	vm14 =	veq.s32 v5, $0x0;
	v4 =	vsel vm13, $0x3F800000, v1;
	vm15 =	veq.s32 v5, $0x1  }
0x1e: {  	vm4 =	veq.s32 v5, $0x2;
	vm5 =	veq.s32 v5, $0x3;
	vm6 =	veq.s32 v5, $0x4  }
0x1f: {  	vm7 =	veq.s32 v5, $0x5;
	vm8 =	veq.s32 v5, $0x6;
	vm9 =	veq.s32 v5, $0x7  }
0x20: {  	vm10 =	veq.s32 v5, $0x8;
	vm11 =	veq.s32 v5, $0x9;
	vm12 =	veq.s32 v5, $0xA  }
0x21: {  	v21 =	vld.idx.msk [tilespmem:v21+s2+$0x0], $0xffff;
	vm13 =	veq.s32 v5, $0xB;
	v19 =	vsel vm14, $0x3F800000, v1;
	v26 =	vsel vm15, $0x3F800000, v1  }
0x22: {  	v27 =	vsel vm4, $0x3F800000, v1;
	v20 =	vsel vm5, $0x3F800000, v1;
	v28 =	vsel vm6, $0x3F800000, v1  }
0x23: {  	v29 =	vsel vm7, $0x3F800000, v1;
	v30 =	vsel vm8, $0x3F800000, v1;
	v31 =	vsel vm9, $0x3F800000, v1  }
0x24: {  	v32 =	vsel vm10, $0x3F800000, v1;
	v33 =	vsel vm11, $0x3F800000, v1;
	v34 =	vsel vm12, $0x3F800000, v1  }
0x25: {  	v35 =	vsel vm13, $0x3F800000, v1;
	vm14 =	veq.s32 v5, $0xC;
	vm15 =	veq.s32 v5, $0xD  }
0x26: {  	vm4 =	veq.s32 v21, $0x0;
	vm5 =	veq.s32 v21, $0x1;
	vm6 =	veq.s32 v21, $0x2  }
0x27: {  	vm7 =	veq.s32 v21, $0x3;
	vm8 =	veq.s32 v21, $0x4;
	v6 =	vadd.f32 v19, v6  }
0x28: {  	vm9 =	veq.s32 v21, $0x5;
	v7 =	vadd.f32 v26, v7;
	v8 =	vadd.f32 v27, v8  }
0x29: {  	vm10 =	veq.s32 v21, $0x6;
	v9 =	vadd.f32 v20, v9;
	v10 =	vadd.f32 v28, v10  }
0x2a: {  	vm11 =	veq.s32 v21, $0x7;
	v11 =	vadd.f32 v29, v11;
	v12 =	vadd.f32 v30, v12  }
0x2b: {  	vm12 =	veq.s32 v21, $0x8;
	v13 =	vadd.f32 v31, v13;
	v14 =	vadd.f32 v32, v14  }
0x2c: {  	vm13 =	veq.s32 v21, $0x9;
	v15 =	vadd.f32 v33, v15;
	v16 =	vadd.f32 v34, v16  }
0x2d: {  	v22 =	vld.idx.msk [tilespmem:v22+s2+$0x0], $0xffff;
	v36 =	vsel vm14, $0x3F800000, v1;
	v37 =	vadd.f32 v35, v17;
	v38 =	vsel vm15, $0x3F800000, v1  }
0x2e: {  	v39 =	vsel vm4, $0x3F800000, v1;
	v40 =	vsel vm5, $0x3F800000, v1;
	v41 =	vsel vm6, $0x3F800000, v1  }
0x2f: {  	v42 =	vsel vm7, $0x3F800000, v1;
	v43 =	vsel vm8, $0x3F800000, v1;
	v44 =	vsel vm9, $0x3F800000, v1  }
0x30: {  	v45 =	vsel vm10, $0x3F800000, v1;
	v46 =	vsel vm11, $0x3F800000, v1;
	v47 =	vsel vm12, $0x3F800000, v1  }
0x31: {  	v48 =	vsel vm13, $0x3F800000, v1;
	vm14 =	veq.s32 v21, $0xA;
	vm15 =	veq.s32 v21, $0xB  }
0x32: {  	vm4 =	veq.s32 v21, $0xC;
	vm5 =	veq.s32 v21, $0xD;
	vm6 =	veq.s32 v22, $0x0  }
0x33: {  	vm7 =	veq.s32 v22, $0x1;
	vm8 =	veq.s32 v22, $0x2;
	vm9 =	veq.s32 v22, $0x3  }
0x34: {  	vm10 =	veq.s32 v22, $0x4;
	vm11 =	veq.s32 v22, $0x5;
	vm12 =	veq.s32 v22, $0x6  }
0x35: {  	vm13 =	veq.s32 v22, $0x7;
	v29 =	vadd.s32 $0x5, v3;
	v18 =	vadd.f32 v36, v18  }
0x36: {  	v4 =	vadd.f32 v38, v4;
	v49 =	vsel vm14, $0x3F800000, v1;
	v50 =	vsel vm15, $0x3F800000, v1  }
0x37: {  	v51 =	vsel vm4, $0x3F800000, v1;
	v52 =	vsel vm5, $0x3F800000, v1;
	v53 =	vsel vm6, $0x3F800000, v1  }
0x38: {  	v54 =	vsel vm7, $0x3F800000, v1;
	v55 =	vsel vm8, $0x3F800000, v1;
	v56 =	vsel vm9, $0x3F800000, v1  }
0x39: {  	v58 =	vsel vm10, $0x3F800000, v1;
	v59 =	vsel vm11, $0x3F800000, v1;
	v60 =	vsel vm12, $0x3F800000, v1  }
0x3a: {  	v61 =	vsel vm13, $0x3F800000, v1;
	vm14 =	veq.s32 v22, $0x8;
	v6 =	vadd.f32 v39, v6  }
0x3b: {  	vm15 =	veq.s32 v22, $0x9;
	v7 =	vadd.f32 v40, v7;
	v8 =	vadd.f32 v41, v8  }
0x3c: {  	vm4 =	veq.s32 v22, $0xA;
	v9 =	vadd.f32 v42, v9;
	v10 =	vadd.f32 v43, v10  }
0x3d: {  	vm5 =	veq.s32 v22, $0xB;
	v11 =	vadd.f32 v44, v11;
	v12 =	vadd.f32 v45, v12  }
0x3e: {  	vm6 =	veq.s32 v22, $0xC;
	v13 =	vadd.f32 v46, v13;
	v14 =	vadd.f32 v47, v14  }
0x3f: {  	vm7 =	veq.s32 v22, $0xD;
	v15 =	vadd.f32 v48, v15;
	v16 =	vadd.f32 v49, v16  }
0x40: {  	v5 =	vadd.f32 v50, v37;
	v62 =	vsel vm14, $0x3F800000, v1;
	v18 =	vadd.f32 v51, v18  }
0x41: {  	v63 =	vsel vm15, $0x3F800000, v1;
	v4 =	vadd.f32 v52, v4;
	v6 =	vadd.f32 v53, v6  }
0x42: {  	v20 =	vsel vm4, $0x3F800000, v1;
	v7 =	vadd.f32 v54, v7;
	v8 =	vadd.f32 v55, v8  }
0x43: {  	v19 =	vld.idx.msk [tilespmem:v57+s2+$0x0], $0xffff;
	v21 =	vsel vm5, $0x3F800000, v1;
	v9 =	vadd.f32 v56, v9;
	v10 =	vadd.f32 v58, v10  }
0x44: {  	v23 =	vsel vm6, $0x3F800000, v1;
	v11 =	vadd.f32 v59, v11;
	v12 =	vadd.f32 v60, v12  }
0x45: {  	v24 =	vsel vm7, $0x3F800000, v1;
	v13 =	vadd.f32 v61, v13;
	v14 =	vadd.f32 v62, v14  }
0x46: {  	v43 =	vadd.s32 $0x6, v3;
	v15 =	vadd.f32 v63, v15;
	v16 =	vadd.f32 v20, v16  }
0x47: {  	v5 =	vadd.f32 v21, v5;
	v58 =	vadd.s32 $0x7, v3;
	v17 =	vadd.f32 v23, v18  }
0x48: {  	vm8 =	veq.s32 v19, $0x0;
	v4 =	vadd.f32 v24, v4;
	vm9 =	veq.s32 v19, $0x1  }
0x49: {  	vm10 =	veq.s32 v19, $0x2;
	vm11 =	veq.s32 v19, $0x3;
	vm12 =	veq.s32 v19, $0x4  }
0x4a: {  	vm13 =	veq.s32 v19, $0x5;
	vm14 =	veq.s32 v19, $0x6;
	vm15 =	veq.s32 v19, $0x7  }
0x4b: {  	vm4 =	veq.s32 v19, $0x8;
	vm5 =	veq.s32 v19, $0x9;
	vm6 =	veq.s32 v19, $0xA  }
0x4c: {  	vm7 =	veq.s32 v19, $0xB;
	v25 =	vsel vm8, $0x3F800000, v1;
	v26 =	vsel vm9, $0x3F800000, v1  }
0x4d: {  	v27 =	vsel vm10, $0x3F800000, v1;
	v28 =	vsel vm11, $0x3F800000, v1;
	v30 =	vsel vm12, $0x3F800000, v1  }
0x4e: {  	v31 =	vsel vm13, $0x3F800000, v1;
	v32 =	vsel vm14, $0x3F800000, v1;
	v33 =	vsel vm15, $0x3F800000, v1  }
0x4f: {  	v34 =	vsel vm4, $0x3F800000, v1;
	v35 =	vsel vm5, $0x3F800000, v1;
	v6 =	vadd.f32 v25, v6  }
0x50: {  	v36 =	vsel vm6, $0x3F800000, v1;
	v7 =	vadd.f32 v26, v7;
	v8 =	vadd.f32 v27, v8  }
0x51: {  	v21 =	vld.idx.msk [tilespmem:v29+s2+$0x0], $0xffff;
	v37 =	vsel vm7, $0x3F800000, v1;
	v9 =	vadd.f32 v28, v9;
	v10 =	vadd.f32 v30, v10  }
0x52: {  	vm8 =	veq.s32 v19, $0xC;
	v11 =	vadd.f32 v31, v11;
	v12 =	vadd.f32 v32, v12  }
0x53: {  	vm9 =	veq.s32 v19, $0xD;
	v13 =	vadd.f32 v33, v13;
	v14 =	vadd.f32 v34, v14  }
0x54: {  	v15 =	vadd.f32 v35, v15;
	v16 =	vadd.f32 v36, v16;
	v38 =	vsel vm8, $0x3F800000, v1  }
0x55: {  	v5 =	vadd.f32 v37, v5;
	v19 =	vsel vm9, $0x3F800000, v1;
	v31 =	vadd.s32 $0x8, v3  }
0x56: {  	v17 =	vadd.f32 v38, v17;
	v4 =	vadd.f32 v19, v4;
	vm10 =	veq.s32 v21, $0x0  }
0x57: {  	vm11 =	veq.s32 v21, $0x1;
	vm12 =	veq.s32 v21, $0x2;
	vm13 =	veq.s32 v21, $0x3  }
0x58: {  	vm14 =	veq.s32 v21, $0x4;
	vm15 =	veq.s32 v21, $0x5;
	vm4 =	veq.s32 v21, $0x6  }
0x59: {  	vm5 =	veq.s32 v21, $0x7;
	vm6 =	veq.s32 v21, $0x8;
	vm7 =	veq.s32 v21, $0x9  }
0x5a: {  	vm8 =	veq.s32 v21, $0xA;
	vm9 =	veq.s32 v21, $0xB;
	v39 =	vsel vm10, $0x3F800000, v1  }
0x5b: {  	v40 =	vsel vm11, $0x3F800000, v1;
	v41 =	vsel vm12, $0x3F800000, v1;
	v42 =	vsel vm13, $0x3F800000, v1  }
0x5c: {  	v44 =	vsel vm14, $0x3F800000, v1;
	v45 =	vsel vm15, $0x3F800000, v1;
	v46 =	vsel vm4, $0x3F800000, v1  }
0x5d: {  	v47 =	vsel vm5, $0x3F800000, v1;
	v48 =	vsel vm6, $0x3F800000, v1;
	v49 =	vsel vm7, $0x3F800000, v1  }
0x5e: {  	v22 =	vld.idx.msk [tilespmem:v43+s2+$0x0], $0xffff;
	v50 =	vsel vm8, $0x3F800000, v1;
	v6 =	vadd.f32 v39, v6;
	v7 =	vadd.f32 v40, v7  }
0x5f: {  	v51 =	vsel vm9, $0x3F800000, v1;
	v8 =	vadd.f32 v41, v8;
	v9 =	vadd.f32 v42, v9  }
0x60: {  	vm10 =	veq.s32 v21, $0xC;
	v10 =	vadd.f32 v44, v10;
	v11 =	vadd.f32 v45, v11  }
0x61: {  	vm11 =	veq.s32 v21, $0xD;
	v12 =	vadd.f32 v46, v12;
	v13 =	vadd.f32 v47, v13  }
0x62: {  	v14 =	vadd.f32 v48, v14;
	v15 =	vadd.f32 v49, v15;
	v52 =	vsel vm10, $0x3F800000, v1  }
0x63: {  	v16 =	vadd.f32 v50, v16;
	v53 =	vsel vm11, $0x3F800000, v1;
	vm12 =	veq.s32 v22, $0x0  }
0x64: {  	v5 =	vadd.f32 v51, v5;
	vm13 =	veq.s32 v22, $0x1;
	vm14 =	veq.s32 v22, $0x2  }
0x65: {  	vm15 =	veq.s32 v22, $0x3;
	vm4 =	veq.s32 v22, $0x4;
	vm5 =	veq.s32 v22, $0x5  }
0x66: {  	vm6 =	veq.s32 v22, $0x6;
	vm7 =	veq.s32 v22, $0x7;
	vm8 =	veq.s32 v22, $0x8  }
0x67: {  	vm9 =	veq.s32 v22, $0x9;
	vm10 =	veq.s32 v22, $0xA;
	vm11 =	veq.s32 v22, $0xB  }
0x68: {  	v45 =	vadd.s32 $0x9, v3;
	v54 =	vsel vm12, $0x3F800000, v1;
	v17 =	vadd.f32 v52, v17  }
0x69: {  	v55 =	vsel vm13, $0x3F800000, v1;
	v4 =	vadd.f32 v53, v4;
	v56 =	vsel vm14, $0x3F800000, v1  }
0x6a: {  	v57 =	vsel vm15, $0x3F800000, v1;
	v59 =	vsel vm4, $0x3F800000, v1;
	v60 =	vsel vm5, $0x3F800000, v1  }
0x6b: {  	v61 =	vsel vm6, $0x3F800000, v1;
	v62 =	vsel vm7, $0x3F800000, v1;
	v63 =	vsel vm8, $0x3F800000, v1  }
0x6c: {  	v21 =	vsel vm9, $0x3F800000, v1;
	v6 =	vadd.f32 v54, v6;
	v7 =	vadd.f32 v55, v7  }
0x6d: {  	v19 =	vld.idx.msk [tilespmem:v58+s2+$0x0], $0xffff;
	v23 =	vsel vm10, $0x3F800000, v1;
	v8 =	vadd.f32 v56, v8;
	v9 =	vadd.f32 v57, v9  }
0x6e: {  	v24 =	vsel vm11, $0x3F800000, v1;
	v10 =	vadd.f32 v59, v10;
	v11 =	vadd.f32 v60, v11  }
0x6f: {  	vm12 =	veq.s32 v22, $0xC;
	v12 =	vadd.f32 v61, v12;
	v13 =	vadd.f32 v62, v13  }
0x70: {  	vm13 =	veq.s32 v22, $0xD;
	v14 =	vadd.f32 v63, v14;
	v15 =	vadd.f32 v21, v15  }
0x71: {  	v16 =	vadd.f32 v23, v16;
	v5 =	vadd.f32 v24, v5;
	v25 =	vsel vm12, $0x3F800000, v1  }
0x72: {  	v26 =	vsel vm13, $0x3F800000, v1;
	vm14 =	veq.s32 v19, $0x0;
	vm15 =	veq.s32 v19, $0x1  }
0x73: {  	vm4 =	veq.s32 v19, $0x2;
	vm5 =	veq.s32 v19, $0x3;
	vm6 =	veq.s32 v19, $0x4  }
0x74: {  	vm7 =	veq.s32 v19, $0x5;
	vm8 =	veq.s32 v19, $0x6;
	vm9 =	veq.s32 v19, $0x7  }
0x75: {  	vm10 =	veq.s32 v19, $0x8;
	vm11 =	veq.s32 v19, $0x9;
	vm12 =	veq.s32 v19, $0xA  }
0x76: {  	vm13 =	veq.s32 v19, $0xB;
	v60 =	vadd.s32 $0xA, v3;
	v17 =	vadd.f32 v25, v17  }
0x77: {  	v4 =	vadd.f32 v26, v4;
	v27 =	vsel vm14, $0x3F800000, v1;
	v28 =	vsel vm15, $0x3F800000, v1  }
0x78: {  	v29 =	vsel vm4, $0x3F800000, v1;
	v30 =	vsel vm5, $0x3F800000, v1;
	v32 =	vsel vm6, $0x3F800000, v1  }
0x79: {  	v33 =	vsel vm7, $0x3F800000, v1;
	v34 =	vsel vm8, $0x3F800000, v1;
	v35 =	vsel vm9, $0x3F800000, v1  }
0x7a: {  	v36 =	vsel vm10, $0x3F800000, v1;
	v37 =	vsel vm11, $0x3F800000, v1;
	v6 =	vadd.f32 v27, v6  }
0x7b: {  	v38 =	vsel vm12, $0x3F800000, v1;
	v7 =	vadd.f32 v28, v7;
	v8 =	vadd.f32 v29, v8  }
0x7c: {  	v21 =	vld.idx.msk [tilespmem:v31+s2+$0x0], $0xffff;
	v39 =	vsel vm13, $0x3F800000, v1;
	v9 =	vadd.f32 v30, v9;
	v10 =	vadd.f32 v32, v10  }
0x7d: {  	vm14 =	veq.s32 v19, $0xC;
	v11 =	vadd.f32 v33, v11;
	v12 =	vadd.f32 v34, v12  }
0x7e: {  	vm15 =	veq.s32 v19, $0xD;
	v13 =	vadd.f32 v35, v13;
	v14 =	vadd.f32 v36, v14  }
0x7f: {  	v15 =	vadd.f32 v37, v15;
	v16 =	vadd.f32 v38, v16;
	v40 =	vsel vm14, $0x3F800000, v1  }
0x80: {  	v5 =	vadd.f32 v39, v5;
	v19 =	vsel vm15, $0x3F800000, v1;
	v33 =	vadd.s32 $0xB, v3  }
0x81: {  	v17 =	vadd.f32 v40, v17;
	v4 =	vadd.f32 v19, v4;
	vm4 =	veq.s32 v21, $0x0  }
0x82: {  	vm5 =	veq.s32 v21, $0x1;
	vm6 =	veq.s32 v21, $0x2;
	vm7 =	veq.s32 v21, $0x3  }
0x83: {  	vm8 =	veq.s32 v21, $0x4;
	vm9 =	veq.s32 v21, $0x5;
	vm10 =	veq.s32 v21, $0x6  }
0x84: {  	vm11 =	veq.s32 v21, $0x7;
	vm12 =	veq.s32 v21, $0x8;
	vm13 =	veq.s32 v21, $0x9  }
0x85: {  	vm14 =	veq.s32 v21, $0xA;
	vm15 =	veq.s32 v21, $0xB;
	v41 =	vsel vm4, $0x3F800000, v1  }
0x86: {  	v42 =	vsel vm5, $0x3F800000, v1;
	v43 =	vsel vm6, $0x3F800000, v1;
	v44 =	vsel vm7, $0x3F800000, v1  }
0x87: {  	v46 =	vsel vm8, $0x3F800000, v1;
	v47 =	vsel vm9, $0x3F800000, v1;
	v48 =	vsel vm10, $0x3F800000, v1  }
0x88: {  	v49 =	vsel vm11, $0x3F800000, v1;
	v50 =	vsel vm12, $0x3F800000, v1;
	v51 =	vsel vm13, $0x3F800000, v1  }
0x89: {  	v52 =	vsel vm14, $0x3F800000, v1;
	v6 =	vadd.f32 v41, v6;
	v7 =	vadd.f32 v42, v7  }
0x8a: {  	v22 =	vld.idx.msk [tilespmem:v45+s2+$0x0], $0xffff;
	v53 =	vsel vm15, $0x3F800000, v1;
	v8 =	vadd.f32 v43, v8;
	v9 =	vadd.f32 v44, v9  }
0x8b: {  	vm4 =	veq.s32 v21, $0xC;
	v10 =	vadd.f32 v46, v10;
	v11 =	vadd.f32 v47, v11  }
0x8c: {  	vm5 =	veq.s32 v21, $0xD;
	v12 =	vadd.f32 v48, v12;
	v13 =	vadd.f32 v49, v13  }
0x8d: {  	v14 =	vadd.f32 v50, v14;
	v15 =	vadd.f32 v51, v15;
	v54 =	vsel vm4, $0x3F800000, v1  }
0x8e: {  	v16 =	vadd.f32 v52, v16;
	v55 =	vsel vm5, $0x3F800000, v1;
	v5 =	vadd.f32 v53, v5  }
0x8f: {  	v47 =	vadd.s32 $0xC, v3;
	vm6 =	veq.s32 v22, $0x0;
	vm7 =	veq.s32 v22, $0x1  }
0x90: {  	v17 =	vadd.f32 v54, v17;
	vm8 =	veq.s32 v22, $0x2;
	v4 =	vadd.f32 v55, v4  }
0x91: {  	vm9 =	veq.s32 v22, $0x3;
	vm10 =	veq.s32 v22, $0x4;
	vm11 =	veq.s32 v22, $0x5  }
0x92: {  	vm12 =	veq.s32 v22, $0x6;
	vm13 =	veq.s32 v22, $0x7;
	vm14 =	veq.s32 v22, $0x8  }
0x93: {  	vm15 =	veq.s32 v22, $0x9;
	vm4 =	veq.s32 v22, $0xA;
	vm5 =	veq.s32 v22, $0xB  }
0x94: {  	v56 =	vsel vm6, $0x3F800000, v1;
	v57 =	vsel vm7, $0x3F800000, v1;
	v58 =	vsel vm8, $0x3F800000, v1  }
0x95: {  	v59 =	vsel vm9, $0x3F800000, v1;
	v61 =	vsel vm10, $0x3F800000, v1;
	v62 =	vsel vm11, $0x3F800000, v1  }
0x96: {  	v63 =	vsel vm12, $0x3F800000, v1;
	v21 =	vsel vm13, $0x3F800000, v1;
	v23 =	vsel vm14, $0x3F800000, v1  }
0x97: {  	v24 =	vsel vm15, $0x3F800000, v1;
	v6 =	vadd.f32 v56, v6;
	v7 =	vadd.f32 v57, v7  }
0x98: {  	v19 =	vld.idx.msk [tilespmem:v60+s2+$0x0], $0xffff;
	v25 =	vsel vm4, $0x3F800000, v1;
	v8 =	vadd.f32 v58, v8;
	v9 =	vadd.f32 v59, v9  }
0x99: {  	v26 =	vsel vm5, $0x3F800000, v1;
	v10 =	vadd.f32 v61, v10;
	v11 =	vadd.f32 v62, v11  }
0x9a: {  	vm6 =	veq.s32 v22, $0xC;
	v12 =	vadd.f32 v63, v12;
	v13 =	vadd.f32 v21, v13  }
0x9b: {  	vm7 =	veq.s32 v22, $0xD;
	v14 =	vadd.f32 v23, v14;
	v15 =	vadd.f32 v24, v15  }
0x9c: {  	v16 =	vadd.f32 v25, v16;
	v5 =	vadd.f32 v26, v5;
	v27 =	vsel vm6, $0x3F800000, v1  }
0x9d: {  	v28 =	vsel vm7, $0x3F800000, v1;
	vm8 =	veq.s32 v19, $0x0;
	vm9 =	veq.s32 v19, $0x1  }
0x9e: {  	vm10 =	veq.s32 v19, $0x2;
	vm11 =	veq.s32 v19, $0x3;
	vm12 =	veq.s32 v19, $0x4  }
0x9f: {  	vm13 =	veq.s32 v19, $0x5;
	vm14 =	veq.s32 v19, $0x6;
	vm15 =	veq.s32 v19, $0x7  }
0xa0: {  	vm4 =	veq.s32 v19, $0x8;
	vm5 =	veq.s32 v19, $0x9;
	vm6 =	veq.s32 v19, $0xA  }
0xa1: {  	vm7 =	veq.s32 v19, $0xB;
	v62 =	vadd.s32 $0xD, v3;
	v17 =	vadd.f32 v27, v17  }
0xa2: {  	v4 =	vadd.f32 v28, v4;
	v29 =	vsel vm8, $0x3F800000, v1;
	v30 =	vsel vm9, $0x3F800000, v1  }
0xa3: {  	v31 =	vsel vm10, $0x3F800000, v1;
	v32 =	vsel vm11, $0x3F800000, v1;
	v34 =	vsel vm12, $0x3F800000, v1  }
0xa4: {  	v35 =	vsel vm13, $0x3F800000, v1;
	v36 =	vsel vm14, $0x3F800000, v1;
	v37 =	vsel vm15, $0x3F800000, v1  }
0xa5: {  	v38 =	vsel vm4, $0x3F800000, v1;
	v39 =	vsel vm5, $0x3F800000, v1;
	v6 =	vadd.f32 v29, v6  }
0xa6: {  	v40 =	vsel vm6, $0x3F800000, v1;
	v7 =	vadd.f32 v30, v7;
	v8 =	vadd.f32 v31, v8  }
0xa7: {  	v21 =	vld.idx.msk [tilespmem:v33+s2+$0x0], $0xffff;
	v41 =	vsel vm7, $0x3F800000, v1;
	v9 =	vadd.f32 v32, v9;
	v10 =	vadd.f32 v34, v10  }
0xa8: {  	vm8 =	veq.s32 v19, $0xC;
	v11 =	vadd.f32 v35, v11;
	v12 =	vadd.f32 v36, v12  }
0xa9: {  	vm9 =	veq.s32 v19, $0xD;
	v13 =	vadd.f32 v37, v13;
	v14 =	vadd.f32 v38, v14  }
0xaa: {  	v15 =	vadd.f32 v39, v15;
	v16 =	vadd.f32 v40, v16;
	v42 =	vsel vm8, $0x3F800000, v1  }
0xab: {  	v5 =	vadd.f32 v41, v5;
	v19 =	vsel vm9, $0x3F800000, v1;
	v35 =	vadd.s32 $0xE, v3  }
0xac: {  	v17 =	vadd.f32 v42, v17;
	v4 =	vadd.f32 v19, v4;
	vm10 =	veq.s32 v21, $0x0  }
0xad: {  	vm11 =	veq.s32 v21, $0x1;
	vm12 =	veq.s32 v21, $0x2;
	vm13 =	veq.s32 v21, $0x3  }
0xae: {  	vm14 =	veq.s32 v21, $0x4;
	vm15 =	veq.s32 v21, $0x5;
	vm4 =	veq.s32 v21, $0x6  }
0xaf: {  	vm5 =	veq.s32 v21, $0x7;
	vm6 =	veq.s32 v21, $0x8;
	vm7 =	veq.s32 v21, $0x9  }
0xb0: {  	vm8 =	veq.s32 v21, $0xA;
	vm9 =	veq.s32 v21, $0xB;
	v43 =	vsel vm10, $0x3F800000, v1  }
0xb1: {  	v44 =	vsel vm11, $0x3F800000, v1;
	v45 =	vsel vm12, $0x3F800000, v1;
	v46 =	vsel vm13, $0x3F800000, v1  }
0xb2: {  	v48 =	vsel vm14, $0x3F800000, v1;
	v49 =	vsel vm15, $0x3F800000, v1;
	v50 =	vsel vm4, $0x3F800000, v1  }
0xb3: {  	v51 =	vsel vm5, $0x3F800000, v1;
	v52 =	vsel vm6, $0x3F800000, v1;
	v53 =	vsel vm7, $0x3F800000, v1  }
0xb4: {  	v22 =	vld.idx.msk [tilespmem:v47+s2+$0x0], $0xffff;
	v54 =	vsel vm8, $0x3F800000, v1;
	v6 =	vadd.f32 v43, v6;
	v7 =	vadd.f32 v44, v7  }
0xb5: {  	v55 =	vsel vm9, $0x3F800000, v1;
	v8 =	vadd.f32 v45, v8;
	v9 =	vadd.f32 v46, v9  }
0xb6: {  	vm10 =	veq.s32 v21, $0xC;
	v10 =	vadd.f32 v48, v10;
	v11 =	vadd.f32 v49, v11  }
0xb7: {  	vm11 =	veq.s32 v21, $0xD;
	v12 =	vadd.f32 v50, v12;
	v13 =	vadd.f32 v51, v13  }
0xb8: {  	v14 =	vadd.f32 v52, v14;
	v15 =	vadd.f32 v53, v15;
	v56 =	vsel vm10, $0x3F800000, v1  }
0xb9: {  	v16 =	vadd.f32 v54, v16;
	v57 =	vsel vm11, $0x3F800000, v1;
	vm12 =	veq.s32 v22, $0x0  }
0xba: {  	v5 =	vadd.f32 v55, v5;
	vm13 =	veq.s32 v22, $0x1;
	vm14 =	veq.s32 v22, $0x2  }
0xbb: {  	vm15 =	veq.s32 v22, $0x3;
	vm4 =	veq.s32 v22, $0x4;
	vm5 =	veq.s32 v22, $0x5  }
0xbc: {  	vm6 =	veq.s32 v22, $0x6;
	vm7 =	veq.s32 v22, $0x7;
	vm8 =	veq.s32 v22, $0x8  }
0xbd: {  	vm9 =	veq.s32 v22, $0x9;
	vm10 =	veq.s32 v22, $0xA;
	vm11 =	veq.s32 v22, $0xB  }
0xbe: {  	v49 =	vadd.s32 $0xF, v3;
	v58 =	vsel vm12, $0x3F800000, v1;
	v17 =	vadd.f32 v56, v17  }
0xbf: {  	v59 =	vsel vm13, $0x3F800000, v1;
	v4 =	vadd.f32 v57, v4;
	v60 =	vsel vm14, $0x3F800000, v1  }
0xc0: {  	v61 =	vsel vm15, $0x3F800000, v1;
	v63 =	vsel vm4, $0x3F800000, v1;
	v21 =	vsel vm5, $0x3F800000, v1  }
0xc1: {  	v23 =	vsel vm6, $0x3F800000, v1;
	v24 =	vsel vm7, $0x3F800000, v1;
	v25 =	vsel vm8, $0x3F800000, v1  }
0xc2: {  	v26 =	vsel vm9, $0x3F800000, v1;
	v6 =	vadd.f32 v58, v6;
	v7 =	vadd.f32 v59, v7  }
0xc3: {  	v19 =	vld.idx.msk [tilespmem:v62+s2+$0x0], $0xffff;
	v27 =	vsel vm10, $0x3F800000, v1;
	v8 =	vadd.f32 v60, v8;
	v9 =	vadd.f32 v61, v9  }
0xc4: {  	v28 =	vsel vm11, $0x3F800000, v1;
	v10 =	vadd.f32 v63, v10;
	v11 =	vadd.f32 v21, v11  }
0xc5: {  	vm12 =	veq.s32 v22, $0xC;
	v12 =	vadd.f32 v23, v12;
	v13 =	vadd.f32 v24, v13  }
0xc6: {  	vm13 =	veq.s32 v22, $0xD;
	v14 =	vadd.f32 v25, v14;
	v15 =	vadd.f32 v26, v15  }
0xc7: {  	v16 =	vadd.f32 v27, v16;
	v5 =	vadd.f32 v28, v5;
	v29 =	vsel vm12, $0x3F800000, v1  }
0xc8: {  	v30 =	vsel vm13, $0x3F800000, v1;
	v17 =	vadd.f32 v29, v17;
	vm14 =	veq.s32 v19, $0x0  }
0xc9: {  	v4 =	vadd.f32 v30, v4;
	vm15 =	veq.s32 v19, $0x1;
	vm4 =	veq.s32 v19, $0x2  }
0xca: {  	vm5 =	veq.s32 v19, $0x3;
	vm6 =	veq.s32 v19, $0x4;
	vm7 =	veq.s32 v19, $0x5  }
0xcb: {  	vm8 =	veq.s32 v19, $0x6;
	vm9 =	veq.s32 v19, $0x7;
	vm10 =	veq.s32 v19, $0x8  }
0xcc: {  	vm11 =	veq.s32 v19, $0x9;
	vm12 =	veq.s32 v19, $0xA;
	vm13 =	veq.s32 v19, $0xB  }
0xcd: {  	v31 =	vsel vm14, $0x3F800000, v1;
	v32 =	vsel vm15, $0x3F800000, v1;
	v33 =	vsel vm4, $0x3F800000, v1  }
0xce: {  	v34 =	vsel vm5, $0x3F800000, v1;
	v36 =	vsel vm6, $0x3F800000, v1;
	v37 =	vsel vm7, $0x3F800000, v1  }
0xcf: {  	v38 =	vsel vm8, $0x3F800000, v1;
	v39 =	vsel vm9, $0x3F800000, v1;
	v40 =	vsel vm10, $0x3F800000, v1  }
0xd0: {  	v41 =	vsel vm11, $0x3F800000, v1;
	v6 =	vadd.f32 v31, v6;
	v7 =	vadd.f32 v32, v7  }
0xd1: {  	v42 =	vsel vm12, $0x3F800000, v1;
	v8 =	vadd.f32 v33, v8;
	v9 =	vadd.f32 v34, v9  }
0xd2: {  	v21 =	vld.idx.msk [tilespmem:v35+s2+$0x0], $0xffff;
	v43 =	vsel vm13, $0x3F800000, v1;
	v10 =	vadd.f32 v36, v10;
	v11 =	vadd.f32 v37, v11  }
0xd3: {  	vm14 =	veq.s32 v19, $0xC;
	v12 =	vadd.f32 v38, v12;
	v13 =	vadd.f32 v39, v13  }
0xd4: {  	vm15 =	veq.s32 v19, $0xD;
	v14 =	vadd.f32 v40, v14;
	v15 =	vadd.f32 v41, v15  }
0xd5: {  	v16 =	vadd.f32 v42, v16;
	v44 =	vsel vm14, $0x3F800000, v1;
	v5 =	vadd.f32 v43, v5  }
0xd6: {  	v19 =	vsel vm15, $0x3F800000, v1;
	v37 =	vadd.s32 $0x11, v3;
	v17 =	vadd.f32 v44, v17  }
0xd7: {  	v4 =	vadd.f32 v19, v4;
	vm4 =	veq.s32 v21, $0x0;
	vm5 =	veq.s32 v21, $0x1  }
0xd8: {  	vm6 =	veq.s32 v21, $0x2;
	vm7 =	veq.s32 v21, $0x3;
	vm8 =	veq.s32 v21, $0x4  }
0xd9: {  	vm9 =	veq.s32 v21, $0x5;
	vm10 =	veq.s32 v21, $0x6;
	vm11 =	veq.s32 v21, $0x7  }
0xda: {  	vm12 =	veq.s32 v21, $0x8;
	vm13 =	veq.s32 v21, $0x9;
	vm14 =	veq.s32 v21, $0xA  }
0xdb: {  	vm15 =	veq.s32 v21, $0xB;
	v45 =	vsel vm4, $0x3F800000, v1;
	v46 =	vsel vm5, $0x3F800000, v1  }
0xdc: {  	v47 =	vsel vm6, $0x3F800000, v1;
	v48 =	vsel vm7, $0x3F800000, v1;
	v50 =	vsel vm8, $0x3F800000, v1  }
0xdd: {  	v51 =	vsel vm9, $0x3F800000, v1;
	v52 =	vsel vm10, $0x3F800000, v1;
	v53 =	vsel vm11, $0x3F800000, v1  }
0xde: {  	v54 =	vsel vm12, $0x3F800000, v1;
	v55 =	vsel vm13, $0x3F800000, v1;
	v56 =	vsel vm14, $0x3F800000, v1  }
0xdf: {  	v57 =	vsel vm15, $0x3F800000, v1;
	v6 =	vadd.f32 v45, v6;
	v7 =	vadd.f32 v46, v7  }
0xe0: {  	v22 =	vld.idx.msk [tilespmem:v49+s2+$0x0], $0xffff;
	vm4 =	veq.s32 v21, $0xC;
	v8 =	vadd.f32 v47, v8;
	v9 =	vadd.f32 v48, v9  }
0xe1: {  	vm5 =	veq.s32 v21, $0xD;
	v10 =	vadd.f32 v50, v10;
	v11 =	vadd.f32 v51, v11  }
0xe2: {  	v21 =	vadd.s32 $0x10, v3;
	v12 =	vadd.f32 v52, v12;
	v13 =	vadd.f32 v53, v13  }
0xe3: {  	v14 =	vadd.f32 v54, v14;
	v15 =	vadd.f32 v55, v15;
	v58 =	vsel vm4, $0x3F800000, v1  }
0xe4: {  	v16 =	vadd.f32 v56, v16;
	v59 =	vsel vm5, $0x3F800000, v1;
	v5 =	vadd.f32 v57, v5  }
0xe5: {  	v51 =	vadd.s32 $0x12, v3;
	v3 =	vadd.s32 $0x13, v3;
	vm6 =	veq.s32 v22, $0x0  }
0xe6: {  	vm7 =	veq.s32 v22, $0x1;
	v17 =	vadd.f32 v58, v17;
	vm8 =	veq.s32 v22, $0x2  }
0xe7: {  	v4 =	vadd.f32 v59, v4;
	vm9 =	veq.s32 v22, $0x3;
	vm10 =	veq.s32 v22, $0x4  }
0xe8: {  	vm11 =	veq.s32 v22, $0x5;
	vm12 =	veq.s32 v22, $0x6;
	vm13 =	veq.s32 v22, $0x7  }
0xe9: {  	vm14 =	veq.s32 v22, $0x8;
	vm15 =	veq.s32 v22, $0x9;
	vm4 =	veq.s32 v22, $0xA  }
0xea: {  	vm5 =	veq.s32 v22, $0xB;
	v60 =	vsel vm6, $0x3F800000, v1;
	v61 =	vsel vm7, $0x3F800000, v1  }
0xeb: {  	v62 =	vsel vm8, $0x3F800000, v1;
	v63 =	vsel vm9, $0x3F800000, v1;
	v23 =	vsel vm10, $0x3F800000, v1  }
0xec: {  	v24 =	vsel vm11, $0x3F800000, v1;
	v25 =	vsel vm12, $0x3F800000, v1;
	v26 =	vsel vm13, $0x3F800000, v1  }
0xed: {  	v27 =	vsel vm14, $0x3F800000, v1;
	v28 =	vsel vm15, $0x3F800000, v1;
	v6 =	vadd.f32 v60, v6  }
0xee: {  	v29 =	vsel vm4, $0x3F800000, v1;
	v7 =	vadd.f32 v61, v7;
	v8 =	vadd.f32 v62, v8  }
0xef: {  	v30 =	vsel vm5, $0x3F800000, v1;
	v9 =	vadd.f32 v63, v9;
	v10 =	vadd.f32 v23, v10;
	v19 =	vld.idx.msk [tilespmem:v21+s2+$0x0], $0xffff  }
0xf0: {  	vm6 =	veq.s32 v22, $0xC;
	v11 =	vadd.f32 v24, v11;
	v12 =	vadd.f32 v25, v12  }
0xf1: {  	vm7 =	veq.s32 v22, $0xD;
	v13 =	vadd.f32 v26, v13;
	v14 =	vadd.f32 v27, v14  }
0xf2: {  	v15 =	vadd.f32 v28, v15;
	v16 =	vadd.f32 v29, v16;
	v31 =	vsel vm6, $0x3F800000, v1  }
0xf3: {  	v5 =	vadd.f32 v30, v5;
	v32 =	vsel vm7, $0x3F800000, v1;
	v17 =	vadd.f32 v31, v17  }
0xf4: {  	v4 =	vadd.f32 v32, v4;
	vm8 =	veq.s32 v19, $0x0;
	vm9 =	veq.s32 v19, $0x1  }
0xf5: {  	vm10 =	veq.s32 v19, $0x2;
	vm11 =	veq.s32 v19, $0x3;
	vm12 =	veq.s32 v19, $0x4  }
0xf6: {  	vm13 =	veq.s32 v19, $0x5;
	vm14 =	veq.s32 v19, $0x6;
	vm15 =	veq.s32 v19, $0x7  }
0xf7: {  	vm4 =	veq.s32 v19, $0x8;
	vm5 =	veq.s32 v19, $0x9;
	vm6 =	veq.s32 v19, $0xA  }
0xf8: {  	v21 =	vld.idx.msk [tilespmem:v37+s2+$0x0], $0xffff;
	vm7 =	veq.s32 v19, $0xB;
	v33 =	vsel vm8, $0x3F800000, v1;
	v34 =	vsel vm9, $0x3F800000, v1  }
0xf9: {  	v35 =	vsel vm10, $0x3F800000, v1;
	v36 =	vsel vm11, $0x3F800000, v1;
	v38 =	vsel vm12, $0x3F800000, v1  }
0xfa: {  	v39 =	vsel vm13, $0x3F800000, v1;
	v40 =	vsel vm14, $0x3F800000, v1;
	v41 =	vsel vm15, $0x3F800000, v1  }
0xfb: {  	v42 =	vsel vm4, $0x3F800000, v1;
	v43 =	vsel vm5, $0x3F800000, v1;
	v44 =	vsel vm6, $0x3F800000, v1  }
0xfc: {  	v45 =	vsel vm7, $0x3F800000, v1;
	vm8 =	veq.s32 v19, $0xC;
	vm9 =	veq.s32 v19, $0xD  }
0xfd: {  	vm10 =	veq.s32 v21, $0x0;
	vm11 =	veq.s32 v21, $0x1;
	vm12 =	veq.s32 v21, $0x2  }
0xfe: {  	vm13 =	veq.s32 v21, $0x3;
	vm14 =	veq.s32 v21, $0x4;
	v6 =	vadd.f32 v33, v6  }
0xff: {  	vm15 =	veq.s32 v21, $0x5;
	v7 =	vadd.f32 v34, v7;
	v8 =	vadd.f32 v35, v8  }
0x100: {  	vm4 =	veq.s32 v21, $0x6;
	v9 =	vadd.f32 v36, v9;
	v10 =	vadd.f32 v38, v10  }
0x101: {  	vm5 =	veq.s32 v21, $0x7;
	v11 =	vadd.f32 v39, v11;
	v12 =	vadd.f32 v40, v12  }
0x102: {  	vm6 =	veq.s32 v21, $0x8;
	v13 =	vadd.f32 v41, v13;
	v14 =	vadd.f32 v42, v14  }
0x103: {  	vm7 =	veq.s32 v21, $0x9;
	v15 =	vadd.f32 v43, v15;
	v16 =	vadd.f32 v44, v16  }
0x104: {  	v22 =	vld.idx.msk [tilespmem:v51+s2+$0x0], $0xffff;
	v46 =	vsel vm8, $0x3F800000, v1;
	v5 =	vadd.f32 v45, v5;
	v19 =	vsel vm9, $0x3F800000, v1  }
0x105: {  	v47 =	vsel vm10, $0x3F800000, v1;
	v48 =	vsel vm11, $0x3F800000, v1;
	v49 =	vsel vm12, $0x3F800000, v1  }
0x106: {  	v50 =	vsel vm13, $0x3F800000, v1;
	v52 =	vsel vm14, $0x3F800000, v1;
	v53 =	vsel vm15, $0x3F800000, v1  }
0x107: {  	v54 =	vsel vm4, $0x3F800000, v1;
	v55 =	vsel vm5, $0x3F800000, v1;
	v56 =	vsel vm6, $0x3F800000, v1  }
0x108: {  	v57 =	vsel vm7, $0x3F800000, v1;
	vm8 =	veq.s32 v21, $0xA;
	vm9 =	veq.s32 v21, $0xB  }
0x109: {  	vm10 =	veq.s32 v21, $0xC;
	vm11 =	veq.s32 v21, $0xD;
	vm12 =	veq.s32 v22, $0x0  }
0x10a: {  	vm13 =	veq.s32 v22, $0x1;
	vm14 =	veq.s32 v22, $0x2;
	vm15 =	veq.s32 v22, $0x3  }
0x10b: {  	vm4 =	veq.s32 v22, $0x4;
	vm5 =	veq.s32 v22, $0x5;
	vm6 =	veq.s32 v22, $0x6  }
0x10c: {  	vm7 =	veq.s32 v22, $0x7;
	v38 =	vor.u32 $0x1, v2;
	v40 =	vor.u32 $0x2, v2  }
0x10d: {  	v42 =	vor.u32 $0x3, v2;
	v43 =	vor.u32 $0x4, v2;
	v45 =	vor.u32 $0x5, v2  }
0x10e: {  	v17 =	vadd.f32 v46, v17;
	v4 =	vadd.f32 v19, v4;
	v58 =	vsel vm8, $0x3F800000, v1  }
0x10f: {  	v3 =	vld.idx.msk [tilespmem:v3+s2+$0x0], $0xffff;
	v59 =	vsel vm9, $0x3F800000, v1;
	v60 =	vsel vm10, $0x3F800000, v1;
	v61 =	vsel vm11, $0x3F800000, v1  }
0x110: {  	v62 =	vsel vm12, $0x3F800000, v1;
	v63 =	vsel vm13, $0x3F800000, v1;
	v21 =	vsel vm14, $0x3F800000, v1  }
0x111: {  	v23 =	vsel vm15, $0x3F800000, v1;
	v24 =	vsel vm4, $0x3F800000, v1;
	v25 =	vsel vm5, $0x3F800000, v1  }
0x112: {  	v26 =	vsel vm6, $0x3F800000, v1;
	v27 =	vsel vm7, $0x3F800000, v1;
	vm8 =	veq.s32 v22, $0x8  }
0x113: {  	vm9 =	veq.s32 v22, $0x9;
	vm10 =	veq.s32 v22, $0xA;
	vm11 =	veq.s32 v22, $0xB  }
0x114: {  	vm12 =	veq.s32 v22, $0xC;
	vm13 =	veq.s32 v22, $0xD;
	vm14 =	veq.s32 v3, $0x0  }
0x115: {  	vm15 =	veq.s32 v3, $0x1;
	v6 =	vadd.f32 v47, v6;
	v7 =	vadd.f32 v48, v7  }
0x116: {  	vm4 =	veq.s32 v3, $0x2;
	v8 =	vadd.f32 v49, v8;
	v9 =	vadd.f32 v50, v9  }
0x117: {  	vm5 =	veq.s32 v3, $0x3;
	v10 =	vadd.f32 v52, v10;
	v11 =	vadd.f32 v53, v11  }
0x118: {  	vm6 =	veq.s32 v3, $0x4;
	v12 =	vadd.f32 v54, v12;
	v13 =	vadd.f32 v55, v13  }
0x119: {  	vm7 =	veq.s32 v3, $0x5;
	v14 =	vadd.f32 v56, v14;
	v15 =	vadd.f32 v57, v15  }
0x11a: {  	v16 =	vadd.f32 v58, v16;
	v5 =	vadd.f32 v59, v5;
	v28 =	vsel vm8, $0x3F800000, v1  }
0x11b: {  	v29 =	vsel vm9, $0x3F800000, v1;
	v30 =	vsel vm10, $0x3F800000, v1;
	v31 =	vsel vm11, $0x3F800000, v1  }
0x11c: {  	v32 =	vsel vm12, $0x3F800000, v1;
	v33 =	vsel vm13, $0x3F800000, v1;
	v34 =	vsel vm14, $0x3F800000, v1  }
0x11d: {  	v35 =	vsel vm15, $0x3F800000, v1;
	v36 =	vsel vm4, $0x3F800000, v1;
	v37 =	vsel vm5, $0x3F800000, v1  }
0x11e: {  	v39 =	vsel vm6, $0x3F800000, v1;
	v41 =	vsel vm7, $0x3F800000, v1;
	vm8 =	veq.s32 v3, $0x6  }
0x11f: {  	vm9 =	veq.s32 v3, $0x7;
	v48 =	vor.u32 $0x6, v2;
	vm10 =	veq.s32 v3, $0x8  }
0x120: {  	v50 =	vor.u32 $0x7, v2;
	vm11 =	veq.s32 v3, $0x9;
	v52 =	vor.u32 $0x8, v2  }
0x121: {  	v54 =	vor.u32 $0x9, v2;
	vm12 =	veq.s32 v3, $0xA;
	v55 =	vor.u32 $0xA, v2  }
0x122: {  	vm13 =	veq.s32 v3, $0xB;
	v17 =	vadd.f32 v60, v17;
	v6 =	vadd.f32 v62, v6  }
0x123: {  	v57 =	vor.u32 $0xB, v2;
	v4 =	vadd.f32 v61, v4;
	v7 =	vadd.f32 v63, v7  }
0x124: {  	v59 =	vor.u32 $0xC, v2;
	v8 =	vadd.f32 v21, v8;
	v6 =	vadd.f32 v34, v6  }
0x125: {  	vm14 =	veq.s32 v3, $0xC;
	v9 =	vadd.f32 v23, v9;
	v7 =	vadd.f32 v35, v7  }
0x126: {  	vm15 =	veq.s32 v3, $0xD;
	v10 =	vadd.f32 v24, v10;
	v8 =	vadd.f32 v36, v8;
	[tilespmem:v2+s7+$0x0] =	vst.idx.msk $0xffff, v6  }
0x127: {  	v3 =	vor.u32 $0xE, v2;
	v11 =	vadd.f32 v25, v11;
	v9 =	vadd.f32 v37, v9;
	[tilespmem:v38+s7+$0x0] =	vst.idx.msk $0xffff, v7  }
0x128: {  	v44 =	vsel vm8, $0x3F800000, v1;
	v12 =	vadd.f32 v26, v12;
	v10 =	vadd.f32 v39, v10;
	[tilespmem:v40+s7+$0x0] =	vst.idx.msk $0xffff, v8  }
0x129: {  	v47 =	vsel vm9, $0x3F800000, v1;
	v13 =	vadd.f32 v27, v13;
	v11 =	vadd.f32 v41, v11;
	[tilespmem:v42+s7+$0x0] =	vst.idx.msk $0xffff, v9  }
0x12a: {  	v51 =	vsel vm10, $0x3F800000, v1;
	v14 =	vadd.f32 v28, v14;
	v46 =	vadd.f32 v44, v12;
	[tilespmem:v43+s7+$0x0] =	vst.idx.msk $0xffff, v10  }
0x12b: {  	v53 =	vsel vm11, $0x3F800000, v1;
	v15 =	vadd.f32 v29, v15;
	v49 =	vadd.f32 v47, v13;
	[tilespmem:v45+s7+$0x0] =	vst.idx.msk $0xffff, v11  }
0x12c: {  	v56 =	vsel vm12, $0x3F800000, v1;
	v16 =	vadd.f32 v30, v16;
	v9 =	vadd.f32 v51, v14;
	[tilespmem:v48+s7+$0x0] =	vst.idx.msk $0xffff, v46  }
0x12d: {  	v58 =	vsel vm13, $0x3F800000, v1;
	v5 =	vadd.f32 v31, v5;
	v14 =	vadd.f32 v53, v15;
	[tilespmem:v50+s7+$0x0] =	vst.idx.msk $0xffff, v49  }
0x12e: {  	v60 =	vor.u32 $0xD, v2;
	v17 =	vadd.f32 v32, v17;
	v11 =	vadd.f32 v56, v16;
	[tilespmem:v52+s7+$0x0] =	vst.idx.msk $0xffff, v9  }
0x12f: {  	v61 =	vsel vm14, $0x3F800000, v1;
	v4 =	vadd.f32 v33, v4;
	v5 =	vadd.f32 v58, v5;
	[tilespmem:v54+s7+$0x0] =	vst.idx.msk $0xffff, v14  }
0x130: {  	p0 =	sne.s32 s9, $0x1F0;
	v63 =	vsel vm15, $0x3F800000, v1;
	v62 =	vadd.f32 v61, v17;
	v2 =	vor.u32 $0xF, v2;
	[tilespmem:v55+s7+$0x0] =	vst.idx.msk $0xffff, v11  }
.Ltmp0:
0x131: {  	v4 =	vadd.f32 v63, v4;
	[tilespmem:v57+s7+$0x0] =	vst.idx.msk $0xffff, v5;
	(pc) =	sbr.rel @p0 .LBB2_2-.Ltmp0, $4  }
0x132: {  	[tilespmem:v59+s7+$0x0] =	vst.idx.msk $0xffff, v62  }
0x133: {  	[tilespmem:v60+s7+$0x0] =	vst.idx.msk $0xffff, v4  }
0x134: {  	[tilespmem:v3+s7+$0x0] =	vst.idx.msk $0xffff, v1  }
0x135: {  	s9 =	sadd.s32 $0x10, s9;
	[tilespmem:v2+s7+$0x0] =	vst.idx.msk $0xffff, v1  }
0x136: {  	s8 =	sadd.s32 $0x1, s8  }
0x137: {  	p0 =	sne.s32 s8, s5  }
.Ltmp1:
0x138: {  	_ = 	snop;
	(pc) =	sbr.rel @p0 .LBB2_1-.Ltmp1, $4  }
0x139: {  	[hbm4b:s4+s2] =	stream.linear.scatter [tilespmem:s7], [sflag:$0x1], $0x2000, $0x38;
	[tilespmem:$0x4800] =	vst v63  }
0x13a: {  	_ =	swait.ge [sflag:s6], $0x2000  }
0x13b: {  	[sflag:s6] =	ssyncset.done $0x0  }
0x13c: {  	[sflag:s6] =	ssyncadd.s32 $0xFFFFE000  }
0x13d: {  	_ =	sfence.sel $0x180000  }
0x13e: {  	[bflag:$0x0] =	sbarrier.arrive $0xFFFF  }
0x13f: {  	p0 =	sne.s32 s1, $0x0;
	_ =	strace $0x90000047  }
0x140: {  	s0 =	sadd.s32 @!p0 $0x100000, s0;
	[bflag:$0x2] =	sbarrier.arrive $0xFFFF  }
0x141: {  	[sflag:s0] =	ssyncadd.tile.s32 @!p0 $0x1;
	_ =	shalt  }
.Lfunc_end2:
_tile_overlayer_lowered:
.L_overlay_start_2:
0x142: {  	(tag) =	ssettag $0x2  }
0x143: {  	s0 =	rddreg [dreg:$0x0];
	s2 =	stileid.u32  }
0x144: {  	s1 =	rddreg [dreg:$0x1];
	p0 =	sne.s32 s2, $0x0  }
0x145: {  	s3 =	rddreg [dreg:$0x2];
	[bflag:$0x3] =	sbarrier.arrive $0xFFFF;
	s2 =	simm.s32 @!p0 $0x1C01  }
0x146: {  	[timem:s3], [sflag:s2] =	dma.local @!p0 [hbm:s0], s1  }
0x147: {  	s0 =	simm.s32 @!p0 $0x1  }
0x148: {  	_ =	swait.ge @!p0 [sflag:s0], s1  }
0x149: {  	s1 =	ssub.s32 @!p0 $0x0, s1;
	[sflag:s0] =	ssyncset.done @!p0 $0x0  }
0x14a: {  	[sflag:s0] =	ssyncadd.s32 @!p0 s1  }
0x14b: {  	[bflag:$0x3] =	sbarrier.arrive $0xFFFF  }
0x14c: {  	_ =	shalt  }

</sc_bundles>
